<compile_context>
chip_gen: v7x
topology: tpu7x:2x2x1
jax: 0.10.2.dev20260603
libtpu: 0.0.44.dev20260713+nightly
codegen_flags: <defaults>
</compile_context>

<pallas_src>
import functools
import math

import jax
import jax.numpy as jnp
from jax import lax
from jax.experimental import pallas as pl
from jax.experimental.pallas import tpu as pltpu
from jax.experimental.pallas import tpu_sc as plsc

DIM = 128
MAX_LEN = 200
VOCAB = 15
VOCAB_PAD = 16
SEQ_LEN = 200
BATCH = 4096
SCALE = math.sqrt(DIM)

NUM_CORES = 2
NUM_SUBCORES = 16
NUM_WORKERS = NUM_CORES * NUM_SUBCORES

FLAT = BATCH * SEQ_LEN
PER_WORKER = FLAT // NUM_WORKERS
K = 64
N_STEPS = PER_WORKER // K
NBUF = 8

TAB_ROWS = MAX_LEN * VOCAB_PAD


def _table_body(tok_ref, pos_ref, out_ref):
    tok = tok_ref[...] * SCALE
    pos = pos_ref[...]
    out_ref[...] = tok[None, :, :] + pos[:, None, :]


def _build_table(tok_pad, pos):
    return pl.pallas_call(
        _table_body,
        out_shape=jax.ShapeDtypeStruct((MAX_LEN, VOCAB_PAD, DIM), jnp.float32),
    )(tok_pad, pos)


def _sc_body(x_hbm, fused_hbm, out_hbm, xv, shared_tab, *bufs):
    idx = bufs[0:NBUF]
    rows = bufs[NBUF:2 * NBUF]
    gsem = bufs[2 * NBUF:3 * NBUF]
    ssem = bufs[3 * NBUF:4 * NBUF]
    xsem = bufs[4 * NBUF]

    sid = lax.axis_index("s")
    wid = sid * NUM_CORES + lax.axis_index("c")
    base = wid * PER_WORKER

    pltpu.async_copy(x_hbm.at[pl.ds(base, PER_WORKER)], xv, xsem)

    tab_rows = TAB_ROWS // NUM_SUBCORES
    pltpu.sync_copy(fused_hbm.at[pl.ds(sid * tab_rows, tab_rows)],
                    shared_tab.at[pl.ds(sid * tab_rows, tab_rows)])

    pltpu.make_async_copy(x_hbm.at[pl.ds(base, PER_WORKER)], xv, xsem).wait()
    plsc.subcore_barrier()

    iota16 = lax.iota(jnp.int32, 16)

    def fill_idx(b, step):
        for jj in range(K // 16):
            n = step * K + jj * 16 + iota16
            spos = lax.rem(n, jnp.int32(SEQ_LEN))
            xval = xv[pl.ds(step * K + jj * 16, 16)]
            idx[b][pl.ds(jj * 16, 16)] = spos * VOCAB_PAD + xval

    def start_gather(b):
        pltpu.async_copy(shared_tab.at[idx[b]], rows[b], gsem[b])

    def wait_gather(b):
        pltpu.make_async_copy(shared_tab.at[idx[b]], rows[b], gsem[b]).wait()

    def start_store(b, step):
        pltpu.async_copy(rows[b], out_hbm.at[pl.ds(base + step * K, K)], ssem[b])

    def wait_store(b, step):
        pltpu.make_async_copy(
            rows[b], out_hbm.at[pl.ds(base + step * K, K)], ssem[b]).wait()

    for b in range(NBUF):
        fill_idx(b, jnp.int32(b))
        start_gather(b)

    def group(g, carry):
        for b in range(NBUF):
            s = g * NBUF + b
            wait_gather(b)
            start_store(b, s)
        for b in range(NBUF):
            s = g * NBUF + b
            wait_store(b, s)
            fill_idx(b, s + NBUF)
            start_gather(b)
        return carry

    n_groups = N_STEPS // NBUF
    lax.fori_loop(0, n_groups - 1, group, jnp.int32(0))

    g = jnp.int32(n_groups - 1)
    for b in range(NBUF):
        s = g * NBUF + b
        wait_gather(b)
        start_store(b, s)
    for b in range(NBUF):
        s = g * NBUF + b
        wait_store(b, s)


def _sc_gather(x_flat, fused_flat):
    mesh = plsc.VectorSubcoreMesh(core_axis_name="c", subcore_axis_name="s",
                                  num_cores=NUM_CORES)
    scratch = (
        [pltpu.VMEM((PER_WORKER,), jnp.int32)]
        + [pltpu.VMEM_SHARED((TAB_ROWS, DIM), jnp.float32)]
        + [pltpu.VMEM((K,), jnp.int32) for _ in range(NBUF)]
        + [pltpu.VMEM((K, DIM), jnp.float32) for _ in range(NBUF)]
        + [pltpu.SemaphoreType.DMA for _ in range(2 * NBUF + 1)]
    )
    run = functools.partial(
        pl.kernel,
        mesh=mesh,
        out_type=jax.ShapeDtypeStruct((FLAT, DIM), jnp.float32),
        scratch_types=scratch,
    )(_sc_body)
    return run(x_flat, fused_flat)


def kernel(x, token_embedding, position_embedding):
    tok_pad = jnp.pad(token_embedding, ((0, VOCAB_PAD - VOCAB), (0, 0)))
    fused = _build_table(tok_pad, position_embedding)
    fused_flat = fused.reshape(TAB_ROWS, DIM)
    out_flat = _sc_gather(x.reshape(FLAT), fused_flat)
    return out_flat.reshape(BATCH, SEQ_LEN, DIM)

# --- scband reference (transcript-rebuilt; emitter-appended) ---
"""Pipeline reference for scband-embedding-51874615001410 (READ-ONLY COPY).

The authoritative reference and input builder live on the scoring server;
editing this copy changes nothing except your own understanding.
"""

import jax, jax.numpy as jnp
import numpy as np
import math

DIM = 128
MAX_LEN = 200
VOCAB = 15
BATCH = 4096
SEQ_LEN = 200


def setup_inputs(seed: int = 0) -> dict:
    key = jax.random.key(seed)
    k1, k2, k3 = jax.random.split(key, 3)
    x = jax.random.randint(k1, (BATCH, SEQ_LEN), 0, VOCAB, dtype=jnp.int32)
    token_embedding = jax.random.normal(k2, (VOCAB, DIM), dtype=jnp.float32)
    position_embedding = jax.random.normal(k3, (MAX_LEN, DIM), dtype=jnp.float32)
    return {"x": x, "token_embedding": token_embedding, "position_embedding": position_embedding}


def reference(x, token_embedding, position_embedding):
    batch_size, seq_len = x.shape
    positions = jnp.arange(seq_len, dtype=jnp.int32)
    tok = jnp.take(token_embedding, x, axis=0) * math.sqrt(DIM)
    pos = jnp.take(position_embedding, positions, axis=0)[None, :, :]
    out = tok + pos
    return out

if __name__ == "__main__":
    import jax
    _d = setup_inputs()
    print(jax.jit(kernel)(*tuple(_d.values())))

</pallas_src>

<mosaic_0001>
#map = affine_map<(d0, d1) -> (0)>
#map1 = affine_map<(d0, d1) -> (0, 0)>
module attributes {stable_mosaic.version = 14 : i64} {
  func.func @_sc_body(%arg0: i32, %arg1: i32, %arg2: memref<819200xi32, #tpu.memory_space<hbm>>, %arg3: memref<3200x128xf32, #tpu.memory_space<hbm>>, %arg4: memref<819200x128xf32, #tpu.memory_space<hbm>>, %arg5: memref<25600xi32, #tpu.memory_space<vmem>>, %arg6: memref<3200x128xf32, #tpu.memory_space<vmem_shared>>, %arg7: memref<64xi32, #tpu.memory_space<vmem>>, %arg8: memref<64xi32, #tpu.memory_space<vmem>>, %arg9: memref<64xi32, #tpu.memory_space<vmem>>, %arg10: memref<64xi32, #tpu.memory_space<vmem>>, %arg11: memref<64xi32, #tpu.memory_space<vmem>>, %arg12: memref<64xi32, #tpu.memory_space<vmem>>, %arg13: memref<64xi32, #tpu.memory_space<vmem>>, %arg14: memref<64xi32, #tpu.memory_space<vmem>>, %arg15: memref<64x128xf32, #tpu.memory_space<vmem>>, %arg16: memref<64x128xf32, #tpu.memory_space<vmem>>, %arg17: memref<64x128xf32, #tpu.memory_space<vmem>>, %arg18: memref<64x128xf32, #tpu.memory_space<vmem>>, %arg19: memref<64x128xf32, #tpu.memory_space<vmem>>, %arg20: memref<64x128xf32, #tpu.memory_space<vmem>>, %arg21: memref<64x128xf32, #tpu.memory_space<vmem>>, %arg22: memref<64x128xf32, #tpu.memory_space<vmem>>, %arg23: memref<!tpu.dma_semaphore, #tpu.memory_space<semaphore_mem>>, %arg24: memref<!tpu.dma_semaphore, #tpu.memory_space<semaphore_mem>>, %arg25: memref<!tpu.dma_semaphore, #tpu.memory_space<semaphore_mem>>, %arg26: memref<!tpu.dma_semaphore, #tpu.memory_space<semaphore_mem>>, %arg27: memref<!tpu.dma_semaphore, #tpu.memory_space<semaphore_mem>>, %arg28: memref<!tpu.dma_semaphore, #tpu.memory_space<semaphore_mem>>, %arg29: memref<!tpu.dma_semaphore, #tpu.memory_space<semaphore_mem>>, %arg30: memref<!tpu.dma_semaphore, #tpu.memory_space<semaphore_mem>>, %arg31: memref<!tpu.dma_semaphore, #tpu.memory_space<semaphore_mem>>, %arg32: memref<!tpu.dma_semaphore, #tpu.memory_space<semaphore_mem>>, %arg33: memref<!tpu.dma_semaphore, #tpu.memory_space<semaphore_mem>>, %arg34: memref<!tpu.dma_semaphore, #tpu.memory_space<semaphore_mem>>, %arg35: memref<!tpu.dma_semaphore, #tpu.memory_space<semaphore_mem>>, %arg36: memref<!tpu.dma_semaphore, #tpu.memory_space<semaphore_mem>>, %arg37: memref<!tpu.dma_semaphore, #tpu.memory_space<semaphore_mem>>, %arg38: memref<!tpu.dma_semaphore, #tpu.memory_space<semaphore_mem>>, %arg39: memref<!tpu.dma_semaphore, #tpu.memory_space<semaphore_mem>>) attributes {dimension_semantics = [#tpu.dimension_semantics<core_parallel>, #tpu.dimension_semantics<subcore_parallel>], iteration_bounds = array<i64: 2, 16>, scalar_prefetch = 0 : i64, scratch_operands = 35 : i64, tpu.core_type = #tpu.core_type<sc_vector_subcore>, window_params = [{transform_indices = #map}, {transform_indices = #map1}, {transform_indices = #map1}]} {
    %mul3A = arith.constant 2 : i32
    %mul3A_0 = arith.muli %arg1, %mul3A : i32
    %add3A = arith.addi %mul3A_0, %arg0 : i32
    %mul3A_1 = arith.constant 25600 : i32
    %mul3A_2 = arith.muli %add3A, %mul3A_1 : i32
    %dma_start3A = tpu.memref_slice %arg2[%mul3A_2] : memref<819200xi32, #tpu.memory_space<hbm>> -> memref<25600xi32, #tpu.memory_space<hbm>>
    %dma_start3A_3 = tpu.memref_slice %arg2[%mul3A_2] : memref<819200xi32, #tpu.memory_space<hbm>> -> memref<25600xi32, #tpu.memory_space<hbm>>
    tpu.enqueue_dma source(%dma_start3A_3 : memref<25600xi32, #tpu.memory_space<hbm>>) target(%arg5 : memref<25600xi32, #tpu.memory_space<vmem>>) target_semaphore(%arg39 : memref<!tpu.dma_semaphore, #tpu.memory_space<semaphore_mem>>)
    %mul3A_4 = arith.constant 200 : i32
    %mul3A_5 = arith.muli %arg1, %mul3A_4 : i32
    %mul3A_6 = arith.constant 200 : i32
    %mul3A_7 = arith.muli %arg1, %mul3A_6 : i32
    "tpu.region"() ({
      %run_scoped3A = tpu.sem_alloc : memref<!tpu.dma_semaphore, #tpu.memory_space<semaphore_mem>>
      %dma_start3A_1083 = arith.constant 0 : i32
      %dma_start3A_1084 = tpu.memref_slice %arg6[%mul3A_7, %dma_start3A_1083] : memref<3200x128xf32, #tpu.memory_space<vmem_shared>> -> memref<200x128xf32, #tpu.memory_space<vmem_shared>>
      %dma_start3A_1085 = arith.constant 0 : i32
      %dma_start3A_1086 = tpu.memref_slice %arg3[%mul3A_5, %dma_start3A_1085] : memref<3200x128xf32, #tpu.memory_space<hbm>> -> memref<200x128xf32, #tpu.memory_space<hbm>>
      tpu.enqueue_dma source(%dma_start3A_1086 : memref<200x128xf32, #tpu.memory_space<hbm>>) target(%dma_start3A_1084 : memref<200x128xf32, #tpu.memory_space<vmem_shared>>) target_semaphore(%run_scoped3A : memref<!tpu.dma_semaphore, #tpu.memory_space<semaphore_mem>>)
      %dma_wait3A_1087 = arith.constant 0 : i32
      %dma_wait3A_1088 = tpu.memref_slice %arg6[%mul3A_7, %dma_wait3A_1087] : memref<3200x128xf32, #tpu.memory_space<vmem_shared>> -> memref<200x128xf32, #tpu.memory_space<vmem_shared>>
      %dma_wait3A_1089 = arith.constant 0 : i32
      %dma_wait3A_1090 = tpu.memref_slice %arg3[%mul3A_5, %dma_wait3A_1089] : memref<3200x128xf32, #tpu.memory_space<hbm>> -> memref<200x128xf32, #tpu.memory_space<hbm>>
      tpu.wait_dma2 semaphore(%run_scoped3A : memref<!tpu.dma_semaphore, #tpu.memory_space<semaphore_mem>>) src(%dma_wait3A_1090 : memref<200x128xf32, #tpu.memory_space<hbm>>) dst(%dma_wait3A_1088 : memref<200x128xf32, #tpu.memory_space<vmem_shared>>)
      tpu.yield
    }) : () -> ()
    %dma_wait3A = tpu.memref_slice %arg2[%mul3A_2] : memref<819200xi32, #tpu.memory_space<hbm>> -> memref<25600xi32, #tpu.memory_space<hbm>>
    %dma_wait3A_8 = tpu.memref_slice %arg2[%mul3A_2] : memref<819200xi32, #tpu.memory_space<hbm>> -> memref<25600xi32, #tpu.memory_space<hbm>>
    tpu.wait_dma2 semaphore(%arg39 : memref<!tpu.dma_semaphore, #tpu.memory_space<semaphore_mem>>) src(%dma_wait3A_8 : memref<25600xi32, #tpu.memory_space<hbm>>) dst(%arg5 : memref<25600xi32, #tpu.memory_space<vmem>>)
    %barrier3A = arith.constant 0 : index
    tpu.barrier barrier_id(%barrier3A)
    %iota3A = tpu.iota {dimensions = array<i32: 0>} : vector<16xi32>
    %mul3A_9 = arith.constant 0 : i32
    %mul3A_10 = arith.constant 64 : i32
    %mul3A_11 = arith.muli %mul3A_9, %mul3A_10 : i32
    %add3A_12 = arith.constant 0 : i32
    %add3A_13 = arith.addi %mul3A_11, %add3A_12 : i32
    %add3A_14 = vector.broadcast %add3A_13 : i32 to vector<16xi32>
    %add3A_15 = arith.addi %add3A_14, %iota3A : vector<16xi32>
    %rem3A = arith.constant 200 : i32
    %rem3A_16 = vector.broadcast %rem3A : i32 to vector<16xi32>
    %rem3A_17 = arith.remsi %add3A_15, %rem3A_16 : vector<16xi32>
    %mul3A_18 = arith.constant 0 : i32
    %mul3A_19 = arith.constant 64 : i32
    %mul3A_20 = arith.muli %mul3A_18, %mul3A_19 : i32
    %add3A_21 = arith.constant 0 : i32
    %add3A_22 = arith.addi %mul3A_20, %add3A_21 : i32
    %get3A = arith.index_cast %add3A_22 : i32 to index
    %get3A_23 = tpu.vector_load %arg5[%get3A] {strides = array<i32>} : memref<25600xi32, #tpu.memory_space<vmem>>, vector<16xi32>,
    %get3A_24 = vector.shape_cast %get3A_23 : vector<16xi32> to vector<16xi32>
    %mul3A_25 = arith.constant 16 : i32
    %mul3A_26 = vector.broadcast %mul3A_25 : i32 to vector<16xi32>
    %mul3A_27 = arith.muli %rem3A_17, %mul3A_26 : vector<16xi32>
    %add3A_28 = arith.addi %mul3A_27, %get3A_24 : vector<16xi32>
    %swap3A = arith.constant 0 : index
    %swap3A_29 = tpu.vector_load %arg7[%swap3A] {strides = array<i32>} : memref<64xi32, #tpu.memory_space<vmem>>, vector<16xi32>,
    %swap3A_30 = vector.shape_cast %swap3A_29 : vector<16xi32> to vector<16xi32>
    %swap3A_31 = vector.shape_cast %add3A_28 : vector<16xi32> to vector<16xi32>
    tpu.vector_store %arg7[%swap3A], %swap3A_31 {strides = array<i32>} : memref<64xi32, #tpu.memory_space<vmem>>, vector<16xi32>,
    %mul3A_32 = arith.constant 0 : i32
    %mul3A_33 = arith.constant 64 : i32
    %mul3A_34 = arith.muli %mul3A_32, %mul3A_33 : i32
    %add3A_35 = arith.constant 16 : i32
    %add3A_36 = arith.addi %mul3A_34, %add3A_35 : i32
    %add3A_37 = vector.broadcast %add3A_36 : i32 to vector<16xi32>
    %add3A_38 = arith.addi %add3A_37, %iota3A : vector<16xi32>
    %rem3A_39 = arith.constant 200 : i32
    %rem3A_40 = vector.broadcast %rem3A_39 : i32 to vector<16xi32>
    %rem3A_41 = arith.remsi %add3A_38, %rem3A_40 : vector<16xi32>
    %mul3A_42 = arith.constant 0 : i32
    %mul3A_43 = arith.constant 64 : i32
    %mul3A_44 = arith.muli %mul3A_42, %mul3A_43 : i32
    %add3A_45 = arith.constant 16 : i32
    %add3A_46 = arith.addi %mul3A_44, %add3A_45 : i32
    %get3A_47 = arith.index_cast %add3A_46 : i32 to index
    %get3A_48 = tpu.vector_load %arg5[%get3A_47] {strides = array<i32>} : memref<25600xi32, #tpu.memory_space<vmem>>, vector<16xi32>,
    %get3A_49 = vector.shape_cast %get3A_48 : vector<16xi32> to vector<16xi32>
    %mul3A_50 = arith.constant 16 : i32
    %mul3A_51 = vector.broadcast %mul3A_50 : i32 to vector<16xi32>
    %mul3A_52 = arith.muli %rem3A_41, %mul3A_51 : vector<16xi32>
    %add3A_53 = arith.addi %mul3A_52, %get3A_49 : vector<16xi32>
    %swap3A_54 = arith.constant 16 : index
    %swap3A_55 = tpu.vector_load %arg7[%swap3A_54] {strides = array<i32>} : memref<64xi32, #tpu.memory_space<vmem>>, vector<16xi32>,
    %swap3A_56 = vector.shape_cast %swap3A_55 : vector<16xi32> to vector<16xi32>
    %swap3A_57 = vector.shape_cast %add3A_53 : vector<16xi32> to vector<16xi32>
    tpu.vector_store %arg7[%swap3A_54], %swap3A_57 {strides = array<i32>} : memref<64xi32, #tpu.memory_space<vmem>>, vector<16xi32>,
    %mul3A_58 = arith.constant 0 : i32
    %mul3A_59 = arith.constant 64 : i32
    %mul3A_60 = arith.muli %mul3A_58, %mul3A_59 : i32
    %add3A_61 = arith.constant 32 : i32
    %add3A_62 = arith.addi %mul3A_60, %add3A_61 : i32
    %add3A_63 = vector.broadcast %add3A_62 : i32 to vector<16xi32>
    %add3A_64 = arith.addi %add3A_63, %iota3A : vector<16xi32>
    %rem3A_65 = arith.constant 200 : i32
    %rem3A_66 = vector.broadcast %rem3A_65 : i32 to vector<16xi32>
    %rem3A_67 = arith.remsi %add3A_64, %rem3A_66 : vector<16xi32>
    %mul3A_68 = arith.constant 0 : i32
    %mul3A_69 = arith.constant 64 : i32
    %mul3A_70 = arith.muli %mul3A_68, %mul3A_69 : i32
    %add3A_71 = arith.constant 32 : i32
    %add3A_72 = arith.addi %mul3A_70, %add3A_71 : i32
    %get3A_73 = arith.index_cast %add3A_72 : i32 to index
    %get3A_74 = tpu.vector_load %arg5[%get3A_73] {strides = array<i32>} : memref<25600xi32, #tpu.memory_space<vmem>>, vector<16xi32>,
    %get3A_75 = vector.shape_cast %get3A_74 : vector<16xi32> to vector<16xi32>
    %mul3A_76 = arith.constant 16 : i32
    %mul3A_77 = vector.broadcast %mul3A_76 : i32 to vector<16xi32>
    %mul3A_78 = arith.muli %rem3A_67, %mul3A_77 : vector<16xi32>
    %add3A_79 = arith.addi %mul3A_78, %get3A_75 : vector<16xi32>
    %swap3A_80 = arith.constant 32 : index
    %swap3A_81 = tpu.vector_load %arg7[%swap3A_80] {strides = array<i32>} : memref<64xi32, #tpu.memory_space<vmem>>, vector<16xi32>,
    %swap3A_82 = vector.shape_cast %swap3A_81 : vector<16xi32> to vector<16xi32>
    %swap3A_83 = vector.shape_cast %add3A_79 : vector<16xi32> to vector<16xi32>
    tpu.vector_store %arg7[%swap3A_80], %swap3A_83 {strides = array<i32>} : memref<64xi32, #tpu.memory_space<vmem>>, vector<16xi32>,
    %mul3A_84 = arith.constant 0 : i32
    %mul3A_85 = arith.constant 64 : i32
    %mul3A_86 = arith.muli %mul3A_84, %mul3A_85 : i32
    %add3A_87 = arith.constant 48 : i32
    %add3A_88 = arith.addi %mul3A_86, %add3A_87 : i32
    %add3A_89 = vector.broadcast %add3A_88 : i32 to vector<16xi32>
    %add3A_90 = arith.addi %add3A_89, %iota3A : vector<16xi32>
    %rem3A_91 = arith.constant 200 : i32
    %rem3A_92 = vector.broadcast %rem3A_91 : i32 to vector<16xi32>
    %rem3A_93 = arith.remsi %add3A_90, %rem3A_92 : vector<16xi32>
    %mul3A_94 = arith.constant 0 : i32
    %mul3A_95 = arith.constant 64 : i32
    %mul3A_96 = arith.muli %mul3A_94, %mul3A_95 : i32
    %add3A_97 = arith.constant 48 : i32
    %add3A_98 = arith.addi %mul3A_96, %add3A_97 : i32
    %get3A_99 = arith.index_cast %add3A_98 : i32 to index
    %get3A_100 = tpu.vector_load %arg5[%get3A_99] {strides = array<i32>} : memref<25600xi32, #tpu.memory_space<vmem>>, vector<16xi32>,
    %get3A_101 = vector.shape_cast %get3A_100 : vector<16xi32> to vector<16xi32>
    %mul3A_102 = arith.constant 16 : i32
    %mul3A_103 = vector.broadcast %mul3A_102 : i32 to vector<16xi32>
    %mul3A_104 = arith.muli %rem3A_93, %mul3A_103 : vector<16xi32>
    %add3A_105 = arith.addi %mul3A_104, %get3A_101 : vector<16xi32>
    %swap3A_106 = arith.constant 48 : index
    %swap3A_107 = tpu.vector_load %arg7[%swap3A_106] {strides = array<i32>} : memref<64xi32, #tpu.memory_space<vmem>>, vector<16xi32>,
    %swap3A_108 = vector.shape_cast %swap3A_107 : vector<16xi32> to vector<16xi32>
    %swap3A_109 = vector.shape_cast %add3A_105 : vector<16xi32> to vector<16xi32>
    tpu.vector_store %arg7[%swap3A_106], %swap3A_109 {strides = array<i32>} : memref<64xi32, #tpu.memory_space<vmem>>, vector<16xi32>,
    %dma_start3A_110 = arith.constant 0 : i32
    %dma_start3A_111 = arith.constant 0 : i32
    %dma_start3A_112 = tpu.memref_slice %arg6[%dma_start3A_110, %dma_start3A_111] : memref<3200x128xf32, #tpu.memory_space<vmem_shared>> -> memref<3200x128xf32, #tpu.memory_space<vmem_shared>>
    tpu.enqueue_indirect_dma source(%dma_start3A_112 : memref<3200x128xf32, #tpu.memory_space<vmem_shared>>) target(%arg15 : memref<64x128xf32, #tpu.memory_space<vmem>>) offsets(%arg7 : memref<64xi32, #tpu.memory_space<vmem>>) semaphore(%arg23 : memref<!tpu.dma_semaphore, #tpu.memory_space<semaphore_mem>>)
    %mul3A_113 = arith.constant 1 : i32
    %mul3A_114 = arith.constant 64 : i32
    %mul3A_115 = arith.muli %mul3A_113, %mul3A_114 : i32
    %add3A_116 = arith.constant 0 : i32
    %add3A_117 = arith.addi %mul3A_115, %add3A_116 : i32
    %add3A_118 = vector.broadcast %add3A_117 : i32 to vector<16xi32>
    %add3A_119 = arith.addi %add3A_118, %iota3A : vector<16xi32>
    %rem3A_120 = arith.constant 200 : i32
    %rem3A_121 = vector.broadcast %rem3A_120 : i32 to vector<16xi32>
    %rem3A_122 = arith.remsi %add3A_119, %rem3A_121 : vector<16xi32>
    %mul3A_123 = arith.constant 1 : i32
    %mul3A_124 = arith.constant 64 : i32
    %mul3A_125 = arith.muli %mul3A_123, %mul3A_124 : i32
    %add3A_126 = arith.constant 0 : i32
    %add3A_127 = arith.addi %mul3A_125, %add3A_126 : i32
    %get3A_128 = arith.index_cast %add3A_127 : i32 to index
    %get3A_129 = tpu.vector_load %arg5[%get3A_128] {strides = array<i32>} : memref<25600xi32, #tpu.memory_space<vmem>>, vector<16xi32>,
    %get3A_130 = vector.shape_cast %get3A_129 : vector<16xi32> to vector<16xi32>
    %mul3A_131 = arith.constant 16 : i32
    %mul3A_132 = vector.broadcast %mul3A_131 : i32 to vector<16xi32>
    %mul3A_133 = arith.muli %rem3A_122, %mul3A_132 : vector<16xi32>
    %add3A_134 = arith.addi %mul3A_133, %get3A_130 : vector<16xi32>
    %swap3A_135 = arith.constant 0 : index
    %swap3A_136 = tpu.vector_load %arg8[%swap3A_135] {strides = array<i32>} : memref<64xi32, #tpu.memory_space<vmem>>, vector<16xi32>,
    %swap3A_137 = vector.shape_cast %swap3A_136 : vector<16xi32> to vector<16xi32>
    %swap3A_138 = vector.shape_cast %add3A_134 : vector<16xi32> to vector<16xi32>
    tpu.vector_store %arg8[%swap3A_135], %swap3A_138 {strides = array<i32>} : memref<64xi32, #tpu.memory_space<vmem>>, vector<16xi32>,
    %mul3A_139 = arith.constant 1 : i32
    %mul3A_140 = arith.constant 64 : i32
    %mul3A_141 = arith.muli %mul3A_139, %mul3A_140 : i32
    %add3A_142 = arith.constant 16 : i32
    %add3A_143 = arith.addi %mul3A_141, %add3A_142 : i32
    %add3A_144 = vector.broadcast %add3A_143 : i32 to vector<16xi32>
    %add3A_145 = arith.addi %add3A_144, %iota3A : vector<16xi32>
    %rem3A_146 = arith.constant 200 : i32
    %rem3A_147 = vector.broadcast %rem3A_146 : i32 to vector<16xi32>
    %rem3A_148 = arith.remsi %add3A_145, %rem3A_147 : vector<16xi32>
    %mul3A_149 = arith.constant 1 : i32
    %mul3A_150 = arith.constant 64 : i32
    %mul3A_151 = arith.muli %mul3A_149, %mul3A_150 : i32
    %add3A_152 = arith.constant 16 : i32
    %add3A_153 = arith.addi %mul3A_151, %add3A_152 : i32
    %get3A_154 = arith.index_cast %add3A_153 : i32 to index
    %get3A_155 = tpu.vector_load %arg5[%get3A_154] {strides = array<i32>} : memref<25600xi32, #tpu.memory_space<vmem>>, vector<16xi32>,
    %get3A_156 = vector.shape_cast %get3A_155 : vector<16xi32> to vector<16xi32>
    %mul3A_157 = arith.constant 16 : i32
    %mul3A_158 = vector.broadcast %mul3A_157 : i32 to vector<16xi32>
    %mul3A_159 = arith.muli %rem3A_148, %mul3A_158 : vector<16xi32>
    %add3A_160 = arith.addi %mul3A_159, %get3A_156 : vector<16xi32>
    %swap3A_161 = arith.constant 16 : index
    %swap3A_162 = tpu.vector_load %arg8[%swap3A_161] {strides = array<i32>} : memref<64xi32, #tpu.memory_space<vmem>>, vector<16xi32>,
    %swap3A_163 = vector.shape_cast %swap3A_162 : vector<16xi32> to vector<16xi32>
    %swap3A_164 = vector.shape_cast %add3A_160 : vector<16xi32> to vector<16xi32>
    tpu.vector_store %arg8[%swap3A_161], %swap3A_164 {strides = array<i32>} : memref<64xi32, #tpu.memory_space<vmem>>, vector<16xi32>,
    %mul3A_165 = arith.constant 1 : i32
    %mul3A_166 = arith.constant 64 : i32
    %mul3A_167 = arith.muli %mul3A_165, %mul3A_166 : i32
    %add3A_168 = arith.constant 32 : i32
    %add3A_169 = arith.addi %mul3A_167, %add3A_168 : i32
    %add3A_170 = vector.broadcast %add3A_169 : i32 to vector<16xi32>
    %add3A_171 = arith.addi %add3A_170, %iota3A : vector<16xi32>
    %rem3A_172 = arith.constant 200 : i32
    %rem3A_173 = vector.broadcast %rem3A_172 : i32 to vector<16xi32>
    %rem3A_174 = arith.remsi %add3A_171, %rem3A_173 : vector<16xi32>
    %mul3A_175 = arith.constant 1 : i32
    %mul3A_176 = arith.constant 64 : i32
    %mul3A_177 = arith.muli %mul3A_175, %mul3A_176 : i32
    %add3A_178 = arith.constant 32 : i32
    %add3A_179 = arith.addi %mul3A_177, %add3A_178 : i32
    %get3A_180 = arith.index_cast %add3A_179 : i32 to index
    %get3A_181 = tpu.vector_load %arg5[%get3A_180] {strides = array<i32>} : memref<25600xi32, #tpu.memory_space<vmem>>, vector<16xi32>,
    %get3A_182 = vector.shape_cast %get3A_181 : vector<16xi32> to vector<16xi32>
    %mul3A_183 = arith.constant 16 : i32
    %mul3A_184 = vector.broadcast %mul3A_183 : i32 to vector<16xi32>
    %mul3A_185 = arith.muli %rem3A_174, %mul3A_184 : vector<16xi32>
    %add3A_186 = arith.addi %mul3A_185, %get3A_182 : vector<16xi32>
    %swap3A_187 = arith.constant 32 : index
    %swap3A_188 = tpu.vector_load %arg8[%swap3A_187] {strides = array<i32>} : memref<64xi32, #tpu.memory_space<vmem>>, vector<16xi32>,
    %swap3A_189 = vector.shape_cast %swap3A_188 : vector<16xi32> to vector<16xi32>
    %swap3A_190 = vector.shape_cast %add3A_186 : vector<16xi32> to vector<16xi32>
    tpu.vector_store %arg8[%swap3A_187], %swap3A_190 {strides = array<i32>} : memref<64xi32, #tpu.memory_space<vmem>>, vector<16xi32>,
    %mul3A_191 = arith.constant 1 : i32
    %mul3A_192 = arith.constant 64 : i32
    %mul3A_193 = arith.muli %mul3A_191, %mul3A_192 : i32
    %add3A_194 = arith.constant 48 : i32
    %add3A_195 = arith.addi %mul3A_193, %add3A_194 : i32
    %add3A_196 = vector.broadcast %add3A_195 : i32 to vector<16xi32>
    %add3A_197 = arith.addi %add3A_196, %iota3A : vector<16xi32>
    %rem3A_198 = arith.constant 200 : i32
    %rem3A_199 = vector.broadcast %rem3A_198 : i32 to vector<16xi32>
    %rem3A_200 = arith.remsi %add3A_197, %rem3A_199 : vector<16xi32>
    %mul3A_201 = arith.constant 1 : i32
    %mul3A_202 = arith.constant 64 : i32
    %mul3A_203 = arith.muli %mul3A_201, %mul3A_202 : i32
    %add3A_204 = arith.constant 48 : i32
    %add3A_205 = arith.addi %mul3A_203, %add3A_204 : i32
    %get3A_206 = arith.index_cast %add3A_205 : i32 to index
    %get3A_207 = tpu.vector_load %arg5[%get3A_206] {strides = array<i32>} : memref<25600xi32, #tpu.memory_space<vmem>>, vector<16xi32>,
    %get3A_208 = vector.shape_cast %get3A_207 : vector<16xi32> to vector<16xi32>
    %mul3A_209 = arith.constant 16 : i32
    %mul3A_210 = vector.broadcast %mul3A_209 : i32 to vector<16xi32>
    %mul3A_211 = arith.muli %rem3A_200, %mul3A_210 : vector<16xi32>
    %add3A_212 = arith.addi %mul3A_211, %get3A_208 : vector<16xi32>
    %swap3A_213 = arith.constant 48 : index
    %swap3A_214 = tpu.vector_load %arg8[%swap3A_213] {strides = array<i32>} : memref<64xi32, #tpu.memory_space<vmem>>, vector<16xi32>,
    %swap3A_215 = vector.shape_cast %swap3A_214 : vector<16xi32> to vector<16xi32>
    %swap3A_216 = vector.shape_cast %add3A_212 : vector<16xi32> to vector<16xi32>
    tpu.vector_store %arg8[%swap3A_213], %swap3A_216 {strides = array<i32>} : memref<64xi32, #tpu.memory_space<vmem>>, vector<16xi32>,
    %dma_start3A_217 = arith.constant 0 : i32
    %dma_start3A_218 = arith.constant 0 : i32
    %dma_start3A_219 = tpu.memref_slice %arg6[%dma_start3A_217, %dma_start3A_218] : memref<3200x128xf32, #tpu.memory_space<vmem_shared>> -> memref<3200x128xf32, #tpu.memory_space<vmem_shared>>
    tpu.enqueue_indirect_dma source(%dma_start3A_219 : memref<3200x128xf32, #tpu.memory_space<vmem_shared>>) target(%arg16 : memref<64x128xf32, #tpu.memory_space<vmem>>) offsets(%arg8 : memref<64xi32, #tpu.memory_space<vmem>>) semaphore(%arg24 : memref<!tpu.dma_semaphore, #tpu.memory_space<semaphore_mem>>)
    %mul3A_220 = arith.constant 2 : i32
    %mul3A_221 = arith.constant 64 : i32
    %mul3A_222 = arith.muli %mul3A_220, %mul3A_221 : i32
    %add3A_223 = arith.constant 0 : i32
    %add3A_224 = arith.addi %mul3A_222, %add3A_223 : i32
    %add3A_225 = vector.broadcast %add3A_224 : i32 to vector<16xi32>
    %add3A_226 = arith.addi %add3A_225, %iota3A : vector<16xi32>
    %rem3A_227 = arith.constant 200 : i32
    %rem3A_228 = vector.broadcast %rem3A_227 : i32 to vector<16xi32>
    %rem3A_229 = arith.remsi %add3A_226, %rem3A_228 : vector<16xi32>
    %mul3A_230 = arith.constant 2 : i32
    %mul3A_231 = arith.constant 64 : i32
    %mul3A_232 = arith.muli %mul3A_230, %mul3A_231 : i32
    %add3A_233 = arith.constant 0 : i32
    %add3A_234 = arith.addi %mul3A_232, %add3A_233 : i32
    %get3A_235 = arith.index_cast %add3A_234 : i32 to index
    %get3A_236 = tpu.vector_load %arg5[%get3A_235] {strides = array<i32>} : memref<25600xi32, #tpu.memory_space<vmem>>, vector<16xi32>,
    %get3A_237 = vector.shape_cast %get3A_236 : vector<16xi32> to vector<16xi32>
    %mul3A_238 = arith.constant 16 : i32
    %mul3A_239 = vector.broadcast %mul3A_238 : i32 to vector<16xi32>
    %mul3A_240 = arith.muli %rem3A_229, %mul3A_239 : vector<16xi32>
    %add3A_241 = arith.addi %mul3A_240, %get3A_237 : vector<16xi32>
    %swap3A_242 = arith.constant 0 : index
    %swap3A_243 = tpu.vector_load %arg9[%swap3A_242] {strides = array<i32>} : memref<64xi32, #tpu.memory_space<vmem>>, vector<16xi32>,
    %swap3A_244 = vector.shape_cast %swap3A_243 : vector<16xi32> to vector<16xi32>
    %swap3A_245 = vector.shape_cast %add3A_241 : vector<16xi32> to vector<16xi32>
    tpu.vector_store %arg9[%swap3A_242], %swap3A_245 {strides = array<i32>} : memref<64xi32, #tpu.memory_space<vmem>>, vector<16xi32>,
    %mul3A_246 = arith.constant 2 : i32
    %mul3A_247 = arith.constant 64 : i32
    %mul3A_248 = arith.muli %mul3A_246, %mul3A_247 : i32
    %add3A_249 = arith.constant 16 : i32
    %add3A_250 = arith.addi %mul3A_248, %add3A_249 : i32
    %add3A_251 = vector.broadcast %add3A_250 : i32 to vector<16xi32>
    %add3A_252 = arith.addi %add3A_251, %iota3A : vector<16xi32>
    %rem3A_253 = arith.constant 200 : i32
    %rem3A_254 = vector.broadcast %rem3A_253 : i32 to vector<16xi32>
    %rem3A_255 = arith.remsi %add3A_252, %rem3A_254 : vector<16xi32>
    %mul3A_256 = arith.constant 2 : i32
    %mul3A_257 = arith.constant 64 : i32
    %mul3A_258 = arith.muli %mul3A_256, %mul3A_257 : i32
    %add3A_259 = arith.constant 16 : i32
    %add3A_260 = arith.addi %mul3A_258, %add3A_259 : i32
    %get3A_261 = arith.index_cast %add3A_260 : i32 to index
    %get3A_262 = tpu.vector_load %arg5[%get3A_261] {strides = array<i32>} : memref<25600xi32, #tpu.memory_space<vmem>>, vector<16xi32>,
    %get3A_263 = vector.shape_cast %get3A_262 : vector<16xi32> to vector<16xi32>
    %mul3A_264 = arith.constant 16 : i32
    %mul3A_265 = vector.broadcast %mul3A_264 : i32 to vector<16xi32>
    %mul3A_266 = arith.muli %rem3A_255, %mul3A_265 : vector<16xi32>
    %add3A_267 = arith.addi %mul3A_266, %get3A_263 : vector<16xi32>
    %swap3A_268 = arith.constant 16 : index
    %swap3A_269 = tpu.vector_load %arg9[%swap3A_268] {strides = array<i32>} : memref<64xi32, #tpu.memory_space<vmem>>, vector<16xi32>,
    %swap3A_270 = vector.shape_cast %swap3A_269 : vector<16xi32> to vector<16xi32>
    %swap3A_271 = vector.shape_cast %add3A_267 : vector<16xi32> to vector<16xi32>
    tpu.vector_store %arg9[%swap3A_268], %swap3A_271 {strides = array<i32>} : memref<64xi32, #tpu.memory_space<vmem>>, vector<16xi32>,
    %mul3A_272 = arith.constant 2 : i32
    %mul3A_273 = arith.constant 64 : i32
    %mul3A_274 = arith.muli %mul3A_272, %mul3A_273 : i32
    %add3A_275 = arith.constant 32 : i32
    %add3A_276 = arith.addi %mul3A_274, %add3A_275 : i32
    %add3A_277 = vector.broadcast %add3A_276 : i32 to vector<16xi32>
    %add3A_278 = arith.addi %add3A_277, %iota3A : vector<16xi32>
    %rem3A_279 = arith.constant 200 : i32
    %rem3A_280 = vector.broadcast %rem3A_279 : i32 to vector<16xi32>
    %rem3A_281 = arith.remsi %add3A_278, %rem3A_280 : vector<16xi32>
    %mul3A_282 = arith.constant 2 : i32
    %mul3A_283 = arith.constant 64 : i32
    %mul3A_284 = arith.muli %mul3A_282, %mul3A_283 : i32
    %add3A_285 = arith.constant 32 : i32
    %add3A_286 = arith.addi %mul3A_284, %add3A_285 : i32
    %get3A_287 = arith.index_cast %add3A_286 : i32 to index
    %get3A_288 = tpu.vector_load %arg5[%get3A_287] {strides = array<i32>} : memref<25600xi32, #tpu.memory_space<vmem>>, vector<16xi32>,
    %get3A_289 = vector.shape_cast %get3A_288 : vector<16xi32> to vector<16xi32>
    %mul3A_290 = arith.constant 16 : i32
    %mul3A_291 = vector.broadcast %mul3A_290 : i32 to vector<16xi32>
    %mul3A_292 = arith.muli %rem3A_281, %mul3A_291 : vector<16xi32>
    %add3A_293 = arith.addi %mul3A_292, %get3A_289 : vector<16xi32>
    %swap3A_294 = arith.constant 32 : index
    %swap3A_295 = tpu.vector_load %arg9[%swap3A_294] {strides = array<i32>} : memref<64xi32, #tpu.memory_space<vmem>>, vector<16xi32>,
    %swap3A_296 = vector.shape_cast %swap3A_295 : vector<16xi32> to vector<16xi32>
    %swap3A_297 = vector.shape_cast %add3A_293 : vector<16xi32> to vector<16xi32>
    tpu.vector_store %arg9[%swap3A_294], %swap3A_297 {strides = array<i32>} : memref<64xi32, #tpu.memory_space<vmem>>, vector<16xi32>,
    %mul3A_298 = arith.constant 2 : i32
    %mul3A_299 = arith.constant 64 : i32
    %mul3A_300 = arith.muli %mul3A_298, %mul3A_299 : i32
    %add3A_301 = arith.constant 48 : i32
    %add3A_302 = arith.addi %mul3A_300, %add3A_301 : i32
    %add3A_303 = vector.broadcast %add3A_302 : i32 to vector<16xi32>
    %add3A_304 = arith.addi %add3A_303, %iota3A : vector<16xi32>
    %rem3A_305 = arith.constant 200 : i32
    %rem3A_306 = vector.broadcast %rem3A_305 : i32 to vector<16xi32>
    %rem3A_307 = arith.remsi %add3A_304, %rem3A_306 : vector<16xi32>
    %mul3A_308 = arith.constant 2 : i32
    %mul3A_309 = arith.constant 64 : i32
    %mul3A_310 = arith.muli %mul3A_308, %mul3A_309 : i32
    %add3A_311 = arith.constant 48 : i32
    %add3A_312 = arith.addi %mul3A_310, %add3A_311 : i32
    %get3A_313 = arith.index_cast %add3A_312 : i32 to index
    %get3A_314 = tpu.vector_load %arg5[%get3A_313] {strides = array<i32>} : memref<25600xi32, #tpu.memory_space<vmem>>, vector<16xi32>,
    %get3A_315 = vector.shape_cast %get3A_314 : vector<16xi32> to vector<16xi32>
    %mul3A_316 = arith.constant 16 : i32
    %mul3A_317 = vector.broadcast %mul3A_316 : i32 to vector<16xi32>
    %mul3A_318 = arith.muli %rem3A_307, %mul3A_317 : vector<16xi32>
    %add3A_319 = arith.addi %mul3A_318, %get3A_315 : vector<16xi32>
    %swap3A_320 = arith.constant 48 : index
    %swap3A_321 = tpu.vector_load %arg9[%swap3A_320] {strides = array<i32>} : memref<64xi32, #tpu.memory_space<vmem>>, vector<16xi32>,
    %swap3A_322 = vector.shape_cast %swap3A_321 : vector<16xi32> to vector<16xi32>
    %swap3A_323 = vector.shape_cast %add3A_319 : vector<16xi32> to vector<16xi32>
    tpu.vector_store %arg9[%swap3A_320], %swap3A_323 {strides = array<i32>} : memref<64xi32, #tpu.memory_space<vmem>>, vector<16xi32>,
    %dma_start3A_324 = arith.constant 0 : i32
    %dma_start3A_325 = arith.constant 0 : i32
    %dma_start3A_326 = tpu.memref_slice %arg6[%dma_start3A_324, %dma_start3A_325] : memref<3200x128xf32, #tpu.memory_space<vmem_shared>> -> memref<3200x128xf32, #tpu.memory_space<vmem_shared>>
    tpu.enqueue_indirect_dma source(%dma_start3A_326 : memref<3200x128xf32, #tpu.memory_space<vmem_shared>>) target(%arg17 : memref<64x128xf32, #tpu.memory_space<vmem>>) offsets(%arg9 : memref<64xi32, #tpu.memory_space<vmem>>) semaphore(%arg25 : memref<!tpu.dma_semaphore, #tpu.memory_space<semaphore_mem>>)
    %mul3A_327 = arith.constant 3 : i32
    %mul3A_328 = arith.constant 64 : i32
    %mul3A_329 = arith.muli %mul3A_327, %mul3A_328 : i32
    %add3A_330 = arith.constant 0 : i32
    %add3A_331 = arith.addi %mul3A_329, %add3A_330 : i32
    %add3A_332 = vector.broadcast %add3A_331 : i32 to vector<16xi32>
    %add3A_333 = arith.addi %add3A_332, %iota3A : vector<16xi32>
    %rem3A_334 = arith.constant 200 : i32
    %rem3A_335 = vector.broadcast %rem3A_334 : i32 to vector<16xi32>
    %rem3A_336 = arith.remsi %add3A_333, %rem3A_335 : vector<16xi32>
    %mul3A_337 = arith.constant 3 : i32
    %mul3A_338 = arith.constant 64 : i32
    %mul3A_339 = arith.muli %mul3A_337, %mul3A_338 : i32
    %add3A_340 = arith.constant 0 : i32
    %add3A_341 = arith.addi %mul3A_339, %add3A_340 : i32
    %get3A_342 = arith.index_cast %add3A_341 : i32 to index
    %get3A_343 = tpu.vector_load %arg5[%get3A_342] {strides = array<i32>} : memref<25600xi32, #tpu.memory_space<vmem>>, vector<16xi32>,
    %get3A_344 = vector.shape_cast %get3A_343 : vector<16xi32> to vector<16xi32>
    %mul3A_345 = arith.constant 16 : i32
    %mul3A_346 = vector.broadcast %mul3A_345 : i32 to vector<16xi32>
    %mul3A_347 = arith.muli %rem3A_336, %mul3A_346 : vector<16xi32>
    %add3A_348 = arith.addi %mul3A_347, %get3A_344 : vector<16xi32>
    %swap3A_349 = arith.constant 0 : index
    %swap3A_350 = tpu.vector_load %arg10[%swap3A_349] {strides = array<i32>} : memref<64xi32, #tpu.memory_space<vmem>>, vector<16xi32>,
    %swap3A_351 = vector.shape_cast %swap3A_350 : vector<16xi32> to vector<16xi32>
    %swap3A_352 = vector.shape_cast %add3A_348 : vector<16xi32> to vector<16xi32>
    tpu.vector_store %arg10[%swap3A_349], %swap3A_352 {strides = array<i32>} : memref<64xi32, #tpu.memory_space<vmem>>, vector<16xi32>,
    %mul3A_353 = arith.constant 3 : i32
    %mul3A_354 = arith.constant 64 : i32
    %mul3A_355 = arith.muli %mul3A_353, %mul3A_354 : i32
    %add3A_356 = arith.constant 16 : i32
    %add3A_357 = arith.addi %mul3A_355, %add3A_356 : i32
    %add3A_358 = vector.broadcast %add3A_357 : i32 to vector<16xi32>
    %add3A_359 = arith.addi %add3A_358, %iota3A : vector<16xi32>
    %rem3A_360 = arith.constant 200 : i32
    %rem3A_361 = vector.broadcast %rem3A_360 : i32 to vector<16xi32>
    %rem3A_362 = arith.remsi %add3A_359, %rem3A_361 : vector<16xi32>
    %mul3A_363 = arith.constant 3 : i32
    %mul3A_364 = arith.constant 64 : i32
    %mul3A_365 = arith.muli %mul3A_363, %mul3A_364 : i32
    %add3A_366 = arith.constant 16 : i32
    %add3A_367 = arith.addi %mul3A_365, %add3A_366 : i32
    %get3A_368 = arith.index_cast %add3A_367 : i32 to index
    %get3A_369 = tpu.vector_load %arg5[%get3A_368] {strides = array<i32>} : memref<25600xi32, #tpu.memory_space<vmem>>, vector<16xi32>,
    %get3A_370 = vector.shape_cast %get3A_369 : vector<16xi32> to vector<16xi32>
    %mul3A_371 = arith.constant 16 : i32
    %mul3A_372 = vector.broadcast %mul3A_371 : i32 to vector<16xi32>
    %mul3A_373 = arith.muli %rem3A_362, %mul3A_372 : vector<16xi32>
    %add3A_374 = arith.addi %mul3A_373, %get3A_370 : vector<16xi32>
    %swap3A_375 = arith.constant 16 : index
    %swap3A_376 = tpu.vector_load %arg10[%swap3A_375] {strides = array<i32>} : memref<64xi32, #tpu.memory_space<vmem>>, vector<16xi32>,
    %swap3A_377 = vector.shape_cast %swap3A_376 : vector<16xi32> to vector<16xi32>
    %swap3A_378 = vector.shape_cast %add3A_374 : vector<16xi32> to vector<16xi32>
    tpu.vector_store %arg10[%swap3A_375], %swap3A_378 {strides = array<i32>} : memref<64xi32, #tpu.memory_space<vmem>>, vector<16xi32>,
    %mul3A_379 = arith.constant 3 : i32
    %mul3A_380 = arith.constant 64 : i32
    %mul3A_381 = arith.muli %mul3A_379, %mul3A_380 : i32
    %add3A_382 = arith.constant 32 : i32
    %add3A_383 = arith.addi %mul3A_381, %add3A_382 : i32
    %add3A_384 = vector.broadcast %add3A_383 : i32 to vector<16xi32>
    %add3A_385 = arith.addi %add3A_384, %iota3A : vector<16xi32>
    %rem3A_386 = arith.constant 200 : i32
    %rem3A_387 = vector.broadcast %rem3A_386 : i32 to vector<16xi32>
    %rem3A_388 = arith.remsi %add3A_385, %rem3A_387 : vector<16xi32>
    %mul3A_389 = arith.constant 3 : i32
    %mul3A_390 = arith.constant 64 : i32
    %mul3A_391 = arith.muli %mul3A_389, %mul3A_390 : i32
    %add3A_392 = arith.constant 32 : i32
    %add3A_393 = arith.addi %mul3A_391, %add3A_392 : i32
    %get3A_394 = arith.index_cast %add3A_393 : i32 to index
    %get3A_395 = tpu.vector_load %arg5[%get3A_394] {strides = array<i32>} : memref<25600xi32, #tpu.memory_space<vmem>>, vector<16xi32>,
    %get3A_396 = vector.shape_cast %get3A_395 : vector<16xi32> to vector<16xi32>
    %mul3A_397 = arith.constant 16 : i32
    %mul3A_398 = vector.broadcast %mul3A_397 : i32 to vector<16xi32>
    %mul3A_399 = arith.muli %rem3A_388, %mul3A_398 : vector<16xi32>
    %add3A_400 = arith.addi %mul3A_399, %get3A_396 : vector<16xi32>
    %swap3A_401 = arith.constant 32 : index
    %swap3A_402 = tpu.vector_load %arg10[%swap3A_401] {strides = array<i32>} : memref<64xi32, #tpu.memory_space<vmem>>, vector<16xi32>,
    %swap3A_403 = vector.shape_cast %swap3A_402 : vector<16xi32> to vector<16xi32>
    %swap3A_404 = vector.shape_cast %add3A_400 : vector<16xi32> to vector<16xi32>
    tpu.vector_store %arg10[%swap3A_401], %swap3A_404 {strides = array<i32>} : memref<64xi32, #tpu.memory_space<vmem>>, vector<16xi32>,
    %mul3A_405 = arith.constant 3 : i32
    %mul3A_406 = arith.constant 64 : i32
    %mul3A_407 = arith.muli %mul3A_405, %mul3A_406 : i32
    %add3A_408 = arith.constant 48 : i32
    %add3A_409 = arith.addi %mul3A_407, %add3A_408 : i32
    %add3A_410 = vector.broadcast %add3A_409 : i32 to vector<16xi32>
    %add3A_411 = arith.addi %add3A_410, %iota3A : vector<16xi32>
    %rem3A_412 = arith.constant 200 : i32
    %rem3A_413 = vector.broadcast %rem3A_412 : i32 to vector<16xi32>
    %rem3A_414 = arith.remsi %add3A_411, %rem3A_413 : vector<16xi32>
    %mul3A_415 = arith.constant 3 : i32
    %mul3A_416 = arith.constant 64 : i32
    %mul3A_417 = arith.muli %mul3A_415, %mul3A_416 : i32
    %add3A_418 = arith.constant 48 : i32
    %add3A_419 = arith.addi %mul3A_417, %add3A_418 : i32
    %get3A_420 = arith.index_cast %add3A_419 : i32 to index
    %get3A_421 = tpu.vector_load %arg5[%get3A_420] {strides = array<i32>} : memref<25600xi32, #tpu.memory_space<vmem>>, vector<16xi32>,
    %get3A_422 = vector.shape_cast %get3A_421 : vector<16xi32> to vector<16xi32>
    %mul3A_423 = arith.constant 16 : i32
    %mul3A_424 = vector.broadcast %mul3A_423 : i32 to vector<16xi32>
    %mul3A_425 = arith.muli %rem3A_414, %mul3A_424 : vector<16xi32>
    %add3A_426 = arith.addi %mul3A_425, %get3A_422 : vector<16xi32>
    %swap3A_427 = arith.constant 48 : index
    %swap3A_428 = tpu.vector_load %arg10[%swap3A_427] {strides = array<i32>} : memref<64xi32, #tpu.memory_space<vmem>>, vector<16xi32>,
    %swap3A_429 = vector.shape_cast %swap3A_428 : vector<16xi32> to vector<16xi32>
    %swap3A_430 = vector.shape_cast %add3A_426 : vector<16xi32> to vector<16xi32>
    tpu.vector_store %arg10[%swap3A_427], %swap3A_430 {strides = array<i32>} : memref<64xi32, #tpu.memory_space<vmem>>, vector<16xi32>,
    %dma_start3A_431 = arith.constant 0 : i32
    %dma_start3A_432 = arith.constant 0 : i32
    %dma_start3A_433 = tpu.memref_slice %arg6[%dma_start3A_431, %dma_start3A_432] : memref<3200x128xf32, #tpu.memory_space<vmem_shared>> -> memref<3200x128xf32, #tpu.memory_space<vmem_shared>>
    tpu.enqueue_indirect_dma source(%dma_start3A_433 : memref<3200x128xf32, #tpu.memory_space<vmem_shared>>) target(%arg18 : memref<64x128xf32, #tpu.memory_space<vmem>>) offsets(%arg10 : memref<64xi32, #tpu.memory_space<vmem>>) semaphore(%arg26 : memref<!tpu.dma_semaphore, #tpu.memory_space<semaphore_mem>>)
    %mul3A_434 = arith.constant 4 : i32
    %mul3A_435 = arith.constant 64 : i32
    %mul3A_436 = arith.muli %mul3A_434, %mul3A_435 : i32
    %add3A_437 = arith.constant 0 : i32
    %add3A_438 = arith.addi %mul3A_436, %add3A_437 : i32
    %add3A_439 = vector.broadcast %add3A_438 : i32 to vector<16xi32>
    %add3A_440 = arith.addi %add3A_439, %iota3A : vector<16xi32>
    %rem3A_441 = arith.constant 200 : i32
    %rem3A_442 = vector.broadcast %rem3A_441 : i32 to vector<16xi32>
    %rem3A_443 = arith.remsi %add3A_440, %rem3A_442 : vector<16xi32>
    %mul3A_444 = arith.constant 4 : i32
    %mul3A_445 = arith.constant 64 : i32
    %mul3A_446 = arith.muli %mul3A_444, %mul3A_445 : i32
    %add3A_447 = arith.constant 0 : i32
    %add3A_448 = arith.addi %mul3A_446, %add3A_447 : i32
    %get3A_449 = arith.index_cast %add3A_448 : i32 to index
    %get3A_450 = tpu.vector_load %arg5[%get3A_449] {strides = array<i32>} : memref<25600xi32, #tpu.memory_space<vmem>>, vector<16xi32>,
    %get3A_451 = vector.shape_cast %get3A_450 : vector<16xi32> to vector<16xi32>
    %mul3A_452 = arith.constant 16 : i32
    %mul3A_453 = vector.broadcast %mul3A_452 : i32 to vector<16xi32>
    %mul3A_454 = arith.muli %rem3A_443, %mul3A_453 : vector<16xi32>
    %add3A_455 = arith.addi %mul3A_454, %get3A_451 : vector<16xi32>
    %swap3A_456 = arith.constant 0 : index
    %swap3A_457 = tpu.vector_load %arg11[%swap3A_456] {strides = array<i32>} : memref<64xi32, #tpu.memory_space<vmem>>, vector<16xi32>,
    %swap3A_458 = vector.shape_cast %swap3A_457 : vector<16xi32> to vector<16xi32>
    %swap3A_459 = vector.shape_cast %add3A_455 : vector<16xi32> to vector<16xi32>
    tpu.vector_store %arg11[%swap3A_456], %swap3A_459 {strides = array<i32>} : memref<64xi32, #tpu.memory_space<vmem>>, vector<16xi32>,
    %mul3A_460 = arith.constant 4 : i32
    %mul3A_461 = arith.constant 64 : i32
    %mul3A_462 = arith.muli %mul3A_460, %mul3A_461 : i32
    %add3A_463 = arith.constant 16 : i32
    %add3A_464 = arith.addi %mul3A_462, %add3A_463 : i32
    %add3A_465 = vector.broadcast %add3A_464 : i32 to vector<16xi32>
    %add3A_466 = arith.addi %add3A_465, %iota3A : vector<16xi32>
    %rem3A_467 = arith.constant 200 : i32
    %rem3A_468 = vector.broadcast %rem3A_467 : i32 to vector<16xi32>
    %rem3A_469 = arith.remsi %add3A_466, %rem3A_468 : vector<16xi32>
    %mul3A_470 = arith.constant 4 : i32
    %mul3A_471 = arith.constant 64 : i32
    %mul3A_472 = arith.muli %mul3A_470, %mul3A_471 : i32
    %add3A_473 = arith.constant 16 : i32
    %add3A_474 = arith.addi %mul3A_472, %add3A_473 : i32
    %get3A_475 = arith.index_cast %add3A_474 : i32 to index
    %get3A_476 = tpu.vector_load %arg5[%get3A_475] {strides = array<i32>} : memref<25600xi32, #tpu.memory_space<vmem>>, vector<16xi32>,
    %get3A_477 = vector.shape_cast %get3A_476 : vector<16xi32> to vector<16xi32>
    %mul3A_478 = arith.constant 16 : i32
    %mul3A_479 = vector.broadcast %mul3A_478 : i32 to vector<16xi32>
    %mul3A_480 = arith.muli %rem3A_469, %mul3A_479 : vector<16xi32>
    %add3A_481 = arith.addi %mul3A_480, %get3A_477 : vector<16xi32>
    %swap3A_482 = arith.constant 16 : index
    %swap3A_483 = tpu.vector_load %arg11[%swap3A_482] {strides = array<i32>} : memref<64xi32, #tpu.memory_space<vmem>>, vector<16xi32>,
    %swap3A_484 = vector.shape_cast %swap3A_483 : vector<16xi32> to vector<16xi32>
    %swap3A_485 = vector.shape_cast %add3A_481 : vector<16xi32> to vector<16xi32>
    tpu.vector_store %arg11[%swap3A_482], %swap3A_485 {strides = array<i32>} : memref<64xi32, #tpu.memory_space<vmem>>, vector<16xi32>,
    %mul3A_486 = arith.constant 4 : i32
    %mul3A_487 = arith.constant 64 : i32
    %mul3A_488 = arith.muli %mul3A_486, %mul3A_487 : i32
    %add3A_489 = arith.constant 32 : i32
    %add3A_490 = arith.addi %mul3A_488, %add3A_489 : i32
    %add3A_491 = vector.broadcast %add3A_490 : i32 to vector<16xi32>
    %add3A_492 = arith.addi %add3A_491, %iota3A : vector<16xi32>
    %rem3A_493 = arith.constant 200 : i32
    %rem3A_494 = vector.broadcast %rem3A_493 : i32 to vector<16xi32>
    %rem3A_495 = arith.remsi %add3A_492, %rem3A_494 : vector<16xi32>
    %mul3A_496 = arith.constant 4 : i32
    %mul3A_497 = arith.constant 64 : i32
    %mul3A_498 = arith.muli %mul3A_496, %mul3A_497 : i32
    %add3A_499 = arith.constant 32 : i32
    %add3A_500 = arith.addi %mul3A_498, %add3A_499 : i32
    %get3A_501 = arith.index_cast %add3A_500 : i32 to index
    %get3A_502 = tpu.vector_load %arg5[%get3A_501] {strides = array<i32>} : memref<25600xi32, #tpu.memory_space<vmem>>, vector<16xi32>,
    %get3A_503 = vector.shape_cast %get3A_502 : vector<16xi32> to vector<16xi32>
    %mul3A_504 = arith.constant 16 : i32
    %mul3A_505 = vector.broadcast %mul3A_504 : i32 to vector<16xi32>
    %mul3A_506 = arith.muli %rem3A_495, %mul3A_505 : vector<16xi32>
    %add3A_507 = arith.addi %mul3A_506, %get3A_503 : vector<16xi32>
    %swap3A_508 = arith.constant 32 : index
    %swap3A_509 = tpu.vector_load %arg11[%swap3A_508] {strides = array<i32>} : memref<64xi32, #tpu.memory_space<vmem>>, vector<16xi32>,
    %swap3A_510 = vector.shape_cast %swap3A_509 : vector<16xi32> to vector<16xi32>
    %swap3A_511 = vector.shape_cast %add3A_507 : vector<16xi32> to vector<16xi32>
    tpu.vector_store %arg11[%swap3A_508], %swap3A_511 {strides = array<i32>} : memref<64xi32, #tpu.memory_space<vmem>>, vector<16xi32>,
    %mul3A_512 = arith.constant 4 : i32
    %mul3A_513 = arith.constant 64 : i32
    %mul3A_514 = arith.muli %mul3A_512, %mul3A_513 : i32
    %add3A_515 = arith.constant 48 : i32
    %add3A_516 = arith.addi %mul3A_514, %add3A_515 : i32
    %add3A_517 = vector.broadcast %add3A_516 : i32 to vector<16xi32>
    %add3A_518 = arith.addi %add3A_517, %iota3A : vector<16xi32>
    %rem3A_519 = arith.constant 200 : i32
    %rem3A_520 = vector.broadcast %rem3A_519 : i32 to vector<16xi32>
    %rem3A_521 = arith.remsi %add3A_518, %rem3A_520 : vector<16xi32>
    %mul3A_522 = arith.constant 4 : i32
    %mul3A_523 = arith.constant 64 : i32
    %mul3A_524 = arith.muli %mul3A_522, %mul3A_523 : i32
    %add3A_525 = arith.constant 48 : i32
    %add3A_526 = arith.addi %mul3A_524, %add3A_525 : i32
    %get3A_527 = arith.index_cast %add3A_526 : i32 to index
    %get3A_528 = tpu.vector_load %arg5[%get3A_527] {strides = array<i32>} : memref<25600xi32, #tpu.memory_space<vmem>>, vector<16xi32>,
    %get3A_529 = vector.shape_cast %get3A_528 : vector<16xi32> to vector<16xi32>
    %mul3A_530 = arith.constant 16 : i32
    %mul3A_531 = vector.broadcast %mul3A_530 : i32 to vector<16xi32>
    %mul3A_532 = arith.muli %rem3A_521, %mul3A_531 : vector<16xi32>
    %add3A_533 = arith.addi %mul3A_532, %get3A_529 : vector<16xi32>
    %swap3A_534 = arith.constant 48 : index
    %swap3A_535 = tpu.vector_load %arg11[%swap3A_534] {strides = array<i32>} : memref<64xi32, #tpu.memory_space<vmem>>, vector<16xi32>,
    %swap3A_536 = vector.shape_cast %swap3A_535 : vector<16xi32> to vector<16xi32>
    %swap3A_537 = vector.shape_cast %add3A_533 : vector<16xi32> to vector<16xi32>
    tpu.vector_store %arg11[%swap3A_534], %swap3A_537 {strides = array<i32>} : memref<64xi32, #tpu.memory_space<vmem>>, vector<16xi32>,
    %dma_start3A_538 = arith.constant 0 : i32
    %dma_start3A_539 = arith.constant 0 : i32
    %dma_start3A_540 = tpu.memref_slice %arg6[%dma_start3A_538, %dma_start3A_539] : memref<3200x128xf32, #tpu.memory_space<vmem_shared>> -> memref<3200x128xf32, #tpu.memory_space<vmem_shared>>
    tpu.enqueue_indirect_dma source(%dma_start3A_540 : memref<3200x128xf32, #tpu.memory_space<vmem_shared>>) target(%arg19 : memref<64x128xf32, #tpu.memory_space<vmem>>) offsets(%arg11 : memref<64xi32, #tpu.memory_space<vmem>>) semaphore(%arg27 : memref<!tpu.dma_semaphore, #tpu.memory_space<semaphore_mem>>)
    %mul3A_541 = arith.constant 5 : i32
    %mul3A_542 = arith.constant 64 : i32
    %mul3A_543 = arith.muli %mul3A_541, %mul3A_542 : i32
    %add3A_544 = arith.constant 0 : i32
    %add3A_545 = arith.addi %mul3A_543, %add3A_544 : i32
    %add3A_546 = vector.broadcast %add3A_545 : i32 to vector<16xi32>
    %add3A_547 = arith.addi %add3A_546, %iota3A : vector<16xi32>
    %rem3A_548 = arith.constant 200 : i32
    %rem3A_549 = vector.broadcast %rem3A_548 : i32 to vector<16xi32>
    %rem3A_550 = arith.remsi %add3A_547, %rem3A_549 : vector<16xi32>
    %mul3A_551 = arith.constant 5 : i32
    %mul3A_552 = arith.constant 64 : i32
    %mul3A_553 = arith.muli %mul3A_551, %mul3A_552 : i32
    %add3A_554 = arith.constant 0 : i32
    %add3A_555 = arith.addi %mul3A_553, %add3A_554 : i32
    %get3A_556 = arith.index_cast %add3A_555 : i32 to index
    %get3A_557 = tpu.vector_load %arg5[%get3A_556] {strides = array<i32>} : memref<25600xi32, #tpu.memory_space<vmem>>, vector<16xi32>,
    %get3A_558 = vector.shape_cast %get3A_557 : vector<16xi32> to vector<16xi32>
    %mul3A_559 = arith.constant 16 : i32
    %mul3A_560 = vector.broadcast %mul3A_559 : i32 to vector<16xi32>
    %mul3A_561 = arith.muli %rem3A_550, %mul3A_560 : vector<16xi32>
    %add3A_562 = arith.addi %mul3A_561, %get3A_558 : vector<16xi32>
    %swap3A_563 = arith.constant 0 : index
    %swap3A_564 = tpu.vector_load %arg12[%swap3A_563] {strides = array<i32>} : memref<64xi32, #tpu.memory_space<vmem>>, vector<16xi32>,
    %swap3A_565 = vector.shape_cast %swap3A_564 : vector<16xi32> to vector<16xi32>
    %swap3A_566 = vector.shape_cast %add3A_562 : vector<16xi32> to vector<16xi32>
    tpu.vector_store %arg12[%swap3A_563], %swap3A_566 {strides = array<i32>} : memref<64xi32, #tpu.memory_space<vmem>>, vector<16xi32>,
    %mul3A_567 = arith.constant 5 : i32
    %mul3A_568 = arith.constant 64 : i32
    %mul3A_569 = arith.muli %mul3A_567, %mul3A_568 : i32
    %add3A_570 = arith.constant 16 : i32
    %add3A_571 = arith.addi %mul3A_569, %add3A_570 : i32
    %add3A_572 = vector.broadcast %add3A_571 : i32 to vector<16xi32>
    %add3A_573 = arith.addi %add3A_572, %iota3A : vector<16xi32>
    %rem3A_574 = arith.constant 200 : i32
    %rem3A_575 = vector.broadcast %rem3A_574 : i32 to vector<16xi32>
    %rem3A_576 = arith.remsi %add3A_573, %rem3A_575 : vector<16xi32>
    %mul3A_577 = arith.constant 5 : i32
    %mul3A_578 = arith.constant 64 : i32
    %mul3A_579 = arith.muli %mul3A_577, %mul3A_578 : i32
    %add3A_580 = arith.constant 16 : i32
    %add3A_581 = arith.addi %mul3A_579, %add3A_580 : i32
    %get3A_582 = arith.index_cast %add3A_581 : i32 to index
    %get3A_583 = tpu.vector_load %arg5[%get3A_582] {strides = array<i32>} : memref<25600xi32, #tpu.memory_space<vmem>>, vector<16xi32>,
    %get3A_584 = vector.shape_cast %get3A_583 : vector<16xi32> to vector<16xi32>
    %mul3A_585 = arith.constant 16 : i32
    %mul3A_586 = vector.broadcast %mul3A_585 : i32 to vector<16xi32>
    %mul3A_587 = arith.muli %rem3A_576, %mul3A_586 : vector<16xi32>
    %add3A_588 = arith.addi %mul3A_587, %get3A_584 : vector<16xi32>
    %swap3A_589 = arith.constant 16 : index
    %swap3A_590 = tpu.vector_load %arg12[%swap3A_589] {strides = array<i32>} : memref<64xi32, #tpu.memory_space<vmem>>, vector<16xi32>,
    %swap3A_591 = vector.shape_cast %swap3A_590 : vector<16xi32> to vector<16xi32>
    %swap3A_592 = vector.shape_cast %add3A_588 : vector<16xi32> to vector<16xi32>
    tpu.vector_store %arg12[%swap3A_589], %swap3A_592 {strides = array<i32>} : memref<64xi32, #tpu.memory_space<vmem>>, vector<16xi32>,
    %mul3A_593 = arith.constant 5 : i32
    %mul3A_594 = arith.constant 64 : i32
    %mul3A_595 = arith.muli %mul3A_593, %mul3A_594 : i32
    %add3A_596 = arith.constant 32 : i32
    %add3A_597 = arith.addi %mul3A_595, %add3A_596 : i32
    %add3A_598 = vector.broadcast %add3A_597 : i32 to vector<16xi32>
    %add3A_599 = arith.addi %add3A_598, %iota3A : vector<16xi32>
    %rem3A_600 = arith.constant 200 : i32
    %rem3A_601 = vector.broadcast %rem3A_600 : i32 to vector<16xi32>
    %rem3A_602 = arith.remsi %add3A_599, %rem3A_601 : vector<16xi32>
    %mul3A_603 = arith.constant 5 : i32
    %mul3A_604 = arith.constant 64 : i32
    %mul3A_605 = arith.muli %mul3A_603, %mul3A_604 : i32
    %add3A_606 = arith.constant 32 : i32
    %add3A_607 = arith.addi %mul3A_605, %add3A_606 : i32
    %get3A_608 = arith.index_cast %add3A_607 : i32 to index
    %get3A_609 = tpu.vector_load %arg5[%get3A_608] {strides = array<i32>} : memref<25600xi32, #tpu.memory_space<vmem>>, vector<16xi32>,
    %get3A_610 = vector.shape_cast %get3A_609 : vector<16xi32> to vector<16xi32>
    %mul3A_611 = arith.constant 16 : i32
    %mul3A_612 = vector.broadcast %mul3A_611 : i32 to vector<16xi32>
    %mul3A_613 = arith.muli %rem3A_602, %mul3A_612 : vector<16xi32>
    %add3A_614 = arith.addi %mul3A_613, %get3A_610 : vector<16xi32>
    %swap3A_615 = arith.constant 32 : index
    %swap3A_616 = tpu.vector_load %arg12[%swap3A_615] {strides = array<i32>} : memref<64xi32, #tpu.memory_space<vmem>>, vector<16xi32>,
    %swap3A_617 = vector.shape_cast %swap3A_616 : vector<16xi32> to vector<16xi32>
    %swap3A_618 = vector.shape_cast %add3A_614 : vector<16xi32> to vector<16xi32>
    tpu.vector_store %arg12[%swap3A_615], %swap3A_618 {strides = array<i32>} : memref<64xi32, #tpu.memory_space<vmem>>, vector<16xi32>,
    %mul3A_619 = arith.constant 5 : i32
    %mul3A_620 = arith.constant 64 : i32
    %mul3A_621 = arith.muli %mul3A_619, %mul3A_620 : i32
    %add3A_622 = arith.constant 48 : i32
    %add3A_623 = arith.addi %mul3A_621, %add3A_622 : i32
    %add3A_624 = vector.broadcast %add3A_623 : i32 to vector<16xi32>
    %add3A_625 = arith.addi %add3A_624, %iota3A : vector<16xi32>
    %rem3A_626 = arith.constant 200 : i32
    %rem3A_627 = vector.broadcast %rem3A_626 : i32 to vector<16xi32>
    %rem3A_628 = arith.remsi %add3A_625, %rem3A_627 : vector<16xi32>
    %mul3A_629 = arith.constant 5 : i32
    %mul3A_630 = arith.constant 64 : i32
    %mul3A_631 = arith.muli %mul3A_629, %mul3A_630 : i32
    %add3A_632 = arith.constant 48 : i32
    %add3A_633 = arith.addi %mul3A_631, %add3A_632 : i32
    %get3A_634 = arith.index_cast %add3A_633 : i32 to index
    %get3A_635 = tpu.vector_load %arg5[%get3A_634] {strides = array<i32>} : memref<25600xi32, #tpu.memory_space<vmem>>, vector<16xi32>,
    %get3A_636 = vector.shape_cast %get3A_635 : vector<16xi32> to vector<16xi32>
    %mul3A_637 = arith.constant 16 : i32
    %mul3A_638 = vector.broadcast %mul3A_637 : i32 to vector<16xi32>
    %mul3A_639 = arith.muli %rem3A_628, %mul3A_638 : vector<16xi32>
    %add3A_640 = arith.addi %mul3A_639, %get3A_636 : vector<16xi32>
    %swap3A_641 = arith.constant 48 : index
    %swap3A_642 = tpu.vector_load %arg12[%swap3A_641] {strides = array<i32>} : memref<64xi32, #tpu.memory_space<vmem>>, vector<16xi32>,
    %swap3A_643 = vector.shape_cast %swap3A_642 : vector<16xi32> to vector<16xi32>
    %swap3A_644 = vector.shape_cast %add3A_640 : vector<16xi32> to vector<16xi32>
    tpu.vector_store %arg12[%swap3A_641], %swap3A_644 {strides = array<i32>} : memref<64xi32, #tpu.memory_space<vmem>>, vector<16xi32>,
    %dma_start3A_645 = arith.constant 0 : i32
    %dma_start3A_646 = arith.constant 0 : i32
    %dma_start3A_647 = tpu.memref_slice %arg6[%dma_start3A_645, %dma_start3A_646] : memref<3200x128xf32, #tpu.memory_space<vmem_shared>> -> memref<3200x128xf32, #tpu.memory_space<vmem_shared>>
    tpu.enqueue_indirect_dma source(%dma_start3A_647 : memref<3200x128xf32, #tpu.memory_space<vmem_shared>>) target(%arg20 : memref<64x128xf32, #tpu.memory_space<vmem>>) offsets(%arg12 : memref<64xi32, #tpu.memory_space<vmem>>) semaphore(%arg28 : memref<!tpu.dma_semaphore, #tpu.memory_space<semaphore_mem>>)
    %mul3A_648 = arith.constant 6 : i32
    %mul3A_649 = arith.constant 64 : i32
    %mul3A_650 = arith.muli %mul3A_648, %mul3A_649 : i32
    %add3A_651 = arith.constant 0 : i32
    %add3A_652 = arith.addi %mul3A_650, %add3A_651 : i32
    %add3A_653 = vector.broadcast %add3A_652 : i32 to vector<16xi32>
    %add3A_654 = arith.addi %add3A_653, %iota3A : vector<16xi32>
    %rem3A_655 = arith.constant 200 : i32
    %rem3A_656 = vector.broadcast %rem3A_655 : i32 to vector<16xi32>
    %rem3A_657 = arith.remsi %add3A_654, %rem3A_656 : vector<16xi32>
    %mul3A_658 = arith.constant 6 : i32
    %mul3A_659 = arith.constant 64 : i32
    %mul3A_660 = arith.muli %mul3A_658, %mul3A_659 : i32
    %add3A_661 = arith.constant 0 : i32
    %add3A_662 = arith.addi %mul3A_660, %add3A_661 : i32
    %get3A_663 = arith.index_cast %add3A_662 : i32 to index
    %get3A_664 = tpu.vector_load %arg5[%get3A_663] {strides = array<i32>} : memref<25600xi32, #tpu.memory_space<vmem>>, vector<16xi32>,
    %get3A_665 = vector.shape_cast %get3A_664 : vector<16xi32> to vector<16xi32>
    %mul3A_666 = arith.constant 16 : i32
    %mul3A_667 = vector.broadcast %mul3A_666 : i32 to vector<16xi32>
    %mul3A_668 = arith.muli %rem3A_657, %mul3A_667 : vector<16xi32>
    %add3A_669 = arith.addi %mul3A_668, %get3A_665 : vector<16xi32>
    %swap3A_670 = arith.constant 0 : index
    %swap3A_671 = tpu.vector_load %arg13[%swap3A_670] {strides = array<i32>} : memref<64xi32, #tpu.memory_space<vmem>>, vector<16xi32>,
    %swap3A_672 = vector.shape_cast %swap3A_671 : vector<16xi32> to vector<16xi32>
    %swap3A_673 = vector.shape_cast %add3A_669 : vector<16xi32> to vector<16xi32>
    tpu.vector_store %arg13[%swap3A_670], %swap3A_673 {strides = array<i32>} : memref<64xi32, #tpu.memory_space<vmem>>, vector<16xi32>,
    %mul3A_674 = arith.constant 6 : i32
    %mul3A_675 = arith.constant 64 : i32
    %mul3A_676 = arith.muli %mul3A_674, %mul3A_675 : i32
    %add3A_677 = arith.constant 16 : i32
    %add3A_678 = arith.addi %mul3A_676, %add3A_677 : i32
    %add3A_679 = vector.broadcast %add3A_678 : i32 to vector<16xi32>
    %add3A_680 = arith.addi %add3A_679, %iota3A : vector<16xi32>
    %rem3A_681 = arith.constant 200 : i32
    %rem3A_682 = vector.broadcast %rem3A_681 : i32 to vector<16xi32>
    %rem3A_683 = arith.remsi %add3A_680, %rem3A_682 : vector<16xi32>
    %mul3A_684 = arith.constant 6 : i32
    %mul3A_685 = arith.constant 64 : i32
    %mul3A_686 = arith.muli %mul3A_684, %mul3A_685 : i32
    %add3A_687 = arith.constant 16 : i32
    %add3A_688 = arith.addi %mul3A_686, %add3A_687 : i32
    %get3A_689 = arith.index_cast %add3A_688 : i32 to index
    %get3A_690 = tpu.vector_load %arg5[%get3A_689] {strides = array<i32>} : memref<25600xi32, #tpu.memory_space<vmem>>, vector<16xi32>,
    %get3A_691 = vector.shape_cast %get3A_690 : vector<16xi32> to vector<16xi32>
    %mul3A_692 = arith.constant 16 : i32
    %mul3A_693 = vector.broadcast %mul3A_692 : i32 to vector<16xi32>
    %mul3A_694 = arith.muli %rem3A_683, %mul3A_693 : vector<16xi32>
    %add3A_695 = arith.addi %mul3A_694, %get3A_691 : vector<16xi32>
    %swap3A_696 = arith.constant 16 : index
    %swap3A_697 = tpu.vector_load %arg13[%swap3A_696] {strides = array<i32>} : memref<64xi32, #tpu.memory_space<vmem>>, vector<16xi32>,
    %swap3A_698 = vector.shape_cast %swap3A_697 : vector<16xi32> to vector<16xi32>
    %swap3A_699 = vector.shape_cast %add3A_695 : vector<16xi32> to vector<16xi32>
    tpu.vector_store %arg13[%swap3A_696], %swap3A_699 {strides = array<i32>} : memref<64xi32, #tpu.memory_space<vmem>>, vector<16xi32>,
    %mul3A_700 = arith.constant 6 : i32
    %mul3A_701 = arith.constant 64 : i32
    %mul3A_702 = arith.muli %mul3A_700, %mul3A_701 : i32
    %add3A_703 = arith.constant 32 : i32
    %add3A_704 = arith.addi %mul3A_702, %add3A_703 : i32
    %add3A_705 = vector.broadcast %add3A_704 : i32 to vector<16xi32>
    %add3A_706 = arith.addi %add3A_705, %iota3A : vector<16xi32>
    %rem3A_707 = arith.constant 200 : i32
    %rem3A_708 = vector.broadcast %rem3A_707 : i32 to vector<16xi32>
    %rem3A_709 = arith.remsi %add3A_706, %rem3A_708 : vector<16xi32>
    %mul3A_710 = arith.constant 6 : i32
    %mul3A_711 = arith.constant 64 : i32
    %mul3A_712 = arith.muli %mul3A_710, %mul3A_711 : i32
    %add3A_713 = arith.constant 32 : i32
    %add3A_714 = arith.addi %mul3A_712, %add3A_713 : i32
    %get3A_715 = arith.index_cast %add3A_714 : i32 to index
    %get3A_716 = tpu.vector_load %arg5[%get3A_715] {strides = array<i32>} : memref<25600xi32, #tpu.memory_space<vmem>>, vector<16xi32>,
    %get3A_717 = vector.shape_cast %get3A_716 : vector<16xi32> to vector<16xi32>
    %mul3A_718 = arith.constant 16 : i32
    %mul3A_719 = vector.broadcast %mul3A_718 : i32 to vector<16xi32>
    %mul3A_720 = arith.muli %rem3A_709, %mul3A_719 : vector<16xi32>
    %add3A_721 = arith.addi %mul3A_720, %get3A_717 : vector<16xi32>
    %swap3A_722 = arith.constant 32 : index
    %swap3A_723 = tpu.vector_load %arg13[%swap3A_722] {strides = array<i32>} : memref<64xi32, #tpu.memory_space<vmem>>, vector<16xi32>,
    %swap3A_724 = vector.shape_cast %swap3A_723 : vector<16xi32> to vector<16xi32>
    %swap3A_725 = vector.shape_cast %add3A_721 : vector<16xi32> to vector<16xi32>
    tpu.vector_store %arg13[%swap3A_722], %swap3A_725 {strides = array<i32>} : memref<64xi32, #tpu.memory_space<vmem>>, vector<16xi32>,
    %mul3A_726 = arith.constant 6 : i32
    %mul3A_727 = arith.constant 64 : i32
    %mul3A_728 = arith.muli %mul3A_726, %mul3A_727 : i32
    %add3A_729 = arith.constant 48 : i32
    %add3A_730 = arith.addi %mul3A_728, %add3A_729 : i32
    %add3A_731 = vector.broadcast %add3A_730 : i32 to vector<16xi32>
    %add3A_732 = arith.addi %add3A_731, %iota3A : vector<16xi32>
    %rem3A_733 = arith.constant 200 : i32
    %rem3A_734 = vector.broadcast %rem3A_733 : i32 to vector<16xi32>
    %rem3A_735 = arith.remsi %add3A_732, %rem3A_734 : vector<16xi32>
    %mul3A_736 = arith.constant 6 : i32
    %mul3A_737 = arith.constant 64 : i32
    %mul3A_738 = arith.muli %mul3A_736, %mul3A_737 : i32
    %add3A_739 = arith.constant 48 : i32
    %add3A_740 = arith.addi %mul3A_738, %add3A_739 : i32
    %get3A_741 = arith.index_cast %add3A_740 : i32 to index
    %get3A_742 = tpu.vector_load %arg5[%get3A_741] {strides = array<i32>} : memref<25600xi32, #tpu.memory_space<vmem>>, vector<16xi32>,
    %get3A_743 = vector.shape_cast %get3A_742 : vector<16xi32> to vector<16xi32>
    %mul3A_744 = arith.constant 16 : i32
    %mul3A_745 = vector.broadcast %mul3A_744 : i32 to vector<16xi32>
    %mul3A_746 = arith.muli %rem3A_735, %mul3A_745 : vector<16xi32>
    %add3A_747 = arith.addi %mul3A_746, %get3A_743 : vector<16xi32>
    %swap3A_748 = arith.constant 48 : index
    %swap3A_749 = tpu.vector_load %arg13[%swap3A_748] {strides = array<i32>} : memref<64xi32, #tpu.memory_space<vmem>>, vector<16xi32>,
    %swap3A_750 = vector.shape_cast %swap3A_749 : vector<16xi32> to vector<16xi32>
    %swap3A_751 = vector.shape_cast %add3A_747 : vector<16xi32> to vector<16xi32>
    tpu.vector_store %arg13[%swap3A_748], %swap3A_751 {strides = array<i32>} : memref<64xi32, #tpu.memory_space<vmem>>, vector<16xi32>,
    %dma_start3A_752 = arith.constant 0 : i32
    %dma_start3A_753 = arith.constant 0 : i32
    %dma_start3A_754 = tpu.memref_slice %arg6[%dma_start3A_752, %dma_start3A_753] : memref<3200x128xf32, #tpu.memory_space<vmem_shared>> -> memref<3200x128xf32, #tpu.memory_space<vmem_shared>>
    tpu.enqueue_indirect_dma source(%dma_start3A_754 : memref<3200x128xf32, #tpu.memory_space<vmem_shared>>) target(%arg21 : memref<64x128xf32, #tpu.memory_space<vmem>>) offsets(%arg13 : memref<64xi32, #tpu.memory_space<vmem>>) semaphore(%arg29 : memref<!tpu.dma_semaphore, #tpu.memory_space<semaphore_mem>>)
    %mul3A_755 = arith.constant 7 : i32
    %mul3A_756 = arith.constant 64 : i32
    %mul3A_757 = arith.muli %mul3A_755, %mul3A_756 : i32
    %add3A_758 = arith.constant 0 : i32
    %add3A_759 = arith.addi %mul3A_757, %add3A_758 : i32
    %add3A_760 = vector.broadcast %add3A_759 : i32 to vector<16xi32>
    %add3A_761 = arith.addi %add3A_760, %iota3A : vector<16xi32>
    %rem3A_762 = arith.constant 200 : i32
    %rem3A_763 = vector.broadcast %rem3A_762 : i32 to vector<16xi32>
    %rem3A_764 = arith.remsi %add3A_761, %rem3A_763 : vector<16xi32>
    %mul3A_765 = arith.constant 7 : i32
    %mul3A_766 = arith.constant 64 : i32
    %mul3A_767 = arith.muli %mul3A_765, %mul3A_766 : i32
    %add3A_768 = arith.constant 0 : i32
    %add3A_769 = arith.addi %mul3A_767, %add3A_768 : i32
    %get3A_770 = arith.index_cast %add3A_769 : i32 to index
    %get3A_771 = tpu.vector_load %arg5[%get3A_770] {strides = array<i32>} : memref<25600xi32, #tpu.memory_space<vmem>>, vector<16xi32>,
    %get3A_772 = vector.shape_cast %get3A_771 : vector<16xi32> to vector<16xi32>
    %mul3A_773 = arith.constant 16 : i32
    %mul3A_774 = vector.broadcast %mul3A_773 : i32 to vector<16xi32>
    %mul3A_775 = arith.muli %rem3A_764, %mul3A_774 : vector<16xi32>
    %add3A_776 = arith.addi %mul3A_775, %get3A_772 : vector<16xi32>
    %swap3A_777 = arith.constant 0 : index
    %swap3A_778 = tpu.vector_load %arg14[%swap3A_777] {strides = array<i32>} : memref<64xi32, #tpu.memory_space<vmem>>, vector<16xi32>,
    %swap3A_779 = vector.shape_cast %swap3A_778 : vector<16xi32> to vector<16xi32>
    %swap3A_780 = vector.shape_cast %add3A_776 : vector<16xi32> to vector<16xi32>
    tpu.vector_store %arg14[%swap3A_777], %swap3A_780 {strides = array<i32>} : memref<64xi32, #tpu.memory_space<vmem>>, vector<16xi32>,
    %mul3A_781 = arith.constant 7 : i32
    %mul3A_782 = arith.constant 64 : i32
    %mul3A_783 = arith.muli %mul3A_781, %mul3A_782 : i32
    %add3A_784 = arith.constant 16 : i32
    %add3A_785 = arith.addi %mul3A_783, %add3A_784 : i32
    %add3A_786 = vector.broadcast %add3A_785 : i32 to vector<16xi32>
    %add3A_787 = arith.addi %add3A_786, %iota3A : vector<16xi32>
    %rem3A_788 = arith.constant 200 : i32
    %rem3A_789 = vector.broadcast %rem3A_788 : i32 to vector<16xi32>
    %rem3A_790 = arith.remsi %add3A_787, %rem3A_789 : vector<16xi32>
    %mul3A_791 = arith.constant 7 : i32
    %mul3A_792 = arith.constant 64 : i32
    %mul3A_793 = arith.muli %mul3A_791, %mul3A_792 : i32
    %add3A_794 = arith.constant 16 : i32
    %add3A_795 = arith.addi %mul3A_793, %add3A_794 : i32
    %get3A_796 = arith.index_cast %add3A_795 : i32 to index
    %get3A_797 = tpu.vector_load %arg5[%get3A_796] {strides = array<i32>} : memref<25600xi32, #tpu.memory_space<vmem>>, vector<16xi32>,
    %get3A_798 = vector.shape_cast %get3A_797 : vector<16xi32> to vector<16xi32>
    %mul3A_799 = arith.constant 16 : i32
    %mul3A_800 = vector.broadcast %mul3A_799 : i32 to vector<16xi32>
    %mul3A_801 = arith.muli %rem3A_790, %mul3A_800 : vector<16xi32>
    %add3A_802 = arith.addi %mul3A_801, %get3A_798 : vector<16xi32>
    %swap3A_803 = arith.constant 16 : index
    %swap3A_804 = tpu.vector_load %arg14[%swap3A_803] {strides = array<i32>} : memref<64xi32, #tpu.memory_space<vmem>>, vector<16xi32>,
    %swap3A_805 = vector.shape_cast %swap3A_804 : vector<16xi32> to vector<16xi32>
    %swap3A_806 = vector.shape_cast %add3A_802 : vector<16xi32> to vector<16xi32>
    tpu.vector_store %arg14[%swap3A_803], %swap3A_806 {strides = array<i32>} : memref<64xi32, #tpu.memory_space<vmem>>, vector<16xi32>,
    %mul3A_807 = arith.constant 7 : i32
    %mul3A_808 = arith.constant 64 : i32
    %mul3A_809 = arith.muli %mul3A_807, %mul3A_808 : i32
    %add3A_810 = arith.constant 32 : i32
    %add3A_811 = arith.addi %mul3A_809, %add3A_810 : i32
    %add3A_812 = vector.broadcast %add3A_811 : i32 to vector<16xi32>
    %add3A_813 = arith.addi %add3A_812, %iota3A : vector<16xi32>
    %rem3A_814 = arith.constant 200 : i32
    %rem3A_815 = vector.broadcast %rem3A_814 : i32 to vector<16xi32>
    %rem3A_816 = arith.remsi %add3A_813, %rem3A_815 : vector<16xi32>
    %mul3A_817 = arith.constant 7 : i32
    %mul3A_818 = arith.constant 64 : i32
    %mul3A_819 = arith.muli %mul3A_817, %mul3A_818 : i32
    %add3A_820 = arith.constant 32 : i32
    %add3A_821 = arith.addi %mul3A_819, %add3A_820 : i32
    %get3A_822 = arith.index_cast %add3A_821 : i32 to index
    %get3A_823 = tpu.vector_load %arg5[%get3A_822] {strides = array<i32>} : memref<25600xi32, #tpu.memory_space<vmem>>, vector<16xi32>,
    %get3A_824 = vector.shape_cast %get3A_823 : vector<16xi32> to vector<16xi32>
    %mul3A_825 = arith.constant 16 : i32
    %mul3A_826 = vector.broadcast %mul3A_825 : i32 to vector<16xi32>
    %mul3A_827 = arith.muli %rem3A_816, %mul3A_826 : vector<16xi32>
    %add3A_828 = arith.addi %mul3A_827, %get3A_824 : vector<16xi32>
    %swap3A_829 = arith.constant 32 : index
    %swap3A_830 = tpu.vector_load %arg14[%swap3A_829] {strides = array<i32>} : memref<64xi32, #tpu.memory_space<vmem>>, vector<16xi32>,
    %swap3A_831 = vector.shape_cast %swap3A_830 : vector<16xi32> to vector<16xi32>
    %swap3A_832 = vector.shape_cast %add3A_828 : vector<16xi32> to vector<16xi32>
    tpu.vector_store %arg14[%swap3A_829], %swap3A_832 {strides = array<i32>} : memref<64xi32, #tpu.memory_space<vmem>>, vector<16xi32>,
    %mul3A_833 = arith.constant 7 : i32
    %mul3A_834 = arith.constant 64 : i32
    %mul3A_835 = arith.muli %mul3A_833, %mul3A_834 : i32
    %add3A_836 = arith.constant 48 : i32
    %add3A_837 = arith.addi %mul3A_835, %add3A_836 : i32
    %add3A_838 = vector.broadcast %add3A_837 : i32 to vector<16xi32>
    %add3A_839 = arith.addi %add3A_838, %iota3A : vector<16xi32>
    %rem3A_840 = arith.constant 200 : i32
    %rem3A_841 = vector.broadcast %rem3A_840 : i32 to vector<16xi32>
    %rem3A_842 = arith.remsi %add3A_839, %rem3A_841 : vector<16xi32>
    %mul3A_843 = arith.constant 7 : i32
    %mul3A_844 = arith.constant 64 : i32
    %mul3A_845 = arith.muli %mul3A_843, %mul3A_844 : i32
    %add3A_846 = arith.constant 48 : i32
    %add3A_847 = arith.addi %mul3A_845, %add3A_846 : i32
    %get3A_848 = arith.index_cast %add3A_847 : i32 to index
    %get3A_849 = tpu.vector_load %arg5[%get3A_848] {strides = array<i32>} : memref<25600xi32, #tpu.memory_space<vmem>>, vector<16xi32>,
    %get3A_850 = vector.shape_cast %get3A_849 : vector<16xi32> to vector<16xi32>
    %mul3A_851 = arith.constant 16 : i32
    %mul3A_852 = vector.broadcast %mul3A_851 : i32 to vector<16xi32>
    %mul3A_853 = arith.muli %rem3A_842, %mul3A_852 : vector<16xi32>
    %add3A_854 = arith.addi %mul3A_853, %get3A_850 : vector<16xi32>
    %swap3A_855 = arith.constant 48 : index
    %swap3A_856 = tpu.vector_load %arg14[%swap3A_855] {strides = array<i32>} : memref<64xi32, #tpu.memory_space<vmem>>, vector<16xi32>,
    %swap3A_857 = vector.shape_cast %swap3A_856 : vector<16xi32> to vector<16xi32>
    %swap3A_858 = vector.shape_cast %add3A_854 : vector<16xi32> to vector<16xi32>
    tpu.vector_store %arg14[%swap3A_855], %swap3A_858 {strides = array<i32>} : memref<64xi32, #tpu.memory_space<vmem>>, vector<16xi32>,
    %dma_start3A_859 = arith.constant 0 : i32
    %dma_start3A_860 = arith.constant 0 : i32
    %dma_start3A_861 = tpu.memref_slice %arg6[%dma_start3A_859, %dma_start3A_860] : memref<3200x128xf32, #tpu.memory_space<vmem_shared>> -> memref<3200x128xf32, #tpu.memory_space<vmem_shared>>
    tpu.enqueue_indirect_dma source(%dma_start3A_861 : memref<3200x128xf32, #tpu.memory_space<vmem_shared>>) target(%arg22 : memref<64x128xf32, #tpu.memory_space<vmem>>) offsets(%arg14 : memref<64xi32, #tpu.memory_space<vmem>>) semaphore(%arg30 : memref<!tpu.dma_semaphore, #tpu.memory_space<semaphore_mem>>)
    %scan3A = arith.constant 0 : i32
    %scan3A_862 = arith.constant 0 : i32
    %scan3A_863 = arith.constant 49 : i32
    %scan3A_864 = arith.addi %scan3A_862, %scan3A_863 : i32
    %scan3A_865 = arith.constant 1 : i32
    scf.for %scan3A_1083 = %scan3A_862 to %scan3A_864 step %scan3A_865  : i32 {
      %mul3A_1084 = arith.constant 8 : i32
      %mul3A_1085 = arith.muli %scan3A_1083, %mul3A_1084 : i32
      %add3A_1086 = arith.constant 0 : i32
      %add3A_1087 = arith.addi %mul3A_1085, %add3A_1086 : i32
      %dma_wait3A_1088 = arith.constant 0 : i32
      %dma_wait3A_1089 = arith.constant 0 : i32
      %dma_wait3A_1090 = tpu.memref_slice %arg6[%dma_wait3A_1088, %dma_wait3A_1089] : memref<3200x128xf32, #tpu.memory_space<vmem_shared>> -> memref<3200x128xf32, #tpu.memory_space<vmem_shared>>
      tpu.wait_indirect_dma semaphore(%arg23 : memref<!tpu.dma_semaphore, #tpu.memory_space<semaphore_mem>>) src(%dma_wait3A_1090 : memref<3200x128xf32, #tpu.memory_space<vmem_shared>>) dst(%arg15 : memref<64x128xf32, #tpu.memory_space<vmem>>)
      %mul3A_1091 = arith.constant 64 : i32
      %mul3A_1092 = arith.muli %add3A_1087, %mul3A_1091 : i32
      %add3A_1093 = arith.addi %mul3A_2, %mul3A_1092 : i32
      %dma_start3A_1094 = arith.constant 0 : i32
      %dma_start3A_1095 = tpu.memref_slice %arg4[%add3A_1093, %dma_start3A_1094] : memref<819200x128xf32, #tpu.memory_space<hbm>> -> memref<64x128xf32, #tpu.memory_space<hbm>>
      %dma_start3A_1096 = arith.constant 0 : i32
      %dma_start3A_1097 = tpu.memref_slice %arg4[%add3A_1093, %dma_start3A_1096] : memref<819200x128xf32, #tpu.memory_space<hbm>> -> memref<64x128xf32, #tpu.memory_space<hbm>>
      tpu.enqueue_dma source(%arg15 : memref<64x128xf32, #tpu.memory_space<vmem>>) target(%dma_start3A_1097 : memref<64x128xf32, #tpu.memory_space<hbm>>) target_semaphore(%arg31 : memref<!tpu.dma_semaphore, #tpu.memory_space<semaphore_mem>>)
      %mul3A_1098 = arith.constant 8 : i32
      %mul3A_1099 = arith.muli %scan3A_1083, %mul3A_1098 : i32
      %add3A_1100 = arith.constant 1 : i32
      %add3A_1101 = arith.addi %mul3A_1099, %add3A_1100 : i32
      %dma_wait3A_1102 = arith.constant 0 : i32
      %dma_wait3A_1103 = arith.constant 0 : i32
      %dma_wait3A_1104 = tpu.memref_slice %arg6[%dma_wait3A_1102, %dma_wait3A_1103] : memref<3200x128xf32, #tpu.memory_space<vmem_shared>> -> memref<3200x128xf32, #tpu.memory_space<vmem_shared>>
      tpu.wait_indirect_dma semaphore(%arg24 : memref<!tpu.dma_semaphore, #tpu.memory_space<semaphore_mem>>) src(%dma_wait3A_1104 : memref<3200x128xf32, #tpu.memory_space<vmem_shared>>) dst(%arg16 : memref<64x128xf32, #tpu.memory_space<vmem>>)
      %mul3A_1105 = arith.constant 64 : i32
      %mul3A_1106 = arith.muli %add3A_1101, %mul3A_1105 : i32
      %add3A_1107 = arith.addi %mul3A_2, %mul3A_1106 : i32
      %dma_start3A_1108 = arith.constant 0 : i32
      %dma_start3A_1109 = tpu.memref_slice %arg4[%add3A_1107, %dma_start3A_1108] : memref<819200x128xf32, #tpu.memory_space<hbm>> -> memref<64x128xf32, #tpu.memory_space<hbm>>
      %dma_start3A_1110 = arith.constant 0 : i32
      %dma_start3A_1111 = tpu.memref_slice %arg4[%add3A_1107, %dma_start3A_1110] : memref<819200x128xf32, #tpu.memory_space<hbm>> -> memref<64x128xf32, #tpu.memory_space<hbm>>
      tpu.enqueue_dma source(%arg16 : memref<64x128xf32, #tpu.memory_space<vmem>>) target(%dma_start3A_1111 : memref<64x128xf32, #tpu.memory_space<hbm>>) target_semaphore(%arg32 : memref<!tpu.dma_semaphore, #tpu.memory_space<semaphore_mem>>)
      %mul3A_1112 = arith.constant 8 : i32
      %mul3A_1113 = arith.muli %scan3A_1083, %mul3A_1112 : i32
      %add3A_1114 = arith.constant 2 : i32
      %add3A_1115 = arith.addi %mul3A_1113, %add3A_1114 : i32
      %dma_wait3A_1116 = arith.constant 0 : i32
      %dma_wait3A_1117 = arith.constant 0 : i32
      %dma_wait3A_1118 = tpu.memref_slice %arg6[%dma_wait3A_1116, %dma_wait3A_1117] : memref<3200x128xf32, #tpu.memory_space<vmem_shared>> -> memref<3200x128xf32, #tpu.memory_space<vmem_shared>>
      tpu.wait_indirect_dma semaphore(%arg25 : memref<!tpu.dma_semaphore, #tpu.memory_space<semaphore_mem>>) src(%dma_wait3A_1118 : memref<3200x128xf32, #tpu.memory_space<vmem_shared>>) dst(%arg17 : memref<64x128xf32, #tpu.memory_space<vmem>>)
      %mul3A_1119 = arith.constant 64 : i32
      %mul3A_1120 = arith.muli %add3A_1115, %mul3A_1119 : i32
      %add3A_1121 = arith.addi %mul3A_2, %mul3A_1120 : i32
      %dma_start3A_1122 = arith.constant 0 : i32
      %dma_start3A_1123 = tpu.memref_slice %arg4[%add3A_1121, %dma_start3A_1122] : memref<819200x128xf32, #tpu.memory_space<hbm>> -> memref<64x128xf32, #tpu.memory_space<hbm>>
      %dma_start3A_1124 = arith.constant 0 : i32
      %dma_start3A_1125 = tpu.memref_slice %arg4[%add3A_1121, %dma_start3A_1124] : memref<819200x128xf32, #tpu.memory_space<hbm>> -> memref<64x128xf32, #tpu.memory_space<hbm>>
      tpu.enqueue_dma source(%arg17 : memref<64x128xf32, #tpu.memory_space<vmem>>) target(%dma_start3A_1125 : memref<64x128xf32, #tpu.memory_space<hbm>>) target_semaphore(%arg33 : memref<!tpu.dma_semaphore, #tpu.memory_space<semaphore_mem>>)
      %mul3A_1126 = arith.constant 8 : i32
      %mul3A_1127 = arith.muli %scan3A_1083, %mul3A_1126 : i32
      %add3A_1128 = arith.constant 3 : i32
      %add3A_1129 = arith.addi %mul3A_1127, %add3A_1128 : i32
      %dma_wait3A_1130 = arith.constant 0 : i32
      %dma_wait3A_1131 = arith.constant 0 : i32
      %dma_wait3A_1132 = tpu.memref_slice %arg6[%dma_wait3A_1130, %dma_wait3A_1131] : memref<3200x128xf32, #tpu.memory_space<vmem_shared>> -> memref<3200x128xf32, #tpu.memory_space<vmem_shared>>
      tpu.wait_indirect_dma semaphore(%arg26 : memref<!tpu.dma_semaphore, #tpu.memory_space<semaphore_mem>>) src(%dma_wait3A_1132 : memref<3200x128xf32, #tpu.memory_space<vmem_shared>>) dst(%arg18 : memref<64x128xf32, #tpu.memory_space<vmem>>)
      %mul3A_1133 = arith.constant 64 : i32
      %mul3A_1134 = arith.muli %add3A_1129, %mul3A_1133 : i32
      %add3A_1135 = arith.addi %mul3A_2, %mul3A_1134 : i32
      %dma_start3A_1136 = arith.constant 0 : i32
      %dma_start3A_1137 = tpu.memref_slice %arg4[%add3A_1135, %dma_start3A_1136] : memref<819200x128xf32, #tpu.memory_space<hbm>> -> memref<64x128xf32, #tpu.memory_space<hbm>>
      %dma_start3A_1138 = arith.constant 0 : i32
      %dma_start3A_1139 = tpu.memref_slice %arg4[%add3A_1135, %dma_start3A_1138] : memref<819200x128xf32, #tpu.memory_space<hbm>> -> memref<64x128xf32, #tpu.memory_space<hbm>>
      tpu.enqueue_dma source(%arg18 : memref<64x128xf32, #tpu.memory_space<vmem>>) target(%dma_start3A_1139 : memref<64x128xf32, #tpu.memory_space<hbm>>) target_semaphore(%arg34 : memref<!tpu.dma_semaphore, #tpu.memory_space<semaphore_mem>>)
      %mul3A_1140 = arith.constant 8 : i32
      %mul3A_1141 = arith.muli %scan3A_1083, %mul3A_1140 : i32
      %add3A_1142 = arith.constant 4 : i32
      %add3A_1143 = arith.addi %mul3A_1141, %add3A_1142 : i32
      %dma_wait3A_1144 = arith.constant 0 : i32
      %dma_wait3A_1145 = arith.constant 0 : i32
      %dma_wait3A_1146 = tpu.memref_slice %arg6[%dma_wait3A_1144, %dma_wait3A_1145] : memref<3200x128xf32, #tpu.memory_space<vmem_shared>> -> memref<3200x128xf32, #tpu.memory_space<vmem_shared>>
      tpu.wait_indirect_dma semaphore(%arg27 : memref<!tpu.dma_semaphore, #tpu.memory_space<semaphore_mem>>) src(%dma_wait3A_1146 : memref<3200x128xf32, #tpu.memory_space<vmem_shared>>) dst(%arg19 : memref<64x128xf32, #tpu.memory_space<vmem>>)
      %mul3A_1147 = arith.constant 64 : i32
      %mul3A_1148 = arith.muli %add3A_1143, %mul3A_1147 : i32
      %add3A_1149 = arith.addi %mul3A_2, %mul3A_1148 : i32
      %dma_start3A_1150 = arith.constant 0 : i32
      %dma_start3A_1151 = tpu.memref_slice %arg4[%add3A_1149, %dma_start3A_1150] : memref<819200x128xf32, #tpu.memory_space<hbm>> -> memref<64x128xf32, #tpu.memory_space<hbm>>
      %dma_start3A_1152 = arith.constant 0 : i32
      %dma_start3A_1153 = tpu.memref_slice %arg4[%add3A_1149, %dma_start3A_1152] : memref<819200x128xf32, #tpu.memory_space<hbm>> -> memref<64x128xf32, #tpu.memory_space<hbm>>
      tpu.enqueue_dma source(%arg19 : memref<64x128xf32, #tpu.memory_space<vmem>>) target(%dma_start3A_1153 : memref<64x128xf32, #tpu.memory_space<hbm>>) target_semaphore(%arg35 : memref<!tpu.dma_semaphore, #tpu.memory_space<semaphore_mem>>)
      %mul3A_1154 = arith.constant 8 : i32
      %mul3A_1155 = arith.muli %scan3A_1083, %mul3A_1154 : i32
      %add3A_1156 = arith.constant 5 : i32
      %add3A_1157 = arith.addi %mul3A_1155, %add3A_1156 : i32
      %dma_wait3A_1158 = arith.constant 0 : i32
      %dma_wait3A_1159 = arith.constant 0 : i32
      %dma_wait3A_1160 = tpu.memref_slice %arg6[%dma_wait3A_1158, %dma_wait3A_1159] : memref<3200x128xf32, #tpu.memory_space<vmem_shared>> -> memref<3200x128xf32, #tpu.memory_space<vmem_shared>>
      tpu.wait_indirect_dma semaphore(%arg28 : memref<!tpu.dma_semaphore, #tpu.memory_space<semaphore_mem>>) src(%dma_wait3A_1160 : memref<3200x128xf32, #tpu.memory_space<vmem_shared>>) dst(%arg20 : memref<64x128xf32, #tpu.memory_space<vmem>>)
      %mul3A_1161 = arith.constant 64 : i32
      %mul3A_1162 = arith.muli %add3A_1157, %mul3A_1161 : i32
      %add3A_1163 = arith.addi %mul3A_2, %mul3A_1162 : i32
      %dma_start3A_1164 = arith.constant 0 : i32
      %dma_start3A_1165 = tpu.memref_slice %arg4[%add3A_1163, %dma_start3A_1164] : memref<819200x128xf32, #tpu.memory_space<hbm>> -> memref<64x128xf32, #tpu.memory_space<hbm>>
      %dma_start3A_1166 = arith.constant 0 : i32
      %dma_start3A_1167 = tpu.memref_slice %arg4[%add3A_1163, %dma_start3A_1166] : memref<819200x128xf32, #tpu.memory_space<hbm>> -> memref<64x128xf32, #tpu.memory_space<hbm>>
      tpu.enqueue_dma source(%arg20 : memref<64x128xf32, #tpu.memory_space<vmem>>) target(%dma_start3A_1167 : memref<64x128xf32, #tpu.memory_space<hbm>>) target_semaphore(%arg36 : memref<!tpu.dma_semaphore, #tpu.memory_space<semaphore_mem>>)
      %mul3A_1168 = arith.constant 8 : i32
      %mul3A_1169 = arith.muli %scan3A_1083, %mul3A_1168 : i32
      %add3A_1170 = arith.constant 6 : i32
      %add3A_1171 = arith.addi %mul3A_1169, %add3A_1170 : i32
      %dma_wait3A_1172 = arith.constant 0 : i32
      %dma_wait3A_1173 = arith.constant 0 : i32
      %dma_wait3A_1174 = tpu.memref_slice %arg6[%dma_wait3A_1172, %dma_wait3A_1173] : memref<3200x128xf32, #tpu.memory_space<vmem_shared>> -> memref<3200x128xf32, #tpu.memory_space<vmem_shared>>
      tpu.wait_indirect_dma semaphore(%arg29 : memref<!tpu.dma_semaphore, #tpu.memory_space<semaphore_mem>>) src(%dma_wait3A_1174 : memref<3200x128xf32, #tpu.memory_space<vmem_shared>>) dst(%arg21 : memref<64x128xf32, #tpu.memory_space<vmem>>)
      %mul3A_1175 = arith.constant 64 : i32
      %mul3A_1176 = arith.muli %add3A_1171, %mul3A_1175 : i32
      %add3A_1177 = arith.addi %mul3A_2, %mul3A_1176 : i32
      %dma_start3A_1178 = arith.constant 0 : i32
      %dma_start3A_1179 = tpu.memref_slice %arg4[%add3A_1177, %dma_start3A_1178] : memref<819200x128xf32, #tpu.memory_space<hbm>> -> memref<64x128xf32, #tpu.memory_space<hbm>>
      %dma_start3A_1180 = arith.constant 0 : i32
      %dma_start3A_1181 = tpu.memref_slice %arg4[%add3A_1177, %dma_start3A_1180] : memref<819200x128xf32, #tpu.memory_space<hbm>> -> memref<64x128xf32, #tpu.memory_space<hbm>>
      tpu.enqueue_dma source(%arg21 : memref<64x128xf32, #tpu.memory_space<vmem>>) target(%dma_start3A_1181 : memref<64x128xf32, #tpu.memory_space<hbm>>) target_semaphore(%arg37 : memref<!tpu.dma_semaphore, #tpu.memory_space<semaphore_mem>>)
      %mul3A_1182 = arith.constant 8 : i32
      %mul3A_1183 = arith.muli %scan3A_1083, %mul3A_1182 : i32
      %add3A_1184 = arith.constant 7 : i32
      %add3A_1185 = arith.addi %mul3A_1183, %add3A_1184 : i32
      %dma_wait3A_1186 = arith.constant 0 : i32
      %dma_wait3A_1187 = arith.constant 0 : i32
      %dma_wait3A_1188 = tpu.memref_slice %arg6[%dma_wait3A_1186, %dma_wait3A_1187] : memref<3200x128xf32, #tpu.memory_space<vmem_shared>> -> memref<3200x128xf32, #tpu.memory_space<vmem_shared>>
      tpu.wait_indirect_dma semaphore(%arg30 : memref<!tpu.dma_semaphore, #tpu.memory_space<semaphore_mem>>) src(%dma_wait3A_1188 : memref<3200x128xf32, #tpu.memory_space<vmem_shared>>) dst(%arg22 : memref<64x128xf32, #tpu.memory_space<vmem>>)
      %mul3A_1189 = arith.constant 64 : i32
      %mul3A_1190 = arith.muli %add3A_1185, %mul3A_1189 : i32
      %add3A_1191 = arith.addi %mul3A_2, %mul3A_1190 : i32
      %dma_start3A_1192 = arith.constant 0 : i32
      %dma_start3A_1193 = tpu.memref_slice %arg4[%add3A_1191, %dma_start3A_1192] : memref<819200x128xf32, #tpu.memory_space<hbm>> -> memref<64x128xf32, #tpu.memory_space<hbm>>
      %dma_start3A_1194 = arith.constant 0 : i32
      %dma_start3A_1195 = tpu.memref_slice %arg4[%add3A_1191, %dma_start3A_1194] : memref<819200x128xf32, #tpu.memory_space<hbm>> -> memref<64x128xf32, #tpu.memory_space<hbm>>
      tpu.enqueue_dma source(%arg22 : memref<64x128xf32, #tpu.memory_space<vmem>>) target(%dma_start3A_1195 : memref<64x128xf32, #tpu.memory_space<hbm>>) target_semaphore(%arg38 : memref<!tpu.dma_semaphore, #tpu.memory_space<semaphore_mem>>)
      %mul3A_1196 = arith.constant 8 : i32
      %mul3A_1197 = arith.muli %scan3A_1083, %mul3A_1196 : i32
      %add3A_1198 = arith.constant 0 : i32
      %add3A_1199 = arith.addi %mul3A_1197, %add3A_1198 : i32
      %mul3A_1200 = arith.constant 64 : i32
      %mul3A_1201 = arith.muli %add3A_1199, %mul3A_1200 : i32
      %add3A_1202 = arith.addi %mul3A_2, %mul3A_1201 : i32
      %dma_wait3A_1203 = arith.constant 0 : i32
      %dma_wait3A_1204 = tpu.memref_slice %arg4[%add3A_1202, %dma_wait3A_1203] : memref<819200x128xf32, #tpu.memory_space<hbm>> -> memref<64x128xf32, #tpu.memory_space<hbm>>
      %dma_wait3A_1205 = arith.constant 0 : i32
      %dma_wait3A_1206 = tpu.memref_slice %arg4[%add3A_1202, %dma_wait3A_1205] : memref<819200x128xf32, #tpu.memory_space<hbm>> -> memref<64x128xf32, #tpu.memory_space<hbm>>
      tpu.wait_dma2 semaphore(%arg31 : memref<!tpu.dma_semaphore, #tpu.memory_space<semaphore_mem>>) src(%arg15 : memref<64x128xf32, #tpu.memory_space<vmem>>) dst(%dma_wait3A_1206 : memref<64x128xf32, #tpu.memory_space<hbm>>)
      %add3A_1207 = arith.constant 8 : i32
      %add3A_1208 = arith.addi %add3A_1199, %add3A_1207 : i32
      %mul3A_1209 = arith.constant 64 : i32
      %mul3A_1210 = arith.muli %add3A_1208, %mul3A_1209 : i32
      %add3A_1211 = arith.constant 0 : i32
      %add3A_1212 = arith.addi %mul3A_1210, %add3A_1211 : i32
      %add3A_1213 = vector.broadcast %add3A_1212 : i32 to vector<16xi32>
      %add3A_1214 = arith.addi %add3A_1213, %iota3A : vector<16xi32>
      %rem3A_1215 = arith.constant 200 : i32
      %rem3A_1216 = vector.broadcast %rem3A_1215 : i32 to vector<16xi32>
      %rem3A_1217 = arith.remsi %add3A_1214, %rem3A_1216 : vector<16xi32>
      %mul3A_1218 = arith.constant 64 : i32
      %mul3A_1219 = arith.muli %add3A_1208, %mul3A_1218 : i32
      %add3A_1220 = arith.constant 0 : i32
      %add3A_1221 = arith.addi %mul3A_1219, %add3A_1220 : i32
      %get3A_1222 = arith.index_cast %add3A_1221 : i32 to index
      %get3A_1223 = tpu.vector_load %arg5[%get3A_1222] {strides = array<i32>} : memref<25600xi32, #tpu.memory_space<vmem>>, vector<16xi32>,
      %get3A_1224 = vector.shape_cast %get3A_1223 : vector<16xi32> to vector<16xi32>
      %mul3A_1225 = arith.constant 16 : i32
      %mul3A_1226 = vector.broadcast %mul3A_1225 : i32 to vector<16xi32>
      %mul3A_1227 = arith.muli %rem3A_1217, %mul3A_1226 : vector<16xi32>
      %add3A_1228 = arith.addi %mul3A_1227, %get3A_1224 : vector<16xi32>
      %swap3A_1229 = arith.constant 0 : index
      %swap3A_1230 = tpu.vector_load %arg7[%swap3A_1229] {strides = array<i32>} : memref<64xi32, #tpu.memory_space<vmem>>, vector<16xi32>,
      %swap3A_1231 = vector.shape_cast %swap3A_1230 : vector<16xi32> to vector<16xi32>
      %swap3A_1232 = vector.shape_cast %add3A_1228 : vector<16xi32> to vector<16xi32>
      tpu.vector_store %arg7[%swap3A_1229], %swap3A_1232 {strides = array<i32>} : memref<64xi32, #tpu.memory_space<vmem>>, vector<16xi32>,
      %mul3A_1233 = arith.constant 64 : i32
      %mul3A_1234 = arith.muli %add3A_1208, %mul3A_1233 : i32
      %add3A_1235 = arith.constant 16 : i32
      %add3A_1236 = arith.addi %mul3A_1234, %add3A_1235 : i32
      %add3A_1237 = vector.broadcast %add3A_1236 : i32 to vector<16xi32>
      %add3A_1238 = arith.addi %add3A_1237, %iota3A : vector<16xi32>
      %rem3A_1239 = arith.constant 200 : i32
      %rem3A_1240 = vector.broadcast %rem3A_1239 : i32 to vector<16xi32>
      %rem3A_1241 = arith.remsi %add3A_1238, %rem3A_1240 : vector<16xi32>
      %mul3A_1242 = arith.constant 64 : i32
      %mul3A_1243 = arith.muli %add3A_1208, %mul3A_1242 : i32
      %add3A_1244 = arith.constant 16 : i32
      %add3A_1245 = arith.addi %mul3A_1243, %add3A_1244 : i32
      %get3A_1246 = arith.index_cast %add3A_1245 : i32 to index
      %get3A_1247 = tpu.vector_load %arg5[%get3A_1246] {strides = array<i32>} : memref<25600xi32, #tpu.memory_space<vmem>>, vector<16xi32>,
      %get3A_1248 = vector.shape_cast %get3A_1247 : vector<16xi32> to vector<16xi32>
      %mul3A_1249 = arith.constant 16 : i32
      %mul3A_1250 = vector.broadcast %mul3A_1249 : i32 to vector<16xi32>
      %mul3A_1251 = arith.muli %rem3A_1241, %mul3A_1250 : vector<16xi32>
      %add3A_1252 = arith.addi %mul3A_1251, %get3A_1248 : vector<16xi32>
      %swap3A_1253 = arith.constant 16 : index
      %swap3A_1254 = tpu.vector_load %arg7[%swap3A_1253] {strides = array<i32>} : memref<64xi32, #tpu.memory_space<vmem>>, vector<16xi32>,
      %swap3A_1255 = vector.shape_cast %swap3A_1254 : vector<16xi32> to vector<16xi32>
      %swap3A_1256 = vector.shape_cast %add3A_1252 : vector<16xi32> to vector<16xi32>
      tpu.vector_store %arg7[%swap3A_1253], %swap3A_1256 {strides = array<i32>} : memref<64xi32, #tpu.memory_space<vmem>>, vector<16xi32>,
      %mul3A_1257 = arith.constant 64 : i32
      %mul3A_1258 = arith.muli %add3A_1208, %mul3A_1257 : i32
      %add3A_1259 = arith.constant 32 : i32
      %add3A_1260 = arith.addi %mul3A_1258, %add3A_1259 : i32
      %add3A_1261 = vector.broadcast %add3A_1260 : i32 to vector<16xi32>
      %add3A_1262 = arith.addi %add3A_1261, %iota3A : vector<16xi32>
      %rem3A_1263 = arith.constant 200 : i32
      %rem3A_1264 = vector.broadcast %rem3A_1263 : i32 to vector<16xi32>
      %rem3A_1265 = arith.remsi %add3A_1262, %rem3A_1264 : vector<16xi32>
      %mul3A_1266 = arith.constant 64 : i32
      %mul3A_1267 = arith.muli %add3A_1208, %mul3A_1266 : i32
      %add3A_1268 = arith.constant 32 : i32
      %add3A_1269 = arith.addi %mul3A_1267, %add3A_1268 : i32
      %get3A_1270 = arith.index_cast %add3A_1269 : i32 to index
      %get3A_1271 = tpu.vector_load %arg5[%get3A_1270] {strides = array<i32>} : memref<25600xi32, #tpu.memory_space<vmem>>, vector<16xi32>,
      %get3A_1272 = vector.shape_cast %get3A_1271 : vector<16xi32> to vector<16xi32>
      %mul3A_1273 = arith.constant 16 : i32
      %mul3A_1274 = vector.broadcast %mul3A_1273 : i32 to vector<16xi32>
      %mul3A_1275 = arith.muli %rem3A_1265, %mul3A_1274 : vector<16xi32>
      %add3A_1276 = arith.addi %mul3A_1275, %get3A_1272 : vector<16xi32>
      %swap3A_1277 = arith.constant 32 : index
      %swap3A_1278 = tpu.vector_load %arg7[%swap3A_1277] {strides = array<i32>} : memref<64xi32, #tpu.memory_space<vmem>>, vector<16xi32>,
      %swap3A_1279 = vector.shape_cast %swap3A_1278 : vector<16xi32> to vector<16xi32>
      %swap3A_1280 = vector.shape_cast %add3A_1276 : vector<16xi32> to vector<16xi32>
      tpu.vector_store %arg7[%swap3A_1277], %swap3A_1280 {strides = array<i32>} : memref<64xi32, #tpu.memory_space<vmem>>, vector<16xi32>,
      %mul3A_1281 = arith.constant 64 : i32
      %mul3A_1282 = arith.muli %add3A_1208, %mul3A_1281 : i32
      %add3A_1283 = arith.constant 48 : i32
      %add3A_1284 = arith.addi %mul3A_1282, %add3A_1283 : i32
      %add3A_1285 = vector.broadcast %add3A_1284 : i32 to vector<16xi32>
      %add3A_1286 = arith.addi %add3A_1285, %iota3A : vector<16xi32>
      %rem3A_1287 = arith.constant 200 : i32
      %rem3A_1288 = vector.broadcast %rem3A_1287 : i32 to vector<16xi32>
      %rem3A_1289 = arith.remsi %add3A_1286, %rem3A_1288 : vector<16xi32>
      %mul3A_1290 = arith.constant 64 : i32
      %mul3A_1291 = arith.muli %add3A_1208, %mul3A_1290 : i32
      %add3A_1292 = arith.constant 48 : i32
      %add3A_1293 = arith.addi %mul3A_1291, %add3A_1292 : i32
      %get3A_1294 = arith.index_cast %add3A_1293 : i32 to index
      %get3A_1295 = tpu.vector_load %arg5[%get3A_1294] {strides = array<i32>} : memref<25600xi32, #tpu.memory_space<vmem>>, vector<16xi32>,
      %get3A_1296 = vector.shape_cast %get3A_1295 : vector<16xi32> to vector<16xi32>
      %mul3A_1297 = arith.constant 16 : i32
      %mul3A_1298 = vector.broadcast %mul3A_1297 : i32 to vector<16xi32>
      %mul3A_1299 = arith.muli %rem3A_1289, %mul3A_1298 : vector<16xi32>
      %add3A_1300 = arith.addi %mul3A_1299, %get3A_1296 : vector<16xi32>
      %swap3A_1301 = arith.constant 48 : index
      %swap3A_1302 = tpu.vector_load %arg7[%swap3A_1301] {strides = array<i32>} : memref<64xi32, #tpu.memory_space<vmem>>, vector<16xi32>,
      %swap3A_1303 = vector.shape_cast %swap3A_1302 : vector<16xi32> to vector<16xi32>
      %swap3A_1304 = vector.shape_cast %add3A_1300 : vector<16xi32> to vector<16xi32>
      tpu.vector_store %arg7[%swap3A_1301], %swap3A_1304 {strides = array<i32>} : memref<64xi32, #tpu.memory_space<vmem>>, vector<16xi32>,
      %dma_start3A_1305 = arith.constant 0 : i32
      %dma_start3A_1306 = arith.constant 0 : i32
      %dma_start3A_1307 = tpu.memref_slice %arg6[%dma_start3A_1305, %dma_start3A_1306] : memref<3200x128xf32, #tpu.memory_space<vmem_shared>> -> memref<3200x128xf32, #tpu.memory_space<vmem_shared>>
      tpu.enqueue_indirect_dma source(%dma_start3A_1307 : memref<3200x128xf32, #tpu.memory_space<vmem_shared>>) target(%arg15 : memref<64x128xf32, #tpu.memory_space<vmem>>) offsets(%arg7 : memref<64xi32, #tpu.memory_space<vmem>>) semaphore(%arg23 : memref<!tpu.dma_semaphore, #tpu.memory_space<semaphore_mem>>)
      %mul3A_1308 = arith.constant 8 : i32
      %mul3A_1309 = arith.muli %scan3A_1083, %mul3A_1308 : i32
      %add3A_1310 = arith.constant 1 : i32
      %add3A_1311 = arith.addi %mul3A_1309, %add3A_1310 : i32
      %mul3A_1312 = arith.constant 64 : i32
      %mul3A_1313 = arith.muli %add3A_1311, %mul3A_1312 : i32
      %add3A_1314 = arith.addi %mul3A_2, %mul3A_1313 : i32
      %dma_wait3A_1315 = arith.constant 0 : i32
      %dma_wait3A_1316 = tpu.memref_slice %arg4[%add3A_1314, %dma_wait3A_1315] : memref<819200x128xf32, #tpu.memory_space<hbm>> -> memref<64x128xf32, #tpu.memory_space<hbm>>
      %dma_wait3A_1317 = arith.constant 0 : i32
      %dma_wait3A_1318 = tpu.memref_slice %arg4[%add3A_1314, %dma_wait3A_1317] : memref<819200x128xf32, #tpu.memory_space<hbm>> -> memref<64x128xf32, #tpu.memory_space<hbm>>
      tpu.wait_dma2 semaphore(%arg32 : memref<!tpu.dma_semaphore, #tpu.memory_space<semaphore_mem>>) src(%arg16 : memref<64x128xf32, #tpu.memory_space<vmem>>) dst(%dma_wait3A_1318 : memref<64x128xf32, #tpu.memory_space<hbm>>)
      %add3A_1319 = arith.constant 8 : i32
      %add3A_1320 = arith.addi %add3A_1311, %add3A_1319 : i32
      %mul3A_1321 = arith.constant 64 : i32
      %mul3A_1322 = arith.muli %add3A_1320, %mul3A_1321 : i32
      %add3A_1323 = arith.constant 0 : i32
      %add3A_1324 = arith.addi %mul3A_1322, %add3A_1323 : i32
      %add3A_1325 = vector.broadcast %add3A_1324 : i32 to vector<16xi32>
      %add3A_1326 = arith.addi %add3A_1325, %iota3A : vector<16xi32>
      %rem3A_1327 = arith.constant 200 : i32
      %rem3A_1328 = vector.broadcast %rem3A_1327 : i32 to vector<16xi32>
      %rem3A_1329 = arith.remsi %add3A_1326, %rem3A_1328 : vector<16xi32>
      %mul3A_1330 = arith.constant 64 : i32
      %mul3A_1331 = arith.muli %add3A_1320, %mul3A_1330 : i32
      %add3A_1332 = arith.constant 0 : i32
      %add3A_1333 = arith.addi %mul3A_1331, %add3A_1332 : i32
      %get3A_1334 = arith.index_cast %add3A_1333 : i32 to index
      %get3A_1335 = tpu.vector_load %arg5[%get3A_1334] {strides = array<i32>} : memref<25600xi32, #tpu.memory_space<vmem>>, vector<16xi32>,
      %get3A_1336 = vector.shape_cast %get3A_1335 : vector<16xi32> to vector<16xi32>
      %mul3A_1337 = arith.constant 16 : i32
      %mul3A_1338 = vector.broadcast %mul3A_1337 : i32 to vector<16xi32>
      %mul3A_1339 = arith.muli %rem3A_1329, %mul3A_1338 : vector<16xi32>
      %add3A_1340 = arith.addi %mul3A_1339, %get3A_1336 : vector<16xi32>
      %swap3A_1341 = arith.constant 0 : index
      %swap3A_1342 = tpu.vector_load %arg8[%swap3A_1341] {strides = array<i32>} : memref<64xi32, #tpu.memory_space<vmem>>, vector<16xi32>,
      %swap3A_1343 = vector.shape_cast %swap3A_1342 : vector<16xi32> to vector<16xi32>
      %swap3A_1344 = vector.shape_cast %add3A_1340 : vector<16xi32> to vector<16xi32>
      tpu.vector_store %arg8[%swap3A_1341], %swap3A_1344 {strides = array<i32>} : memref<64xi32, #tpu.memory_space<vmem>>, vector<16xi32>,
      %mul3A_1345 = arith.constant 64 : i32
      %mul3A_1346 = arith.muli %add3A_1320, %mul3A_1345 : i32
      %add3A_1347 = arith.constant 16 : i32
      %add3A_1348 = arith.addi %mul3A_1346, %add3A_1347 : i32
      %add3A_1349 = vector.broadcast %add3A_1348 : i32 to vector<16xi32>
      %add3A_1350 = arith.addi %add3A_1349, %iota3A : vector<16xi32>
      %rem3A_1351 = arith.constant 200 : i32
      %rem3A_1352 = vector.broadcast %rem3A_1351 : i32 to vector<16xi32>
      %rem3A_1353 = arith.remsi %add3A_1350, %rem3A_1352 : vector<16xi32>
      %mul3A_1354 = arith.constant 64 : i32
      %mul3A_1355 = arith.muli %add3A_1320, %mul3A_1354 : i32
      %add3A_1356 = arith.constant 16 : i32
      %add3A_1357 = arith.addi %mul3A_1355, %add3A_1356 : i32
      %get3A_1358 = arith.index_cast %add3A_1357 : i32 to index
      %get3A_1359 = tpu.vector_load %arg5[%get3A_1358] {strides = array<i32>} : memref<25600xi32, #tpu.memory_space<vmem>>, vector<16xi32>,
      %get3A_1360 = vector.shape_cast %get3A_1359 : vector<16xi32> to vector<16xi32>
      %mul3A_1361 = arith.constant 16 : i32
      %mul3A_1362 = vector.broadcast %mul3A_1361 : i32 to vector<16xi32>
      %mul3A_1363 = arith.muli %rem3A_1353, %mul3A_1362 : vector<16xi32>
      %add3A_1364 = arith.addi %mul3A_1363, %get3A_1360 : vector<16xi32>
      %swap3A_1365 = arith.constant 16 : index
      %swap3A_1366 = tpu.vector_load %arg8[%swap3A_1365] {strides = array<i32>} : memref<64xi32, #tpu.memory_space<vmem>>, vector<16xi32>,
      %swap3A_1367 = vector.shape_cast %swap3A_1366 : vector<16xi32> to vector<16xi32>
      %swap3A_1368 = vector.shape_cast %add3A_1364 : vector<16xi32> to vector<16xi32>
      tpu.vector_store %arg8[%swap3A_1365], %swap3A_1368 {strides = array<i32>} : memref<64xi32, #tpu.memory_space<vmem>>, vector<16xi32>,
      %mul3A_1369 = arith.constant 64 : i32
      %mul3A_1370 = arith.muli %add3A_1320, %mul3A_1369 : i32
      %add3A_1371 = arith.constant 32 : i32
      %add3A_1372 = arith.addi %mul3A_1370, %add3A_1371 : i32
      %add3A_1373 = vector.broadcast %add3A_1372 : i32 to vector<16xi32>
      %add3A_1374 = arith.addi %add3A_1373, %iota3A : vector<16xi32>
      %rem3A_1375 = arith.constant 200 : i32
      %rem3A_1376 = vector.broadcast %rem3A_1375 : i32 to vector<16xi32>
      %rem3A_1377 = arith.remsi %add3A_1374, %rem3A_1376 : vector<16xi32>
      %mul3A_1378 = arith.constant 64 : i32
      %mul3A_1379 = arith.muli %add3A_1320, %mul3A_1378 : i32
      %add3A_1380 = arith.constant 32 : i32
      %add3A_1381 = arith.addi %mul3A_1379, %add3A_1380 : i32
      %get3A_1382 = arith.index_cast %add3A_1381 : i32 to index
      %get3A_1383 = tpu.vector_load %arg5[%get3A_1382] {strides = array<i32>} : memref<25600xi32, #tpu.memory_space<vmem>>, vector<16xi32>,
      %get3A_1384 = vector.shape_cast %get3A_1383 : vector<16xi32> to vector<16xi32>
      %mul3A_1385 = arith.constant 16 : i32
      %mul3A_1386 = vector.broadcast %mul3A_1385 : i32 to vector<16xi32>
      %mul3A_1387 = arith.muli %rem3A_1377, %mul3A_1386 : vector<16xi32>
      %add3A_1388 = arith.addi %mul3A_1387, %get3A_1384 : vector<16xi32>
      %swap3A_1389 = arith.constant 32 : index
      %swap3A_1390 = tpu.vector_load %arg8[%swap3A_1389] {strides = array<i32>} : memref<64xi32, #tpu.memory_space<vmem>>, vector<16xi32>,
      %swap3A_1391 = vector.shape_cast %swap3A_1390 : vector<16xi32> to vector<16xi32>
      %swap3A_1392 = vector.shape_cast %add3A_1388 : vector<16xi32> to vector<16xi32>
      tpu.vector_store %arg8[%swap3A_1389], %swap3A_1392 {strides = array<i32>} : memref<64xi32, #tpu.memory_space<vmem>>, vector<16xi32>,
      %mul3A_1393 = arith.constant 64 : i32
      %mul3A_1394 = arith.muli %add3A_1320, %mul3A_1393 : i32
      %add3A_1395 = arith.constant 48 : i32
      %add3A_1396 = arith.addi %mul3A_1394, %add3A_1395 : i32
      %add3A_1397 = vector.broadcast %add3A_1396 : i32 to vector<16xi32>
      %add3A_1398 = arith.addi %add3A_1397, %iota3A : vector<16xi32>
      %rem3A_1399 = arith.constant 200 : i32
      %rem3A_1400 = vector.broadcast %rem3A_1399 : i32 to vector<16xi32>
      %rem3A_1401 = arith.remsi %add3A_1398, %rem3A_1400 : vector<16xi32>
      %mul3A_1402 = arith.constant 64 : i32
      %mul3A_1403 = arith.muli %add3A_1320, %mul3A_1402 : i32
      %add3A_1404 = arith.constant 48 : i32
      %add3A_1405 = arith.addi %mul3A_1403, %add3A_1404 : i32
      %get3A_1406 = arith.index_cast %add3A_1405 : i32 to index
      %get3A_1407 = tpu.vector_load %arg5[%get3A_1406] {strides = array<i32>} : memref<25600xi32, #tpu.memory_space<vmem>>, vector<16xi32>,
      %get3A_1408 = vector.shape_cast %get3A_1407 : vector<16xi32> to vector<16xi32>
      %mul3A_1409 = arith.constant 16 : i32
      %mul3A_1410 = vector.broadcast %mul3A_1409 : i32 to vector<16xi32>
      %mul3A_1411 = arith.muli %rem3A_1401, %mul3A_1410 : vector<16xi32>
      %add3A_1412 = arith.addi %mul3A_1411, %get3A_1408 : vector<16xi32>
      %swap3A_1413 = arith.constant 48 : index
      %swap3A_1414 = tpu.vector_load %arg8[%swap3A_1413] {strides = array<i32>} : memref<64xi32, #tpu.memory_space<vmem>>, vector<16xi32>,
      %swap3A_1415 = vector.shape_cast %swap3A_1414 : vector<16xi32> to vector<16xi32>
      %swap3A_1416 = vector.shape_cast %add3A_1412 : vector<16xi32> to vector<16xi32>
      tpu.vector_store %arg8[%swap3A_1413], %swap3A_1416 {strides = array<i32>} : memref<64xi32, #tpu.memory_space<vmem>>, vector<16xi32>,
      %dma_start3A_1417 = arith.constant 0 : i32
      %dma_start3A_1418 = arith.constant 0 : i32
      %dma_start3A_1419 = tpu.memref_slice %arg6[%dma_start3A_1417, %dma_start3A_1418] : memref<3200x128xf32, #tpu.memory_space<vmem_shared>> -> memref<3200x128xf32, #tpu.memory_space<vmem_shared>>
      tpu.enqueue_indirect_dma source(%dma_start3A_1419 : memref<3200x128xf32, #tpu.memory_space<vmem_shared>>) target(%arg16 : memref<64x128xf32, #tpu.memory_space<vmem>>) offsets(%arg8 : memref<64xi32, #tpu.memory_space<vmem>>) semaphore(%arg24 : memref<!tpu.dma_semaphore, #tpu.memory_space<semaphore_mem>>)
      %mul3A_1420 = arith.constant 8 : i32
      %mul3A_1421 = arith.muli %scan3A_1083, %mul3A_1420 : i32
      %add3A_1422 = arith.constant 2 : i32
      %add3A_1423 = arith.addi %mul3A_1421, %add3A_1422 : i32
      %mul3A_1424 = arith.constant 64 : i32
      %mul3A_1425 = arith.muli %add3A_1423, %mul3A_1424 : i32
      %add3A_1426 = arith.addi %mul3A_2, %mul3A_1425 : i32
      %dma_wait3A_1427 = arith.constant 0 : i32
      %dma_wait3A_1428 = tpu.memref_slice %arg4[%add3A_1426, %dma_wait3A_1427] : memref<819200x128xf32, #tpu.memory_space<hbm>> -> memref<64x128xf32, #tpu.memory_space<hbm>>
      %dma_wait3A_1429 = arith.constant 0 : i32
      %dma_wait3A_1430 = tpu.memref_slice %arg4[%add3A_1426, %dma_wait3A_1429] : memref<819200x128xf32, #tpu.memory_space<hbm>> -> memref<64x128xf32, #tpu.memory_space<hbm>>
      tpu.wait_dma2 semaphore(%arg33 : memref<!tpu.dma_semaphore, #tpu.memory_space<semaphore_mem>>) src(%arg17 : memref<64x128xf32, #tpu.memory_space<vmem>>) dst(%dma_wait3A_1430 : memref<64x128xf32, #tpu.memory_space<hbm>>)
      %add3A_1431 = arith.constant 8 : i32
      %add3A_1432 = arith.addi %add3A_1423, %add3A_1431 : i32
      %mul3A_1433 = arith.constant 64 : i32
      %mul3A_1434 = arith.muli %add3A_1432, %mul3A_1433 : i32
      %add3A_1435 = arith.constant 0 : i32
      %add3A_1436 = arith.addi %mul3A_1434, %add3A_1435 : i32
      %add3A_1437 = vector.broadcast %add3A_1436 : i32 to vector<16xi32>
      %add3A_1438 = arith.addi %add3A_1437, %iota3A : vector<16xi32>
      %rem3A_1439 = arith.constant 200 : i32
      %rem3A_1440 = vector.broadcast %rem3A_1439 : i32 to vector<16xi32>
      %rem3A_1441 = arith.remsi %add3A_1438, %rem3A_1440 : vector<16xi32>
      %mul3A_1442 = arith.constant 64 : i32
      %mul3A_1443 = arith.muli %add3A_1432, %mul3A_1442 : i32
      %add3A_1444 = arith.constant 0 : i32
      %add3A_1445 = arith.addi %mul3A_1443, %add3A_1444 : i32
      %get3A_1446 = arith.index_cast %add3A_1445 : i32 to index
      %get3A_1447 = tpu.vector_load %arg5[%get3A_1446] {strides = array<i32>} : memref<25600xi32, #tpu.memory_space<vmem>>, vector<16xi32>,
      %get3A_1448 = vector.shape_cast %get3A_1447 : vector<16xi32> to vector<16xi32>
      %mul3A_1449 = arith.constant 16 : i32
      %mul3A_1450 = vector.broadcast %mul3A_1449 : i32 to vector<16xi32>
      %mul3A_1451 = arith.muli %rem3A_1441, %mul3A_1450 : vector<16xi32>
      %add3A_1452 = arith.addi %mul3A_1451, %get3A_1448 : vector<16xi32>
      %swap3A_1453 = arith.constant 0 : index
      %swap3A_1454 = tpu.vector_load %arg9[%swap3A_1453] {strides = array<i32>} : memref<64xi32, #tpu.memory_space<vmem>>, vector<16xi32>,
      %swap3A_1455 = vector.shape_cast %swap3A_1454 : vector<16xi32> to vector<16xi32>
      %swap3A_1456 = vector.shape_cast %add3A_1452 : vector<16xi32> to vector<16xi32>
      tpu.vector_store %arg9[%swap3A_1453], %swap3A_1456 {strides = array<i32>} : memref<64xi32, #tpu.memory_space<vmem>>, vector<16xi32>,
      %mul3A_1457 = arith.constant 64 : i32
      %mul3A_1458 = arith.muli %add3A_1432, %mul3A_1457 : i32
      %add3A_1459 = arith.constant 16 : i32
      %add3A_1460 = arith.addi %mul3A_1458, %add3A_1459 : i32
      %add3A_1461 = vector.broadcast %add3A_1460 : i32 to vector<16xi32>
      %add3A_1462 = arith.addi %add3A_1461, %iota3A : vector<16xi32>
      %rem3A_1463 = arith.constant 200 : i32
      %rem3A_1464 = vector.broadcast %rem3A_1463 : i32 to vector<16xi32>
      %rem3A_1465 = arith.remsi %add3A_1462, %rem3A_1464 : vector<16xi32>
      %mul3A_1466 = arith.constant 64 : i32
      %mul3A_1467 = arith.muli %add3A_1432, %mul3A_1466 : i32
      %add3A_1468 = arith.constant 16 : i32
      %add3A_1469 = arith.addi %mul3A_1467, %add3A_1468 : i32
      %get3A_1470 = arith.index_cast %add3A_1469 : i32 to index
      %get3A_1471 = tpu.vector_load %arg5[%get3A_1470] {strides = array<i32>} : memref<25600xi32, #tpu.memory_space<vmem>>, vector<16xi32>,
      %get3A_1472 = vector.shape_cast %get3A_1471 : vector<16xi32> to vector<16xi32>
      %mul3A_1473 = arith.constant 16 : i32
      %mul3A_1474 = vector.broadcast %mul3A_1473 : i32 to vector<16xi32>
      %mul3A_1475 = arith.muli %rem3A_1465, %mul3A_1474 : vector<16xi32>
      %add3A_1476 = arith.addi %mul3A_1475, %get3A_1472 : vector<16xi32>
      %swap3A_1477 = arith.constant 16 : index
      %swap3A_1478 = tpu.vector_load %arg9[%swap3A_1477] {strides = array<i32>} : memref<64xi32, #tpu.memory_space<vmem>>, vector<16xi32>,
      %swap3A_1479 = vector.shape_cast %swap3A_1478 : vector<16xi32> to vector<16xi32>
      %swap3A_1480 = vector.shape_cast %add3A_1476 : vector<16xi32> to vector<16xi32>
      tpu.vector_store %arg9[%swap3A_1477], %swap3A_1480 {strides = array<i32>} : memref<64xi32, #tpu.memory_space<vmem>>, vector<16xi32>,
      %mul3A_1481 = arith.constant 64 : i32
      %mul3A_1482 = arith.muli %add3A_1432, %mul3A_1481 : i32
      %add3A_1483 = arith.constant 32 : i32
      %add3A_1484 = arith.addi %mul3A_1482, %add3A_1483 : i32
      %add3A_1485 = vector.broadcast %add3A_1484 : i32 to vector<16xi32>
      %add3A_1486 = arith.addi %add3A_1485, %iota3A : vector<16xi32>
      %rem3A_1487 = arith.constant 200 : i32
      %rem3A_1488 = vector.broadcast %rem3A_1487 : i32 to vector<16xi32>
      %rem3A_1489 = arith.remsi %add3A_1486, %rem3A_1488 : vector<16xi32>
      %mul3A_1490 = arith.constant 64 : i32
      %mul3A_1491 = arith.muli %add3A_1432, %mul3A_1490 : i32
      %add3A_1492 = arith.constant 32 : i32
      %add3A_1493 = arith.addi %mul3A_1491, %add3A_1492 : i32
      %get3A_1494 = arith.index_cast %add3A_1493 : i32 to index
      %get3A_1495 = tpu.vector_load %arg5[%get3A_1494] {strides = array<i32>} : memref<25600xi32, #tpu.memory_space<vmem>>, vector<16xi32>,
      %get3A_1496 = vector.shape_cast %get3A_1495 : vector<16xi32> to vector<16xi32>
      %mul3A_1497 = arith.constant 16 : i32
      %mul3A_1498 = vector.broadcast %mul3A_1497 : i32 to vector<16xi32>
      %mul3A_1499 = arith.muli %rem3A_1489, %mul3A_1498 : vector<16xi32>
      %add3A_1500 = arith.addi %mul3A_1499, %get3A_1496 : vector<16xi32>
      %swap3A_1501 = arith.constant 32 : index
      %swap3A_1502 = tpu.vector_load %arg9[%swap3A_1501] {strides = array<i32>} : memref<64xi32, #tpu.memory_space<vmem>>, vector<16xi32>,
      %swap3A_1503 = vector.shape_cast %swap3A_1502 : vector<16xi32> to vector<16xi32>
      %swap3A_1504 = vector.shape_cast %add3A_1500 : vector<16xi32> to vector<16xi32>
      tpu.vector_store %arg9[%swap3A_1501], %swap3A_1504 {strides = array<i32>} : memref<64xi32, #tpu.memory_space<vmem>>, vector<16xi32>,
      %mul3A_1505 = arith.constant 64 : i32
      %mul3A_1506 = arith.muli %add3A_1432, %mul3A_1505 : i32
      %add3A_1507 = arith.constant 48 : i32
      %add3A_1508 = arith.addi %mul3A_1506, %add3A_1507 : i32
      %add3A_1509 = vector.broadcast %add3A_1508 : i32 to vector<16xi32>
      %add3A_1510 = arith.addi %add3A_1509, %iota3A : vector<16xi32>
      %rem3A_1511 = arith.constant 200 : i32
      %rem3A_1512 = vector.broadcast %rem3A_1511 : i32 to vector<16xi32>
      %rem3A_1513 = arith.remsi %add3A_1510, %rem3A_1512 : vector<16xi32>
      %mul3A_1514 = arith.constant 64 : i32
      %mul3A_1515 = arith.muli %add3A_1432, %mul3A_1514 : i32
      %add3A_1516 = arith.constant 48 : i32
      %add3A_1517 = arith.addi %mul3A_1515, %add3A_1516 : i32
      %get3A_1518 = arith.index_cast %add3A_1517 : i32 to index
      %get3A_1519 = tpu.vector_load %arg5[%get3A_1518] {strides = array<i32>} : memref<25600xi32, #tpu.memory_space<vmem>>, vector<16xi32>,
      %get3A_1520 = vector.shape_cast %get3A_1519 : vector<16xi32> to vector<16xi32>
      %mul3A_1521 = arith.constant 16 : i32
      %mul3A_1522 = vector.broadcast %mul3A_1521 : i32 to vector<16xi32>
      %mul3A_1523 = arith.muli %rem3A_1513, %mul3A_1522 : vector<16xi32>
      %add3A_1524 = arith.addi %mul3A_1523, %get3A_1520 : vector<16xi32>
      %swap3A_1525 = arith.constant 48 : index
      %swap3A_1526 = tpu.vector_load %arg9[%swap3A_1525] {strides = array<i32>} : memref<64xi32, #tpu.memory_space<vmem>>, vector<16xi32>,
      %swap3A_1527 = vector.shape_cast %swap3A_1526 : vector<16xi32> to vector<16xi32>
      %swap3A_1528 = vector.shape_cast %add3A_1524 : vector<16xi32> to vector<16xi32>
      tpu.vector_store %arg9[%swap3A_1525], %swap3A_1528 {strides = array<i32>} : memref<64xi32, #tpu.memory_space<vmem>>, vector<16xi32>,
      %dma_start3A_1529 = arith.constant 0 : i32
      %dma_start3A_1530 = arith.constant 0 : i32
      %dma_start3A_1531 = tpu.memref_slice %arg6[%dma_start3A_1529, %dma_start3A_1530] : memref<3200x128xf32, #tpu.memory_space<vmem_shared>> -> memref<3200x128xf32, #tpu.memory_space<vmem_shared>>
      tpu.enqueue_indirect_dma source(%dma_start3A_1531 : memref<3200x128xf32, #tpu.memory_space<vmem_shared>>) target(%arg17 : memref<64x128xf32, #tpu.memory_space<vmem>>) offsets(%arg9 : memref<64xi32, #tpu.memory_space<vmem>>) semaphore(%arg25 : memref<!tpu.dma_semaphore, #tpu.memory_space<semaphore_mem>>)
      %mul3A_1532 = arith.constant 8 : i32
      %mul3A_1533 = arith.muli %scan3A_1083, %mul3A_1532 : i32
      %add3A_1534 = arith.constant 3 : i32
      %add3A_1535 = arith.addi %mul3A_1533, %add3A_1534 : i32
      %mul3A_1536 = arith.constant 64 : i32
      %mul3A_1537 = arith.muli %add3A_1535, %mul3A_1536 : i32
      %add3A_1538 = arith.addi %mul3A_2, %mul3A_1537 : i32
      %dma_wait3A_1539 = arith.constant 0 : i32
      %dma_wait3A_1540 = tpu.memref_slice %arg4[%add3A_1538, %dma_wait3A_1539] : memref<819200x128xf32, #tpu.memory_space<hbm>> -> memref<64x128xf32, #tpu.memory_space<hbm>>
      %dma_wait3A_1541 = arith.constant 0 : i32
      %dma_wait3A_1542 = tpu.memref_slice %arg4[%add3A_1538, %dma_wait3A_1541] : memref<819200x128xf32, #tpu.memory_space<hbm>> -> memref<64x128xf32, #tpu.memory_space<hbm>>
      tpu.wait_dma2 semaphore(%arg34 : memref<!tpu.dma_semaphore, #tpu.memory_space<semaphore_mem>>) src(%arg18 : memref<64x128xf32, #tpu.memory_space<vmem>>) dst(%dma_wait3A_1542 : memref<64x128xf32, #tpu.memory_space<hbm>>)
      %add3A_1543 = arith.constant 8 : i32
      %add3A_1544 = arith.addi %add3A_1535, %add3A_1543 : i32
      %mul3A_1545 = arith.constant 64 : i32
      %mul3A_1546 = arith.muli %add3A_1544, %mul3A_1545 : i32
      %add3A_1547 = arith.constant 0 : i32
      %add3A_1548 = arith.addi %mul3A_1546, %add3A_1547 : i32
      %add3A_1549 = vector.broadcast %add3A_1548 : i32 to vector<16xi32>
      %add3A_1550 = arith.addi %add3A_1549, %iota3A : vector<16xi32>
      %rem3A_1551 = arith.constant 200 : i32
      %rem3A_1552 = vector.broadcast %rem3A_1551 : i32 to vector<16xi32>
      %rem3A_1553 = arith.remsi %add3A_1550, %rem3A_1552 : vector<16xi32>
      %mul3A_1554 = arith.constant 64 : i32
      %mul3A_1555 = arith.muli %add3A_1544, %mul3A_1554 : i32
      %add3A_1556 = arith.constant 0 : i32
      %add3A_1557 = arith.addi %mul3A_1555, %add3A_1556 : i32
      %get3A_1558 = arith.index_cast %add3A_1557 : i32 to index
      %get3A_1559 = tpu.vector_load %arg5[%get3A_1558] {strides = array<i32>} : memref<25600xi32, #tpu.memory_space<vmem>>, vector<16xi32>,
      %get3A_1560 = vector.shape_cast %get3A_1559 : vector<16xi32> to vector<16xi32>
      %mul3A_1561 = arith.constant 16 : i32
      %mul3A_1562 = vector.broadcast %mul3A_1561 : i32 to vector<16xi32>
      %mul3A_1563 = arith.muli %rem3A_1553, %mul3A_1562 : vector<16xi32>
      %add3A_1564 = arith.addi %mul3A_1563, %get3A_1560 : vector<16xi32>
      %swap3A_1565 = arith.constant 0 : index
      %swap3A_1566 = tpu.vector_load %arg10[%swap3A_1565] {strides = array<i32>} : memref<64xi32, #tpu.memory_space<vmem>>, vector<16xi32>,
      %swap3A_1567 = vector.shape_cast %swap3A_1566 : vector<16xi32> to vector<16xi32>
      %swap3A_1568 = vector.shape_cast %add3A_1564 : vector<16xi32> to vector<16xi32>
      tpu.vector_store %arg10[%swap3A_1565], %swap3A_1568 {strides = array<i32>} : memref<64xi32, #tpu.memory_space<vmem>>, vector<16xi32>,
      %mul3A_1569 = arith.constant 64 : i32
      %mul3A_1570 = arith.muli %add3A_1544, %mul3A_1569 : i32
      %add3A_1571 = arith.constant 16 : i32
      %add3A_1572 = arith.addi %mul3A_1570, %add3A_1571 : i32
      %add3A_1573 = vector.broadcast %add3A_1572 : i32 to vector<16xi32>
      %add3A_1574 = arith.addi %add3A_1573, %iota3A : vector<16xi32>
      %rem3A_1575 = arith.constant 200 : i32
      %rem3A_1576 = vector.broadcast %rem3A_1575 : i32 to vector<16xi32>
      %rem3A_1577 = arith.remsi %add3A_1574, %rem3A_1576 : vector<16xi32>
      %mul3A_1578 = arith.constant 64 : i32
      %mul3A_1579 = arith.muli %add3A_1544, %mul3A_1578 : i32
      %add3A_1580 = arith.constant 16 : i32
      %add3A_1581 = arith.addi %mul3A_1579, %add3A_1580 : i32
      %get3A_1582 = arith.index_cast %add3A_1581 : i32 to index
      %get3A_1583 = tpu.vector_load %arg5[%get3A_1582] {strides = array<i32>} : memref<25600xi32, #tpu.memory_space<vmem>>, vector<16xi32>,
      %get3A_1584 = vector.shape_cast %get3A_1583 : vector<16xi32> to vector<16xi32>
      %mul3A_1585 = arith.constant 16 : i32
      %mul3A_1586 = vector.broadcast %mul3A_1585 : i32 to vector<16xi32>
      %mul3A_1587 = arith.muli %rem3A_1577, %mul3A_1586 : vector<16xi32>
      %add3A_1588 = arith.addi %mul3A_1587, %get3A_1584 : vector<16xi32>
      %swap3A_1589 = arith.constant 16 : index
      %swap3A_1590 = tpu.vector_load %arg10[%swap3A_1589] {strides = array<i32>} : memref<64xi32, #tpu.memory_space<vmem>>, vector<16xi32>,
      %swap3A_1591 = vector.shape_cast %swap3A_1590 : vector<16xi32> to vector<16xi32>
      %swap3A_1592 = vector.shape_cast %add3A_1588 : vector<16xi32> to vector<16xi32>
      tpu.vector_store %arg10[%swap3A_1589], %swap3A_1592 {strides = array<i32>} : memref<64xi32, #tpu.memory_space<vmem>>, vector<16xi32>,
      %mul3A_1593 = arith.constant 64 : i32
      %mul3A_1594 = arith.muli %add3A_1544, %mul3A_1593 : i32
      %add3A_1595 = arith.constant 32 : i32
      %add3A_1596 = arith.addi %mul3A_1594, %add3A_1595 : i32
      %add3A_1597 = vector.broadcast %add3A_1596 : i32 to vector<16xi32>
      %add3A_1598 = arith.addi %add3A_1597, %iota3A : vector<16xi32>
      %rem3A_1599 = arith.constant 200 : i32
      %rem3A_1600 = vector.broadcast %rem3A_1599 : i32 to vector<16xi32>
      %rem3A_1601 = arith.remsi %add3A_1598, %rem3A_1600 : vector<16xi32>
      %mul3A_1602 = arith.constant 64 : i32
      %mul3A_1603 = arith.muli %add3A_1544, %mul3A_1602 : i32
      %add3A_1604 = arith.constant 32 : i32
      %add3A_1605 = arith.addi %mul3A_1603, %add3A_1604 : i32
      %get3A_1606 = arith.index_cast %add3A_1605 : i32 to index
      %get3A_1607 = tpu.vector_load %arg5[%get3A_1606] {strides = array<i32>} : memref<25600xi32, #tpu.memory_space<vmem>>, vector<16xi32>,
      %get3A_1608 = vector.shape_cast %get3A_1607 : vector<16xi32> to vector<16xi32>
      %mul3A_1609 = arith.constant 16 : i32
      %mul3A_1610 = vector.broadcast %mul3A_1609 : i32 to vector<16xi32>
      %mul3A_1611 = arith.muli %rem3A_1601, %mul3A_1610 : vector<16xi32>
      %add3A_1612 = arith.addi %mul3A_1611, %get3A_1608 : vector<16xi32>
      %swap3A_1613 = arith.constant 32 : index
      %swap3A_1614 = tpu.vector_load %arg10[%swap3A_1613] {strides = array<i32>} : memref<64xi32, #tpu.memory_space<vmem>>, vector<16xi32>,
      %swap3A_1615 = vector.shape_cast %swap3A_1614 : vector<16xi32> to vector<16xi32>
      %swap3A_1616 = vector.shape_cast %add3A_1612 : vector<16xi32> to vector<16xi32>
      tpu.vector_store %arg10[%swap3A_1613], %swap3A_1616 {strides = array<i32>} : memref<64xi32, #tpu.memory_space<vmem>>, vector<16xi32>,
      %mul3A_1617 = arith.constant 64 : i32
      %mul3A_1618 = arith.muli %add3A_1544, %mul3A_1617 : i32
      %add3A_1619 = arith.constant 48 : i32
      %add3A_1620 = arith.addi %mul3A_1618, %add3A_1619 : i32
      %add3A_1621 = vector.broadcast %add3A_1620 : i32 to vector<16xi32>
      %add3A_1622 = arith.addi %add3A_1621, %iota3A : vector<16xi32>
      %rem3A_1623 = arith.constant 200 : i32
      %rem3A_1624 = vector.broadcast %rem3A_1623 : i32 to vector<16xi32>
      %rem3A_1625 = arith.remsi %add3A_1622, %rem3A_1624 : vector<16xi32>
      %mul3A_1626 = arith.constant 64 : i32
      %mul3A_1627 = arith.muli %add3A_1544, %mul3A_1626 : i32
      %add3A_1628 = arith.constant 48 : i32
      %add3A_1629 = arith.addi %mul3A_1627, %add3A_1628 : i32
      %get3A_1630 = arith.index_cast %add3A_1629 : i32 to index
      %get3A_1631 = tpu.vector_load %arg5[%get3A_1630] {strides = array<i32>} : memref<25600xi32, #tpu.memory_space<vmem>>, vector<16xi32>,
      %get3A_1632 = vector.shape_cast %get3A_1631 : vector<16xi32> to vector<16xi32>
      %mul3A_1633 = arith.constant 16 : i32
      %mul3A_1634 = vector.broadcast %mul3A_1633 : i32 to vector<16xi32>
      %mul3A_1635 = arith.muli %rem3A_1625, %mul3A_1634 : vector<16xi32>
      %add3A_1636 = arith.addi %mul3A_1635, %get3A_1632 : vector<16xi32>
      %swap3A_1637 = arith.constant 48 : index
      %swap3A_1638 = tpu.vector_load %arg10[%swap3A_1637] {strides = array<i32>} : memref<64xi32, #tpu.memory_space<vmem>>, vector<16xi32>,
      %swap3A_1639 = vector.shape_cast %swap3A_1638 : vector<16xi32> to vector<16xi32>
      %swap3A_1640 = vector.shape_cast %add3A_1636 : vector<16xi32> to vector<16xi32>
      tpu.vector_store %arg10[%swap3A_1637], %swap3A_1640 {strides = array<i32>} : memref<64xi32, #tpu.memory_space<vmem>>, vector<16xi32>,
      %dma_start3A_1641 = arith.constant 0 : i32
      %dma_start3A_1642 = arith.constant 0 : i32
      %dma_start3A_1643 = tpu.memref_slice %arg6[%dma_start3A_1641, %dma_start3A_1642] : memref<3200x128xf32, #tpu.memory_space<vmem_shared>> -> memref<3200x128xf32, #tpu.memory_space<vmem_shared>>
      tpu.enqueue_indirect_dma source(%dma_start3A_1643 : memref<3200x128xf32, #tpu.memory_space<vmem_shared>>) target(%arg18 : memref<64x128xf32, #tpu.memory_space<vmem>>) offsets(%arg10 : memref<64xi32, #tpu.memory_space<vmem>>) semaphore(%arg26 : memref<!tpu.dma_semaphore, #tpu.memory_space<semaphore_mem>>)
      %mul3A_1644 = arith.constant 8 : i32
      %mul3A_1645 = arith.muli %scan3A_1083, %mul3A_1644 : i32
      %add3A_1646 = arith.constant 4 : i32
      %add3A_1647 = arith.addi %mul3A_1645, %add3A_1646 : i32
      %mul3A_1648 = arith.constant 64 : i32
      %mul3A_1649 = arith.muli %add3A_1647, %mul3A_1648 : i32
      %add3A_1650 = arith.addi %mul3A_2, %mul3A_1649 : i32
      %dma_wait3A_1651 = arith.constant 0 : i32
      %dma_wait3A_1652 = tpu.memref_slice %arg4[%add3A_1650, %dma_wait3A_1651] : memref<819200x128xf32, #tpu.memory_space<hbm>> -> memref<64x128xf32, #tpu.memory_space<hbm>>
      %dma_wait3A_1653 = arith.constant 0 : i32
      %dma_wait3A_1654 = tpu.memref_slice %arg4[%add3A_1650, %dma_wait3A_1653] : memref<819200x128xf32, #tpu.memory_space<hbm>> -> memref<64x128xf32, #tpu.memory_space<hbm>>
      tpu.wait_dma2 semaphore(%arg35 : memref<!tpu.dma_semaphore, #tpu.memory_space<semaphore_mem>>) src(%arg19 : memref<64x128xf32, #tpu.memory_space<vmem>>) dst(%dma_wait3A_1654 : memref<64x128xf32, #tpu.memory_space<hbm>>)
      %add3A_1655 = arith.constant 8 : i32
      %add3A_1656 = arith.addi %add3A_1647, %add3A_1655 : i32
      %mul3A_1657 = arith.constant 64 : i32
      %mul3A_1658 = arith.muli %add3A_1656, %mul3A_1657 : i32
      %add3A_1659 = arith.constant 0 : i32
      %add3A_1660 = arith.addi %mul3A_1658, %add3A_1659 : i32
      %add3A_1661 = vector.broadcast %add3A_1660 : i32 to vector<16xi32>
      %add3A_1662 = arith.addi %add3A_1661, %iota3A : vector<16xi32>
      %rem3A_1663 = arith.constant 200 : i32
      %rem3A_1664 = vector.broadcast %rem3A_1663 : i32 to vector<16xi32>
      %rem3A_1665 = arith.remsi %add3A_1662, %rem3A_1664 : vector<16xi32>
      %mul3A_1666 = arith.constant 64 : i32
      %mul3A_1667 = arith.muli %add3A_1656, %mul3A_1666 : i32
      %add3A_1668 = arith.constant 0 : i32
      %add3A_1669 = arith.addi %mul3A_1667, %add3A_1668 : i32
      %get3A_1670 = arith.index_cast %add3A_1669 : i32 to index
      %get3A_1671 = tpu.vector_load %arg5[%get3A_1670] {strides = array<i32>} : memref<25600xi32, #tpu.memory_space<vmem>>, vector<16xi32>,
      %get3A_1672 = vector.shape_cast %get3A_1671 : vector<16xi32> to vector<16xi32>
      %mul3A_1673 = arith.constant 16 : i32
      %mul3A_1674 = vector.broadcast %mul3A_1673 : i32 to vector<16xi32>
      %mul3A_1675 = arith.muli %rem3A_1665, %mul3A_1674 : vector<16xi32>
      %add3A_1676 = arith.addi %mul3A_1675, %get3A_1672 : vector<16xi32>
      %swap3A_1677 = arith.constant 0 : index
      %swap3A_1678 = tpu.vector_load %arg11[%swap3A_1677] {strides = array<i32>} : memref<64xi32, #tpu.memory_space<vmem>>, vector<16xi32>,
      %swap3A_1679 = vector.shape_cast %swap3A_1678 : vector<16xi32> to vector<16xi32>
      %swap3A_1680 = vector.shape_cast %add3A_1676 : vector<16xi32> to vector<16xi32>
      tpu.vector_store %arg11[%swap3A_1677], %swap3A_1680 {strides = array<i32>} : memref<64xi32, #tpu.memory_space<vmem>>, vector<16xi32>,
      %mul3A_1681 = arith.constant 64 : i32
      %mul3A_1682 = arith.muli %add3A_1656, %mul3A_1681 : i32
      %add3A_1683 = arith.constant 16 : i32
      %add3A_1684 = arith.addi %mul3A_1682, %add3A_1683 : i32
      %add3A_1685 = vector.broadcast %add3A_1684 : i32 to vector<16xi32>
      %add3A_1686 = arith.addi %add3A_1685, %iota3A : vector<16xi32>
      %rem3A_1687 = arith.constant 200 : i32
      %rem3A_1688 = vector.broadcast %rem3A_1687 : i32 to vector<16xi32>
      %rem3A_1689 = arith.remsi %add3A_1686, %rem3A_1688 : vector<16xi32>
      %mul3A_1690 = arith.constant 64 : i32
      %mul3A_1691 = arith.muli %add3A_1656, %mul3A_1690 : i32
      %add3A_1692 = arith.constant 16 : i32
      %add3A_1693 = arith.addi %mul3A_1691, %add3A_1692 : i32
      %get3A_1694 = arith.index_cast %add3A_1693 : i32 to index
      %get3A_1695 = tpu.vector_load %arg5[%get3A_1694] {strides = array<i32>} : memref<25600xi32, #tpu.memory_space<vmem>>, vector<16xi32>,
      %get3A_1696 = vector.shape_cast %get3A_1695 : vector<16xi32> to vector<16xi32>
      %mul3A_1697 = arith.constant 16 : i32
      %mul3A_1698 = vector.broadcast %mul3A_1697 : i32 to vector<16xi32>
      %mul3A_1699 = arith.muli %rem3A_1689, %mul3A_1698 : vector<16xi32>
      %add3A_1700 = arith.addi %mul3A_1699, %get3A_1696 : vector<16xi32>
      %swap3A_1701 = arith.constant 16 : index
      %swap3A_1702 = tpu.vector_load %arg11[%swap3A_1701] {strides = array<i32>} : memref<64xi32, #tpu.memory_space<vmem>>, vector<16xi32>,
      %swap3A_1703 = vector.shape_cast %swap3A_1702 : vector<16xi32> to vector<16xi32>
      %swap3A_1704 = vector.shape_cast %add3A_1700 : vector<16xi32> to vector<16xi32>
      tpu.vector_store %arg11[%swap3A_1701], %swap3A_1704 {strides = array<i32>} : memref<64xi32, #tpu.memory_space<vmem>>, vector<16xi32>,
      %mul3A_1705 = arith.constant 64 : i32
      %mul3A_1706 = arith.muli %add3A_1656, %mul3A_1705 : i32
      %add3A_1707 = arith.constant 32 : i32
      %add3A_1708 = arith.addi %mul3A_1706, %add3A_1707 : i32
      %add3A_1709 = vector.broadcast %add3A_1708 : i32 to vector<16xi32>
      %add3A_1710 = arith.addi %add3A_1709, %iota3A : vector<16xi32>
      %rem3A_1711 = arith.constant 200 : i32
      %rem3A_1712 = vector.broadcast %rem3A_1711 : i32 to vector<16xi32>
      %rem3A_1713 = arith.remsi %add3A_1710, %rem3A_1712 : vector<16xi32>
      %mul3A_1714 = arith.constant 64 : i32
      %mul3A_1715 = arith.muli %add3A_1656, %mul3A_1714 : i32
      %add3A_1716 = arith.constant 32 : i32
      %add3A_1717 = arith.addi %mul3A_1715, %add3A_1716 : i32
      %get3A_1718 = arith.index_cast %add3A_1717 : i32 to index
      %get3A_1719 = tpu.vector_load %arg5[%get3A_1718] {strides = array<i32>} : memref<25600xi32, #tpu.memory_space<vmem>>, vector<16xi32>,
      %get3A_1720 = vector.shape_cast %get3A_1719 : vector<16xi32> to vector<16xi32>
      %mul3A_1721 = arith.constant 16 : i32
      %mul3A_1722 = vector.broadcast %mul3A_1721 : i32 to vector<16xi32>
      %mul3A_1723 = arith.muli %rem3A_1713, %mul3A_1722 : vector<16xi32>
      %add3A_1724 = arith.addi %mul3A_1723, %get3A_1720 : vector<16xi32>
      %swap3A_1725 = arith.constant 32 : index
      %swap3A_1726 = tpu.vector_load %arg11[%swap3A_1725] {strides = array<i32>} : memref<64xi32, #tpu.memory_space<vmem>>, vector<16xi32>,
      %swap3A_1727 = vector.shape_cast %swap3A_1726 : vector<16xi32> to vector<16xi32>
      %swap3A_1728 = vector.shape_cast %add3A_1724 : vector<16xi32> to vector<16xi32>
      tpu.vector_store %arg11[%swap3A_1725], %swap3A_1728 {strides = array<i32>} : memref<64xi32, #tpu.memory_space<vmem>>, vector<16xi32>,
      %mul3A_1729 = arith.constant 64 : i32
      %mul3A_1730 = arith.muli %add3A_1656, %mul3A_1729 : i32
      %add3A_1731 = arith.constant 48 : i32
      %add3A_1732 = arith.addi %mul3A_1730, %add3A_1731 : i32
      %add3A_1733 = vector.broadcast %add3A_1732 : i32 to vector<16xi32>
      %add3A_1734 = arith.addi %add3A_1733, %iota3A : vector<16xi32>
      %rem3A_1735 = arith.constant 200 : i32
      %rem3A_1736 = vector.broadcast %rem3A_1735 : i32 to vector<16xi32>
      %rem3A_1737 = arith.remsi %add3A_1734, %rem3A_1736 : vector<16xi32>
      %mul3A_1738 = arith.constant 64 : i32
      %mul3A_1739 = arith.muli %add3A_1656, %mul3A_1738 : i32
      %add3A_1740 = arith.constant 48 : i32
      %add3A_1741 = arith.addi %mul3A_1739, %add3A_1740 : i32
      %get3A_1742 = arith.index_cast %add3A_1741 : i32 to index
      %get3A_1743 = tpu.vector_load %arg5[%get3A_1742] {strides = array<i32>} : memref<25600xi32, #tpu.memory_space<vmem>>, vector<16xi32>,
      %get3A_1744 = vector.shape_cast %get3A_1743 : vector<16xi32> to vector<16xi32>
      %mul3A_1745 = arith.constant 16 : i32
      %mul3A_1746 = vector.broadcast %mul3A_1745 : i32 to vector<16xi32>
      %mul3A_1747 = arith.muli %rem3A_1737, %mul3A_1746 : vector<16xi32>
      %add3A_1748 = arith.addi %mul3A_1747, %get3A_1744 : vector<16xi32>
      %swap3A_1749 = arith.constant 48 : index
      %swap3A_1750 = tpu.vector_load %arg11[%swap3A_1749] {strides = array<i32>} : memref<64xi32, #tpu.memory_space<vmem>>, vector<16xi32>,
      %swap3A_1751 = vector.shape_cast %swap3A_1750 : vector<16xi32> to vector<16xi32>
      %swap3A_1752 = vector.shape_cast %add3A_1748 : vector<16xi32> to vector<16xi32>
      tpu.vector_store %arg11[%swap3A_1749], %swap3A_1752 {strides = array<i32>} : memref<64xi32, #tpu.memory_space<vmem>>, vector<16xi32>,
      %dma_start3A_1753 = arith.constant 0 : i32
      %dma_start3A_1754 = arith.constant 0 : i32
      %dma_start3A_1755 = tpu.memref_slice %arg6[%dma_start3A_1753, %dma_start3A_1754] : memref<3200x128xf32, #tpu.memory_space<vmem_shared>> -> memref<3200x128xf32, #tpu.memory_space<vmem_shared>>
      tpu.enqueue_indirect_dma source(%dma_start3A_1755 : memref<3200x128xf32, #tpu.memory_space<vmem_shared>>) target(%arg19 : memref<64x128xf32, #tpu.memory_space<vmem>>) offsets(%arg11 : memref<64xi32, #tpu.memory_space<vmem>>) semaphore(%arg27 : memref<!tpu.dma_semaphore, #tpu.memory_space<semaphore_mem>>)
      %mul3A_1756 = arith.constant 8 : i32
      %mul3A_1757 = arith.muli %scan3A_1083, %mul3A_1756 : i32
      %add3A_1758 = arith.constant 5 : i32
      %add3A_1759 = arith.addi %mul3A_1757, %add3A_1758 : i32
      %mul3A_1760 = arith.constant 64 : i32
      %mul3A_1761 = arith.muli %add3A_1759, %mul3A_1760 : i32
      %add3A_1762 = arith.addi %mul3A_2, %mul3A_1761 : i32
      %dma_wait3A_1763 = arith.constant 0 : i32
      %dma_wait3A_1764 = tpu.memref_slice %arg4[%add3A_1762, %dma_wait3A_1763] : memref<819200x128xf32, #tpu.memory_space<hbm>> -> memref<64x128xf32, #tpu.memory_space<hbm>>
      %dma_wait3A_1765 = arith.constant 0 : i32
      %dma_wait3A_1766 = tpu.memref_slice %arg4[%add3A_1762, %dma_wait3A_1765] : memref<819200x128xf32, #tpu.memory_space<hbm>> -> memref<64x128xf32, #tpu.memory_space<hbm>>
      tpu.wait_dma2 semaphore(%arg36 : memref<!tpu.dma_semaphore, #tpu.memory_space<semaphore_mem>>) src(%arg20 : memref<64x128xf32, #tpu.memory_space<vmem>>) dst(%dma_wait3A_1766 : memref<64x128xf32, #tpu.memory_space<hbm>>)
      %add3A_1767 = arith.constant 8 : i32
      %add3A_1768 = arith.addi %add3A_1759, %add3A_1767 : i32
      %mul3A_1769 = arith.constant 64 : i32
      %mul3A_1770 = arith.muli %add3A_1768, %mul3A_1769 : i32
      %add3A_1771 = arith.constant 0 : i32
      %add3A_1772 = arith.addi %mul3A_1770, %add3A_1771 : i32
      %add3A_1773 = vector.broadcast %add3A_1772 : i32 to vector<16xi32>
      %add3A_1774 = arith.addi %add3A_1773, %iota3A : vector<16xi32>
      %rem3A_1775 = arith.constant 200 : i32
      %rem3A_1776 = vector.broadcast %rem3A_1775 : i32 to vector<16xi32>
      %rem3A_1777 = arith.remsi %add3A_1774, %rem3A_1776 : vector<16xi32>
      %mul3A_1778 = arith.constant 64 : i32
      %mul3A_1779 = arith.muli %add3A_1768, %mul3A_1778 : i32
      %add3A_1780 = arith.constant 0 : i32
      %add3A_1781 = arith.addi %mul3A_1779, %add3A_1780 : i32
      %get3A_1782 = arith.index_cast %add3A_1781 : i32 to index
      %get3A_1783 = tpu.vector_load %arg5[%get3A_1782] {strides = array<i32>} : memref<25600xi32, #tpu.memory_space<vmem>>, vector<16xi32>,
      %get3A_1784 = vector.shape_cast %get3A_1783 : vector<16xi32> to vector<16xi32>
      %mul3A_1785 = arith.constant 16 : i32
      %mul3A_1786 = vector.broadcast %mul3A_1785 : i32 to vector<16xi32>
      %mul3A_1787 = arith.muli %rem3A_1777, %mul3A_1786 : vector<16xi32>
      %add3A_1788 = arith.addi %mul3A_1787, %get3A_1784 : vector<16xi32>
      %swap3A_1789 = arith.constant 0 : index
      %swap3A_1790 = tpu.vector_load %arg12[%swap3A_1789] {strides = array<i32>} : memref<64xi32, #tpu.memory_space<vmem>>, vector<16xi32>,
      %swap3A_1791 = vector.shape_cast %swap3A_1790 : vector<16xi32> to vector<16xi32>
      %swap3A_1792 = vector.shape_cast %add3A_1788 : vector<16xi32> to vector<16xi32>
      tpu.vector_store %arg12[%swap3A_1789], %swap3A_1792 {strides = array<i32>} : memref<64xi32, #tpu.memory_space<vmem>>, vector<16xi32>,
      %mul3A_1793 = arith.constant 64 : i32
      %mul3A_1794 = arith.muli %add3A_1768, %mul3A_1793 : i32
      %add3A_1795 = arith.constant 16 : i32
      %add3A_1796 = arith.addi %mul3A_1794, %add3A_1795 : i32
      %add3A_1797 = vector.broadcast %add3A_1796 : i32 to vector<16xi32>
      %add3A_1798 = arith.addi %add3A_1797, %iota3A : vector<16xi32>
      %rem3A_1799 = arith.constant 200 : i32
      %rem3A_1800 = vector.broadcast %rem3A_1799 : i32 to vector<16xi32>
      %rem3A_1801 = arith.remsi %add3A_1798, %rem3A_1800 : vector<16xi32>
      %mul3A_1802 = arith.constant 64 : i32
      %mul3A_1803 = arith.muli %add3A_1768, %mul3A_1802 : i32
      %add3A_1804 = arith.constant 16 : i32
      %add3A_1805 = arith.addi %mul3A_1803, %add3A_1804 : i32
      %get3A_1806 = arith.index_cast %add3A_1805 : i32 to index
      %get3A_1807 = tpu.vector_load %arg5[%get3A_1806] {strides = array<i32>} : memref<25600xi32, #tpu.memory_space<vmem>>, vector<16xi32>,
      %get3A_1808 = vector.shape_cast %get3A_1807 : vector<16xi32> to vector<16xi32>
      %mul3A_1809 = arith.constant 16 : i32
      %mul3A_1810 = vector.broadcast %mul3A_1809 : i32 to vector<16xi32>
      %mul3A_1811 = arith.muli %rem3A_1801, %mul3A_1810 : vector<16xi32>
      %add3A_1812 = arith.addi %mul3A_1811, %get3A_1808 : vector<16xi32>
      %swap3A_1813 = arith.constant 16 : index
      %swap3A_1814 = tpu.vector_load %arg12[%swap3A_1813] {strides = array<i32>} : memref<64xi32, #tpu.memory_space<vmem>>, vector<16xi32>,
      %swap3A_1815 = vector.shape_cast %swap3A_1814 : vector<16xi32> to vector<16xi32>
      %swap3A_1816 = vector.shape_cast %add3A_1812 : vector<16xi32> to vector<16xi32>
      tpu.vector_store %arg12[%swap3A_1813], %swap3A_1816 {strides = array<i32>} : memref<64xi32, #tpu.memory_space<vmem>>, vector<16xi32>,
      %mul3A_1817 = arith.constant 64 : i32
      %mul3A_1818 = arith.muli %add3A_1768, %mul3A_1817 : i32
      %add3A_1819 = arith.constant 32 : i32
      %add3A_1820 = arith.addi %mul3A_1818, %add3A_1819 : i32
      %add3A_1821 = vector.broadcast %add3A_1820 : i32 to vector<16xi32>
      %add3A_1822 = arith.addi %add3A_1821, %iota3A : vector<16xi32>
      %rem3A_1823 = arith.constant 200 : i32
      %rem3A_1824 = vector.broadcast %rem3A_1823 : i32 to vector<16xi32>
      %rem3A_1825 = arith.remsi %add3A_1822, %rem3A_1824 : vector<16xi32>
      %mul3A_1826 = arith.constant 64 : i32
      %mul3A_1827 = arith.muli %add3A_1768, %mul3A_1826 : i32
      %add3A_1828 = arith.constant 32 : i32
      %add3A_1829 = arith.addi %mul3A_1827, %add3A_1828 : i32
      %get3A_1830 = arith.index_cast %add3A_1829 : i32 to index
      %get3A_1831 = tpu.vector_load %arg5[%get3A_1830] {strides = array<i32>} : memref<25600xi32, #tpu.memory_space<vmem>>, vector<16xi32>,
      %get3A_1832 = vector.shape_cast %get3A_1831 : vector<16xi32> to vector<16xi32>
      %mul3A_1833 = arith.constant 16 : i32
      %mul3A_1834 = vector.broadcast %mul3A_1833 : i32 to vector<16xi32>
      %mul3A_1835 = arith.muli %rem3A_1825, %mul3A_1834 : vector<16xi32>
      %add3A_1836 = arith.addi %mul3A_1835, %get3A_1832 : vector<16xi32>
      %swap3A_1837 = arith.constant 32 : index
      %swap3A_1838 = tpu.vector_load %arg12[%swap3A_1837] {strides = array<i32>} : memref<64xi32, #tpu.memory_space<vmem>>, vector<16xi32>,
      %swap3A_1839 = vector.shape_cast %swap3A_1838 : vector<16xi32> to vector<16xi32>
      %swap3A_1840 = vector.shape_cast %add3A_1836 : vector<16xi32> to vector<16xi32>
      tpu.vector_store %arg12[%swap3A_1837], %swap3A_1840 {strides = array<i32>} : memref<64xi32, #tpu.memory_space<vmem>>, vector<16xi32>,
      %mul3A_1841 = arith.constant 64 : i32
      %mul3A_1842 = arith.muli %add3A_1768, %mul3A_1841 : i32
      %add3A_1843 = arith.constant 48 : i32
      %add3A_1844 = arith.addi %mul3A_1842, %add3A_1843 : i32
      %add3A_1845 = vector.broadcast %add3A_1844 : i32 to vector<16xi32>
      %add3A_1846 = arith.addi %add3A_1845, %iota3A : vector<16xi32>
      %rem3A_1847 = arith.constant 200 : i32
      %rem3A_1848 = vector.broadcast %rem3A_1847 : i32 to vector<16xi32>
      %rem3A_1849 = arith.remsi %add3A_1846, %rem3A_1848 : vector<16xi32>
      %mul3A_1850 = arith.constant 64 : i32
      %mul3A_1851 = arith.muli %add3A_1768, %mul3A_1850 : i32
      %add3A_1852 = arith.constant 48 : i32
      %add3A_1853 = arith.addi %mul3A_1851, %add3A_1852 : i32
      %get3A_1854 = arith.index_cast %add3A_1853 : i32 to index
      %get3A_1855 = tpu.vector_load %arg5[%get3A_1854] {strides = array<i32>} : memref<25600xi32, #tpu.memory_space<vmem>>, vector<16xi32>,
      %get3A_1856 = vector.shape_cast %get3A_1855 : vector<16xi32> to vector<16xi32>
      %mul3A_1857 = arith.constant 16 : i32
      %mul3A_1858 = vector.broadcast %mul3A_1857 : i32 to vector<16xi32>
      %mul3A_1859 = arith.muli %rem3A_1849, %mul3A_1858 : vector<16xi32>
      %add3A_1860 = arith.addi %mul3A_1859, %get3A_1856 : vector<16xi32>
      %swap3A_1861 = arith.constant 48 : index
      %swap3A_1862 = tpu.vector_load %arg12[%swap3A_1861] {strides = array<i32>} : memref<64xi32, #tpu.memory_space<vmem>>, vector<16xi32>,
      %swap3A_1863 = vector.shape_cast %swap3A_1862 : vector<16xi32> to vector<16xi32>
      %swap3A_1864 = vector.shape_cast %add3A_1860 : vector<16xi32> to vector<16xi32>
      tpu.vector_store %arg12[%swap3A_1861], %swap3A_1864 {strides = array<i32>} : memref<64xi32, #tpu.memory_space<vmem>>, vector<16xi32>,
      %dma_start3A_1865 = arith.constant 0 : i32
      %dma_start3A_1866 = arith.constant 0 : i32
      %dma_start3A_1867 = tpu.memref_slice %arg6[%dma_start3A_1865, %dma_start3A_1866] : memref<3200x128xf32, #tpu.memory_space<vmem_shared>> -> memref<3200x128xf32, #tpu.memory_space<vmem_shared>>
      tpu.enqueue_indirect_dma source(%dma_start3A_1867 : memref<3200x128xf32, #tpu.memory_space<vmem_shared>>) target(%arg20 : memref<64x128xf32, #tpu.memory_space<vmem>>) offsets(%arg12 : memref<64xi32, #tpu.memory_space<vmem>>) semaphore(%arg28 : memref<!tpu.dma_semaphore, #tpu.memory_space<semaphore_mem>>)
      %mul3A_1868 = arith.constant 8 : i32
      %mul3A_1869 = arith.muli %scan3A_1083, %mul3A_1868 : i32
      %add3A_1870 = arith.constant 6 : i32
      %add3A_1871 = arith.addi %mul3A_1869, %add3A_1870 : i32
      %mul3A_1872 = arith.constant 64 : i32
      %mul3A_1873 = arith.muli %add3A_1871, %mul3A_1872 : i32
      %add3A_1874 = arith.addi %mul3A_2, %mul3A_1873 : i32
      %dma_wait3A_1875 = arith.constant 0 : i32
      %dma_wait3A_1876 = tpu.memref_slice %arg4[%add3A_1874, %dma_wait3A_1875] : memref<819200x128xf32, #tpu.memory_space<hbm>> -> memref<64x128xf32, #tpu.memory_space<hbm>>
      %dma_wait3A_1877 = arith.constant 0 : i32
      %dma_wait3A_1878 = tpu.memref_slice %arg4[%add3A_1874, %dma_wait3A_1877] : memref<819200x128xf32, #tpu.memory_space<hbm>> -> memref<64x128xf32, #tpu.memory_space<hbm>>
      tpu.wait_dma2 semaphore(%arg37 : memref<!tpu.dma_semaphore, #tpu.memory_space<semaphore_mem>>) src(%arg21 : memref<64x128xf32, #tpu.memory_space<vmem>>) dst(%dma_wait3A_1878 : memref<64x128xf32, #tpu.memory_space<hbm>>)
      %add3A_1879 = arith.constant 8 : i32
      %add3A_1880 = arith.addi %add3A_1871, %add3A_1879 : i32
      %mul3A_1881 = arith.constant 64 : i32
      %mul3A_1882 = arith.muli %add3A_1880, %mul3A_1881 : i32
      %add3A_1883 = arith.constant 0 : i32
      %add3A_1884 = arith.addi %mul3A_1882, %add3A_1883 : i32
      %add3A_1885 = vector.broadcast %add3A_1884 : i32 to vector<16xi32>
      %add3A_1886 = arith.addi %add3A_1885, %iota3A : vector<16xi32>
      %rem3A_1887 = arith.constant 200 : i32
      %rem3A_1888 = vector.broadcast %rem3A_1887 : i32 to vector<16xi32>
      %rem3A_1889 = arith.remsi %add3A_1886, %rem3A_1888 : vector<16xi32>
      %mul3A_1890 = arith.constant 64 : i32
      %mul3A_1891 = arith.muli %add3A_1880, %mul3A_1890 : i32
      %add3A_1892 = arith.constant 0 : i32
      %add3A_1893 = arith.addi %mul3A_1891, %add3A_1892 : i32
      %get3A_1894 = arith.index_cast %add3A_1893 : i32 to index
      %get3A_1895 = tpu.vector_load %arg5[%get3A_1894] {strides = array<i32>} : memref<25600xi32, #tpu.memory_space<vmem>>, vector<16xi32>,
      %get3A_1896 = vector.shape_cast %get3A_1895 : vector<16xi32> to vector<16xi32>
      %mul3A_1897 = arith.constant 16 : i32
      %mul3A_1898 = vector.broadcast %mul3A_1897 : i32 to vector<16xi32>
      %mul3A_1899 = arith.muli %rem3A_1889, %mul3A_1898 : vector<16xi32>
      %add3A_1900 = arith.addi %mul3A_1899, %get3A_1896 : vector<16xi32>
      %swap3A_1901 = arith.constant 0 : index
      %swap3A_1902 = tpu.vector_load %arg13[%swap3A_1901] {strides = array<i32>} : memref<64xi32, #tpu.memory_space<vmem>>, vector<16xi32>,
      %swap3A_1903 = vector.shape_cast %swap3A_1902 : vector<16xi32> to vector<16xi32>
      %swap3A_1904 = vector.shape_cast %add3A_1900 : vector<16xi32> to vector<16xi32>
      tpu.vector_store %arg13[%swap3A_1901], %swap3A_1904 {strides = array<i32>} : memref<64xi32, #tpu.memory_space<vmem>>, vector<16xi32>,
      %mul3A_1905 = arith.constant 64 : i32
      %mul3A_1906 = arith.muli %add3A_1880, %mul3A_1905 : i32
      %add3A_1907 = arith.constant 16 : i32
      %add3A_1908 = arith.addi %mul3A_1906, %add3A_1907 : i32
      %add3A_1909 = vector.broadcast %add3A_1908 : i32 to vector<16xi32>
      %add3A_1910 = arith.addi %add3A_1909, %iota3A : vector<16xi32>
      %rem3A_1911 = arith.constant 200 : i32
      %rem3A_1912 = vector.broadcast %rem3A_1911 : i32 to vector<16xi32>
      %rem3A_1913 = arith.remsi %add3A_1910, %rem3A_1912 : vector<16xi32>
      %mul3A_1914 = arith.constant 64 : i32
      %mul3A_1915 = arith.muli %add3A_1880, %mul3A_1914 : i32
      %add3A_1916 = arith.constant 16 : i32
      %add3A_1917 = arith.addi %mul3A_1915, %add3A_1916 : i32
      %get3A_1918 = arith.index_cast %add3A_1917 : i32 to index
      %get3A_1919 = tpu.vector_load %arg5[%get3A_1918] {strides = array<i32>} : memref<25600xi32, #tpu.memory_space<vmem>>, vector<16xi32>,
      %get3A_1920 = vector.shape_cast %get3A_1919 : vector<16xi32> to vector<16xi32>
      %mul3A_1921 = arith.constant 16 : i32
      %mul3A_1922 = vector.broadcast %mul3A_1921 : i32 to vector<16xi32>
      %mul3A_1923 = arith.muli %rem3A_1913, %mul3A_1922 : vector<16xi32>
      %add3A_1924 = arith.addi %mul3A_1923, %get3A_1920 : vector<16xi32>
      %swap3A_1925 = arith.constant 16 : index
      %swap3A_1926 = tpu.vector_load %arg13[%swap3A_1925] {strides = array<i32>} : memref<64xi32, #tpu.memory_space<vmem>>, vector<16xi32>,
      %swap3A_1927 = vector.shape_cast %swap3A_1926 : vector<16xi32> to vector<16xi32>
      %swap3A_1928 = vector.shape_cast %add3A_1924 : vector<16xi32> to vector<16xi32>
      tpu.vector_store %arg13[%swap3A_1925], %swap3A_1928 {strides = array<i32>} : memref<64xi32, #tpu.memory_space<vmem>>, vector<16xi32>,
      %mul3A_1929 = arith.constant 64 : i32
      %mul3A_1930 = arith.muli %add3A_1880, %mul3A_1929 : i32
      %add3A_1931 = arith.constant 32 : i32
      %add3A_1932 = arith.addi %mul3A_1930, %add3A_1931 : i32
      %add3A_1933 = vector.broadcast %add3A_1932 : i32 to vector<16xi32>
      %add3A_1934 = arith.addi %add3A_1933, %iota3A : vector<16xi32>
      %rem3A_1935 = arith.constant 200 : i32
      %rem3A_1936 = vector.broadcast %rem3A_1935 : i32 to vector<16xi32>
      %rem3A_1937 = arith.remsi %add3A_1934, %rem3A_1936 : vector<16xi32>
      %mul3A_1938 = arith.constant 64 : i32
      %mul3A_1939 = arith.muli %add3A_1880, %mul3A_1938 : i32
      %add3A_1940 = arith.constant 32 : i32
      %add3A_1941 = arith.addi %mul3A_1939, %add3A_1940 : i32
      %get3A_1942 = arith.index_cast %add3A_1941 : i32 to index
      %get3A_1943 = tpu.vector_load %arg5[%get3A_1942] {strides = array<i32>} : memref<25600xi32, #tpu.memory_space<vmem>>, vector<16xi32>,
      %get3A_1944 = vector.shape_cast %get3A_1943 : vector<16xi32> to vector<16xi32>
      %mul3A_1945 = arith.constant 16 : i32
      %mul3A_1946 = vector.broadcast %mul3A_1945 : i32 to vector<16xi32>
      %mul3A_1947 = arith.muli %rem3A_1937, %mul3A_1946 : vector<16xi32>
      %add3A_1948 = arith.addi %mul3A_1947, %get3A_1944 : vector<16xi32>
      %swap3A_1949 = arith.constant 32 : index
      %swap3A_1950 = tpu.vector_load %arg13[%swap3A_1949] {strides = array<i32>} : memref<64xi32, #tpu.memory_space<vmem>>, vector<16xi32>,
      %swap3A_1951 = vector.shape_cast %swap3A_1950 : vector<16xi32> to vector<16xi32>
      %swap3A_1952 = vector.shape_cast %add3A_1948 : vector<16xi32> to vector<16xi32>
      tpu.vector_store %arg13[%swap3A_1949], %swap3A_1952 {strides = array<i32>} : memref<64xi32, #tpu.memory_space<vmem>>, vector<16xi32>,
      %mul3A_1953 = arith.constant 64 : i32
      %mul3A_1954 = arith.muli %add3A_1880, %mul3A_1953 : i32
      %add3A_1955 = arith.constant 48 : i32
      %add3A_1956 = arith.addi %mul3A_1954, %add3A_1955 : i32
      %add3A_1957 = vector.broadcast %add3A_1956 : i32 to vector<16xi32>
      %add3A_1958 = arith.addi %add3A_1957, %iota3A : vector<16xi32>
      %rem3A_1959 = arith.constant 200 : i32
      %rem3A_1960 = vector.broadcast %rem3A_1959 : i32 to vector<16xi32>
      %rem3A_1961 = arith.remsi %add3A_1958, %rem3A_1960 : vector<16xi32>
      %mul3A_1962 = arith.constant 64 : i32
      %mul3A_1963 = arith.muli %add3A_1880, %mul3A_1962 : i32
      %add3A_1964 = arith.constant 48 : i32
      %add3A_1965 = arith.addi %mul3A_1963, %add3A_1964 : i32
      %get3A_1966 = arith.index_cast %add3A_1965 : i32 to index
      %get3A_1967 = tpu.vector_load %arg5[%get3A_1966] {strides = array<i32>} : memref<25600xi32, #tpu.memory_space<vmem>>, vector<16xi32>,
      %get3A_1968 = vector.shape_cast %get3A_1967 : vector<16xi32> to vector<16xi32>
      %mul3A_1969 = arith.constant 16 : i32
      %mul3A_1970 = vector.broadcast %mul3A_1969 : i32 to vector<16xi32>
      %mul3A_1971 = arith.muli %rem3A_1961, %mul3A_1970 : vector<16xi32>
      %add3A_1972 = arith.addi %mul3A_1971, %get3A_1968 : vector<16xi32>
      %swap3A_1973 = arith.constant 48 : index
      %swap3A_1974 = tpu.vector_load %arg13[%swap3A_1973] {strides = array<i32>} : memref<64xi32, #tpu.memory_space<vmem>>, vector<16xi32>,
      %swap3A_1975 = vector.shape_cast %swap3A_1974 : vector<16xi32> to vector<16xi32>
      %swap3A_1976 = vector.shape_cast %add3A_1972 : vector<16xi32> to vector<16xi32>
      tpu.vector_store %arg13[%swap3A_1973], %swap3A_1976 {strides = array<i32>} : memref<64xi32, #tpu.memory_space<vmem>>, vector<16xi32>,
      %dma_start3A_1977 = arith.constant 0 : i32
      %dma_start3A_1978 = arith.constant 0 : i32
      %dma_start3A_1979 = tpu.memref_slice %arg6[%dma_start3A_1977, %dma_start3A_1978] : memref<3200x128xf32, #tpu.memory_space<vmem_shared>> -> memref<3200x128xf32, #tpu.memory_space<vmem_shared>>
      tpu.enqueue_indirect_dma source(%dma_start3A_1979 : memref<3200x128xf32, #tpu.memory_space<vmem_shared>>) target(%arg21 : memref<64x128xf32, #tpu.memory_space<vmem>>) offsets(%arg13 : memref<64xi32, #tpu.memory_space<vmem>>) semaphore(%arg29 : memref<!tpu.dma_semaphore, #tpu.memory_space<semaphore_mem>>)
      %mul3A_1980 = arith.constant 8 : i32
      %mul3A_1981 = arith.muli %scan3A_1083, %mul3A_1980 : i32
      %add3A_1982 = arith.constant 7 : i32
      %add3A_1983 = arith.addi %mul3A_1981, %add3A_1982 : i32
      %mul3A_1984 = arith.constant 64 : i32
      %mul3A_1985 = arith.muli %add3A_1983, %mul3A_1984 : i32
      %add3A_1986 = arith.addi %mul3A_2, %mul3A_1985 : i32
      %dma_wait3A_1987 = arith.constant 0 : i32
      %dma_wait3A_1988 = tpu.memref_slice %arg4[%add3A_1986, %dma_wait3A_1987] : memref<819200x128xf32, #tpu.memory_space<hbm>> -> memref<64x128xf32, #tpu.memory_space<hbm>>
      %dma_wait3A_1989 = arith.constant 0 : i32
      %dma_wait3A_1990 = tpu.memref_slice %arg4[%add3A_1986, %dma_wait3A_1989] : memref<819200x128xf32, #tpu.memory_space<hbm>> -> memref<64x128xf32, #tpu.memory_space<hbm>>
      tpu.wait_dma2 semaphore(%arg38 : memref<!tpu.dma_semaphore, #tpu.memory_space<semaphore_mem>>) src(%arg22 : memref<64x128xf32, #tpu.memory_space<vmem>>) dst(%dma_wait3A_1990 : memref<64x128xf32, #tpu.memory_space<hbm>>)
      %add3A_1991 = arith.constant 8 : i32
      %add3A_1992 = arith.addi %add3A_1983, %add3A_1991 : i32
      %mul3A_1993 = arith.constant 64 : i32
      %mul3A_1994 = arith.muli %add3A_1992, %mul3A_1993 : i32
      %add3A_1995 = arith.constant 0 : i32
      %add3A_1996 = arith.addi %mul3A_1994, %add3A_1995 : i32
      %add3A_1997 = vector.broadcast %add3A_1996 : i32 to vector<16xi32>
      %add3A_1998 = arith.addi %add3A_1997, %iota3A : vector<16xi32>
      %rem3A_1999 = arith.constant 200 : i32
      %rem3A_2000 = vector.broadcast %rem3A_1999 : i32 to vector<16xi32>
      %rem3A_2001 = arith.remsi %add3A_1998, %rem3A_2000 : vector<16xi32>
      %mul3A_2002 = arith.constant 64 : i32
      %mul3A_2003 = arith.muli %add3A_1992, %mul3A_2002 : i32
      %add3A_2004 = arith.constant 0 : i32
      %add3A_2005 = arith.addi %mul3A_2003, %add3A_2004 : i32
      %get3A_2006 = arith.index_cast %add3A_2005 : i32 to index
      %get3A_2007 = tpu.vector_load %arg5[%get3A_2006] {strides = array<i32>} : memref<25600xi32, #tpu.memory_space<vmem>>, vector<16xi32>,
      %get3A_2008 = vector.shape_cast %get3A_2007 : vector<16xi32> to vector<16xi32>
      %mul3A_2009 = arith.constant 16 : i32
      %mul3A_2010 = vector.broadcast %mul3A_2009 : i32 to vector<16xi32>
      %mul3A_2011 = arith.muli %rem3A_2001, %mul3A_2010 : vector<16xi32>
      %add3A_2012 = arith.addi %mul3A_2011, %get3A_2008 : vector<16xi32>
      %swap3A_2013 = arith.constant 0 : index
      %swap3A_2014 = tpu.vector_load %arg14[%swap3A_2013] {strides = array<i32>} : memref<64xi32, #tpu.memory_space<vmem>>, vector<16xi32>,
      %swap3A_2015 = vector.shape_cast %swap3A_2014 : vector<16xi32> to vector<16xi32>
      %swap3A_2016 = vector.shape_cast %add3A_2012 : vector<16xi32> to vector<16xi32>
      tpu.vector_store %arg14[%swap3A_2013], %swap3A_2016 {strides = array<i32>} : memref<64xi32, #tpu.memory_space<vmem>>, vector<16xi32>,
      %mul3A_2017 = arith.constant 64 : i32
      %mul3A_2018 = arith.muli %add3A_1992, %mul3A_2017 : i32
      %add3A_2019 = arith.constant 16 : i32
      %add3A_2020 = arith.addi %mul3A_2018, %add3A_2019 : i32
      %add3A_2021 = vector.broadcast %add3A_2020 : i32 to vector<16xi32>
      %add3A_2022 = arith.addi %add3A_2021, %iota3A : vector<16xi32>
      %rem3A_2023 = arith.constant 200 : i32
      %rem3A_2024 = vector.broadcast %rem3A_2023 : i32 to vector<16xi32>
      %rem3A_2025 = arith.remsi %add3A_2022, %rem3A_2024 : vector<16xi32>
      %mul3A_2026 = arith.constant 64 : i32
      %mul3A_2027 = arith.muli %add3A_1992, %mul3A_2026 : i32
      %add3A_2028 = arith.constant 16 : i32
      %add3A_2029 = arith.addi %mul3A_2027, %add3A_2028 : i32
      %get3A_2030 = arith.index_cast %add3A_2029 : i32 to index
      %get3A_2031 = tpu.vector_load %arg5[%get3A_2030] {strides = array<i32>} : memref<25600xi32, #tpu.memory_space<vmem>>, vector<16xi32>,
      %get3A_2032 = vector.shape_cast %get3A_2031 : vector<16xi32> to vector<16xi32>
      %mul3A_2033 = arith.constant 16 : i32
      %mul3A_2034 = vector.broadcast %mul3A_2033 : i32 to vector<16xi32>
      %mul3A_2035 = arith.muli %rem3A_2025, %mul3A_2034 : vector<16xi32>
      %add3A_2036 = arith.addi %mul3A_2035, %get3A_2032 : vector<16xi32>
      %swap3A_2037 = arith.constant 16 : index
      %swap3A_2038 = tpu.vector_load %arg14[%swap3A_2037] {strides = array<i32>} : memref<64xi32, #tpu.memory_space<vmem>>, vector<16xi32>,
      %swap3A_2039 = vector.shape_cast %swap3A_2038 : vector<16xi32> to vector<16xi32>
      %swap3A_2040 = vector.shape_cast %add3A_2036 : vector<16xi32> to vector<16xi32>
      tpu.vector_store %arg14[%swap3A_2037], %swap3A_2040 {strides = array<i32>} : memref<64xi32, #tpu.memory_space<vmem>>, vector<16xi32>,
      %mul3A_2041 = arith.constant 64 : i32
      %mul3A_2042 = arith.muli %add3A_1992, %mul3A_2041 : i32
      %add3A_2043 = arith.constant 32 : i32
      %add3A_2044 = arith.addi %mul3A_2042, %add3A_2043 : i32
      %add3A_2045 = vector.broadcast %add3A_2044 : i32 to vector<16xi32>
      %add3A_2046 = arith.addi %add3A_2045, %iota3A : vector<16xi32>
      %rem3A_2047 = arith.constant 200 : i32
      %rem3A_2048 = vector.broadcast %rem3A_2047 : i32 to vector<16xi32>
      %rem3A_2049 = arith.remsi %add3A_2046, %rem3A_2048 : vector<16xi32>
      %mul3A_2050 = arith.constant 64 : i32
      %mul3A_2051 = arith.muli %add3A_1992, %mul3A_2050 : i32
      %add3A_2052 = arith.constant 32 : i32
      %add3A_2053 = arith.addi %mul3A_2051, %add3A_2052 : i32
      %get3A_2054 = arith.index_cast %add3A_2053 : i32 to index
      %get3A_2055 = tpu.vector_load %arg5[%get3A_2054] {strides = array<i32>} : memref<25600xi32, #tpu.memory_space<vmem>>, vector<16xi32>,
      %get3A_2056 = vector.shape_cast %get3A_2055 : vector<16xi32> to vector<16xi32>
      %mul3A_2057 = arith.constant 16 : i32
      %mul3A_2058 = vector.broadcast %mul3A_2057 : i32 to vector<16xi32>
      %mul3A_2059 = arith.muli %rem3A_2049, %mul3A_2058 : vector<16xi32>
      %add3A_2060 = arith.addi %mul3A_2059, %get3A_2056 : vector<16xi32>
      %swap3A_2061 = arith.constant 32 : index
      %swap3A_2062 = tpu.vector_load %arg14[%swap3A_2061] {strides = array<i32>} : memref<64xi32, #tpu.memory_space<vmem>>, vector<16xi32>,
      %swap3A_2063 = vector.shape_cast %swap3A_2062 : vector<16xi32> to vector<16xi32>
      %swap3A_2064 = vector.shape_cast %add3A_2060 : vector<16xi32> to vector<16xi32>
      tpu.vector_store %arg14[%swap3A_2061], %swap3A_2064 {strides = array<i32>} : memref<64xi32, #tpu.memory_space<vmem>>, vector<16xi32>,
      %mul3A_2065 = arith.constant 64 : i32
      %mul3A_2066 = arith.muli %add3A_1992, %mul3A_2065 : i32
      %add3A_2067 = arith.constant 48 : i32
      %add3A_2068 = arith.addi %mul3A_2066, %add3A_2067 : i32
      %add3A_2069 = vector.broadcast %add3A_2068 : i32 to vector<16xi32>
      %add3A_2070 = arith.addi %add3A_2069, %iota3A : vector<16xi32>
      %rem3A_2071 = arith.constant 200 : i32
      %rem3A_2072 = vector.broadcast %rem3A_2071 : i32 to vector<16xi32>
      %rem3A_2073 = arith.remsi %add3A_2070, %rem3A_2072 : vector<16xi32>
      %mul3A_2074 = arith.constant 64 : i32
      %mul3A_2075 = arith.muli %add3A_1992, %mul3A_2074 : i32
      %add3A_2076 = arith.constant 48 : i32
      %add3A_2077 = arith.addi %mul3A_2075, %add3A_2076 : i32
      %get3A_2078 = arith.index_cast %add3A_2077 : i32 to index
      %get3A_2079 = tpu.vector_load %arg5[%get3A_2078] {strides = array<i32>} : memref<25600xi32, #tpu.memory_space<vmem>>, vector<16xi32>,
      %get3A_2080 = vector.shape_cast %get3A_2079 : vector<16xi32> to vector<16xi32>
      %mul3A_2081 = arith.constant 16 : i32
      %mul3A_2082 = vector.broadcast %mul3A_2081 : i32 to vector<16xi32>
      %mul3A_2083 = arith.muli %rem3A_2073, %mul3A_2082 : vector<16xi32>
      %add3A_2084 = arith.addi %mul3A_2083, %get3A_2080 : vector<16xi32>
      %swap3A_2085 = arith.constant 48 : index
      %swap3A_2086 = tpu.vector_load %arg14[%swap3A_2085] {strides = array<i32>} : memref<64xi32, #tpu.memory_space<vmem>>, vector<16xi32>,
      %swap3A_2087 = vector.shape_cast %swap3A_2086 : vector<16xi32> to vector<16xi32>
      %swap3A_2088 = vector.shape_cast %add3A_2084 : vector<16xi32> to vector<16xi32>
      tpu.vector_store %arg14[%swap3A_2085], %swap3A_2088 {strides = array<i32>} : memref<64xi32, #tpu.memory_space<vmem>>, vector<16xi32>,
      %dma_start3A_2089 = arith.constant 0 : i32
      %dma_start3A_2090 = arith.constant 0 : i32
      %dma_start3A_2091 = tpu.memref_slice %arg6[%dma_start3A_2089, %dma_start3A_2090] : memref<3200x128xf32, #tpu.memory_space<vmem_shared>> -> memref<3200x128xf32, #tpu.memory_space<vmem_shared>>
      tpu.enqueue_indirect_dma source(%dma_start3A_2091 : memref<3200x128xf32, #tpu.memory_space<vmem_shared>>) target(%arg22 : memref<64x128xf32, #tpu.memory_space<vmem>>) offsets(%arg14 : memref<64xi32, #tpu.memory_space<vmem>>) semaphore(%arg30 : memref<!tpu.dma_semaphore, #tpu.memory_space<semaphore_mem>>)
    }
    %scan3A_866 = arith.constant 49 : i32
    %mul3A_867 = arith.constant 49 : i32
    %mul3A_868 = arith.constant 8 : i32
    %mul3A_869 = arith.muli %mul3A_867, %mul3A_868 : i32
    %add3A_870 = arith.constant 0 : i32
    %add3A_871 = arith.addi %mul3A_869, %add3A_870 : i32
    %dma_wait3A_872 = arith.constant 0 : i32
    %dma_wait3A_873 = arith.constant 0 : i32
    %dma_wait3A_874 = tpu.memref_slice %arg6[%dma_wait3A_872, %dma_wait3A_873] : memref<3200x128xf32, #tpu.memory_space<vmem_shared>> -> memref<3200x128xf32, #tpu.memory_space<vmem_shared>>
    tpu.wait_indirect_dma semaphore(%arg23 : memref<!tpu.dma_semaphore, #tpu.memory_space<semaphore_mem>>) src(%dma_wait3A_874 : memref<3200x128xf32, #tpu.memory_space<vmem_shared>>) dst(%arg15 : memref<64x128xf32, #tpu.memory_space<vmem>>)
    %mul3A_875 = arith.constant 64 : i32
    %mul3A_876 = arith.muli %add3A_871, %mul3A_875 : i32
    %add3A_877 = arith.addi %mul3A_2, %mul3A_876 : i32
    %dma_start3A_878 = arith.constant 0 : i32
    %dma_start3A_879 = tpu.memref_slice %arg4[%add3A_877, %dma_start3A_878] : memref<819200x128xf32, #tpu.memory_space<hbm>> -> memref<64x128xf32, #tpu.memory_space<hbm>>
    %dma_start3A_880 = arith.constant 0 : i32
    %dma_start3A_881 = tpu.memref_slice %arg4[%add3A_877, %dma_start3A_880] : memref<819200x128xf32, #tpu.memory_space<hbm>> -> memref<64x128xf32, #tpu.memory_space<hbm>>
    tpu.enqueue_dma source(%arg15 : memref<64x128xf32, #tpu.memory_space<vmem>>) target(%dma_start3A_881 : memref<64x128xf32, #tpu.memory_space<hbm>>) target_semaphore(%arg31 : memref<!tpu.dma_semaphore, #tpu.memory_space<semaphore_mem>>)
    %mul3A_882 = arith.constant 49 : i32
    %mul3A_883 = arith.constant 8 : i32
    %mul3A_884 = arith.muli %mul3A_882, %mul3A_883 : i32
    %add3A_885 = arith.constant 1 : i32
    %add3A_886 = arith.addi %mul3A_884, %add3A_885 : i32
    %dma_wait3A_887 = arith.constant 0 : i32
    %dma_wait3A_888 = arith.constant 0 : i32
    %dma_wait3A_889 = tpu.memref_slice %arg6[%dma_wait3A_887, %dma_wait3A_888] : memref<3200x128xf32, #tpu.memory_space<vmem_shared>> -> memref<3200x128xf32, #tpu.memory_space<vmem_shared>>
    tpu.wait_indirect_dma semaphore(%arg24 : memref<!tpu.dma_semaphore, #tpu.memory_space<semaphore_mem>>) src(%dma_wait3A_889 : memref<3200x128xf32, #tpu.memory_space<vmem_shared>>) dst(%arg16 : memref<64x128xf32, #tpu.memory_space<vmem>>)
    %mul3A_890 = arith.constant 64 : i32
    %mul3A_891 = arith.muli %add3A_886, %mul3A_890 : i32
    %add3A_892 = arith.addi %mul3A_2, %mul3A_891 : i32
    %dma_start3A_893 = arith.constant 0 : i32
    %dma_start3A_894 = tpu.memref_slice %arg4[%add3A_892, %dma_start3A_893] : memref<819200x128xf32, #tpu.memory_space<hbm>> -> memref<64x128xf32, #tpu.memory_space<hbm>>
    %dma_start3A_895 = arith.constant 0 : i32
    %dma_start3A_896 = tpu.memref_slice %arg4[%add3A_892, %dma_start3A_895] : memref<819200x128xf32, #tpu.memory_space<hbm>> -> memref<64x128xf32, #tpu.memory_space<hbm>>
    tpu.enqueue_dma source(%arg16 : memref<64x128xf32, #tpu.memory_space<vmem>>) target(%dma_start3A_896 : memref<64x128xf32, #tpu.memory_space<hbm>>) target_semaphore(%arg32 : memref<!tpu.dma_semaphore, #tpu.memory_space<semaphore_mem>>)
    %mul3A_897 = arith.constant 49 : i32
    %mul3A_898 = arith.constant 8 : i32
    %mul3A_899 = arith.muli %mul3A_897, %mul3A_898 : i32
    %add3A_900 = arith.constant 2 : i32
    %add3A_901 = arith.addi %mul3A_899, %add3A_900 : i32
    %dma_wait3A_902 = arith.constant 0 : i32
    %dma_wait3A_903 = arith.constant 0 : i32
    %dma_wait3A_904 = tpu.memref_slice %arg6[%dma_wait3A_902, %dma_wait3A_903] : memref<3200x128xf32, #tpu.memory_space<vmem_shared>> -> memref<3200x128xf32, #tpu.memory_space<vmem_shared>>
    tpu.wait_indirect_dma semaphore(%arg25 : memref<!tpu.dma_semaphore, #tpu.memory_space<semaphore_mem>>) src(%dma_wait3A_904 : memref<3200x128xf32, #tpu.memory_space<vmem_shared>>) dst(%arg17 : memref<64x128xf32, #tpu.memory_space<vmem>>)
    %mul3A_905 = arith.constant 64 : i32
    %mul3A_906 = arith.muli %add3A_901, %mul3A_905 : i32
    %add3A_907 = arith.addi %mul3A_2, %mul3A_906 : i32
    %dma_start3A_908 = arith.constant 0 : i32
    %dma_start3A_909 = tpu.memref_slice %arg4[%add3A_907, %dma_start3A_908] : memref<819200x128xf32, #tpu.memory_space<hbm>> -> memref<64x128xf32, #tpu.memory_space<hbm>>
    %dma_start3A_910 = arith.constant 0 : i32
    %dma_start3A_911 = tpu.memref_slice %arg4[%add3A_907, %dma_start3A_910] : memref<819200x128xf32, #tpu.memory_space<hbm>> -> memref<64x128xf32, #tpu.memory_space<hbm>>
    tpu.enqueue_dma source(%arg17 : memref<64x128xf32, #tpu.memory_space<vmem>>) target(%dma_start3A_911 : memref<64x128xf32, #tpu.memory_space<hbm>>) target_semaphore(%arg33 : memref<!tpu.dma_semaphore, #tpu.memory_space<semaphore_mem>>)
    %mul3A_912 = arith.constant 49 : i32
    %mul3A_913 = arith.constant 8 : i32
    %mul3A_914 = arith.muli %mul3A_912, %mul3A_913 : i32
    %add3A_915 = arith.constant 3 : i32
    %add3A_916 = arith.addi %mul3A_914, %add3A_915 : i32
    %dma_wait3A_917 = arith.constant 0 : i32
    %dma_wait3A_918 = arith.constant 0 : i32
    %dma_wait3A_919 = tpu.memref_slice %arg6[%dma_wait3A_917, %dma_wait3A_918] : memref<3200x128xf32, #tpu.memory_space<vmem_shared>> -> memref<3200x128xf32, #tpu.memory_space<vmem_shared>>
    tpu.wait_indirect_dma semaphore(%arg26 : memref<!tpu.dma_semaphore, #tpu.memory_space<semaphore_mem>>) src(%dma_wait3A_919 : memref<3200x128xf32, #tpu.memory_space<vmem_shared>>) dst(%arg18 : memref<64x128xf32, #tpu.memory_space<vmem>>)
    %mul3A_920 = arith.constant 64 : i32
    %mul3A_921 = arith.muli %add3A_916, %mul3A_920 : i32
    %add3A_922 = arith.addi %mul3A_2, %mul3A_921 : i32
    %dma_start3A_923 = arith.constant 0 : i32
    %dma_start3A_924 = tpu.memref_slice %arg4[%add3A_922, %dma_start3A_923] : memref<819200x128xf32, #tpu.memory_space<hbm>> -> memref<64x128xf32, #tpu.memory_space<hbm>>
    %dma_start3A_925 = arith.constant 0 : i32
    %dma_start3A_926 = tpu.memref_slice %arg4[%add3A_922, %dma_start3A_925] : memref<819200x128xf32, #tpu.memory_space<hbm>> -> memref<64x128xf32, #tpu.memory_space<hbm>>
    tpu.enqueue_dma source(%arg18 : memref<64x128xf32, #tpu.memory_space<vmem>>) target(%dma_start3A_926 : memref<64x128xf32, #tpu.memory_space<hbm>>) target_semaphore(%arg34 : memref<!tpu.dma_semaphore, #tpu.memory_space<semaphore_mem>>)
    %mul3A_927 = arith.constant 49 : i32
    %mul3A_928 = arith.constant 8 : i32
    %mul3A_929 = arith.muli %mul3A_927, %mul3A_928 : i32
    %add3A_930 = arith.constant 4 : i32
    %add3A_931 = arith.addi %mul3A_929, %add3A_930 : i32
    %dma_wait3A_932 = arith.constant 0 : i32
    %dma_wait3A_933 = arith.constant 0 : i32
    %dma_wait3A_934 = tpu.memref_slice %arg6[%dma_wait3A_932, %dma_wait3A_933] : memref<3200x128xf32, #tpu.memory_space<vmem_shared>> -> memref<3200x128xf32, #tpu.memory_space<vmem_shared>>
    tpu.wait_indirect_dma semaphore(%arg27 : memref<!tpu.dma_semaphore, #tpu.memory_space<semaphore_mem>>) src(%dma_wait3A_934 : memref<3200x128xf32, #tpu.memory_space<vmem_shared>>) dst(%arg19 : memref<64x128xf32, #tpu.memory_space<vmem>>)
    %mul3A_935 = arith.constant 64 : i32
    %mul3A_936 = arith.muli %add3A_931, %mul3A_935 : i32
    %add3A_937 = arith.addi %mul3A_2, %mul3A_936 : i32
    %dma_start3A_938 = arith.constant 0 : i32
    %dma_start3A_939 = tpu.memref_slice %arg4[%add3A_937, %dma_start3A_938] : memref<819200x128xf32, #tpu.memory_space<hbm>> -> memref<64x128xf32, #tpu.memory_space<hbm>>
    %dma_start3A_940 = arith.constant 0 : i32
    %dma_start3A_941 = tpu.memref_slice %arg4[%add3A_937, %dma_start3A_940] : memref<819200x128xf32, #tpu.memory_space<hbm>> -> memref<64x128xf32, #tpu.memory_space<hbm>>
    tpu.enqueue_dma source(%arg19 : memref<64x128xf32, #tpu.memory_space<vmem>>) target(%dma_start3A_941 : memref<64x128xf32, #tpu.memory_space<hbm>>) target_semaphore(%arg35 : memref<!tpu.dma_semaphore, #tpu.memory_space<semaphore_mem>>)
    %mul3A_942 = arith.constant 49 : i32
    %mul3A_943 = arith.constant 8 : i32
    %mul3A_944 = arith.muli %mul3A_942, %mul3A_943 : i32
    %add3A_945 = arith.constant 5 : i32
    %add3A_946 = arith.addi %mul3A_944, %add3A_945 : i32
    %dma_wait3A_947 = arith.constant 0 : i32
    %dma_wait3A_948 = arith.constant 0 : i32
    %dma_wait3A_949 = tpu.memref_slice %arg6[%dma_wait3A_947, %dma_wait3A_948] : memref<3200x128xf32, #tpu.memory_space<vmem_shared>> -> memref<3200x128xf32, #tpu.memory_space<vmem_shared>>
    tpu.wait_indirect_dma semaphore(%arg28 : memref<!tpu.dma_semaphore, #tpu.memory_space<semaphore_mem>>) src(%dma_wait3A_949 : memref<3200x128xf32, #tpu.memory_space<vmem_shared>>) dst(%arg20 : memref<64x128xf32, #tpu.memory_space<vmem>>)
    %mul3A_950 = arith.constant 64 : i32
    %mul3A_951 = arith.muli %add3A_946, %mul3A_950 : i32
    %add3A_952 = arith.addi %mul3A_2, %mul3A_951 : i32
    %dma_start3A_953 = arith.constant 0 : i32
    %dma_start3A_954 = tpu.memref_slice %arg4[%add3A_952, %dma_start3A_953] : memref<819200x128xf32, #tpu.memory_space<hbm>> -> memref<64x128xf32, #tpu.memory_space<hbm>>
    %dma_start3A_955 = arith.constant 0 : i32
    %dma_start3A_956 = tpu.memref_slice %arg4[%add3A_952, %dma_start3A_955] : memref<819200x128xf32, #tpu.memory_space<hbm>> -> memref<64x128xf32, #tpu.memory_space<hbm>>
    tpu.enqueue_dma source(%arg20 : memref<64x128xf32, #tpu.memory_space<vmem>>) target(%dma_start3A_956 : memref<64x128xf32, #tpu.memory_space<hbm>>) target_semaphore(%arg36 : memref<!tpu.dma_semaphore, #tpu.memory_space<semaphore_mem>>)
    %mul3A_957 = arith.constant 49 : i32
    %mul3A_958 = arith.constant 8 : i32
    %mul3A_959 = arith.muli %mul3A_957, %mul3A_958 : i32
    %add3A_960 = arith.constant 6 : i32
    %add3A_961 = arith.addi %mul3A_959, %add3A_960 : i32
    %dma_wait3A_962 = arith.constant 0 : i32
    %dma_wait3A_963 = arith.constant 0 : i32
    %dma_wait3A_964 = tpu.memref_slice %arg6[%dma_wait3A_962, %dma_wait3A_963] : memref<3200x128xf32, #tpu.memory_space<vmem_shared>> -> memref<3200x128xf32, #tpu.memory_space<vmem_shared>>
    tpu.wait_indirect_dma semaphore(%arg29 : memref<!tpu.dma_semaphore, #tpu.memory_space<semaphore_mem>>) src(%dma_wait3A_964 : memref<3200x128xf32, #tpu.memory_space<vmem_shared>>) dst(%arg21 : memref<64x128xf32, #tpu.memory_space<vmem>>)
    %mul3A_965 = arith.constant 64 : i32
    %mul3A_966 = arith.muli %add3A_961, %mul3A_965 : i32
    %add3A_967 = arith.addi %mul3A_2, %mul3A_966 : i32
    %dma_start3A_968 = arith.constant 0 : i32
    %dma_start3A_969 = tpu.memref_slice %arg4[%add3A_967, %dma_start3A_968] : memref<819200x128xf32, #tpu.memory_space<hbm>> -> memref<64x128xf32, #tpu.memory_space<hbm>>
    %dma_start3A_970 = arith.constant 0 : i32
    %dma_start3A_971 = tpu.memref_slice %arg4[%add3A_967, %dma_start3A_970] : memref<819200x128xf32, #tpu.memory_space<hbm>> -> memref<64x128xf32, #tpu.memory_space<hbm>>
    tpu.enqueue_dma source(%arg21 : memref<64x128xf32, #tpu.memory_space<vmem>>) target(%dma_start3A_971 : memref<64x128xf32, #tpu.memory_space<hbm>>) target_semaphore(%arg37 : memref<!tpu.dma_semaphore, #tpu.memory_space<semaphore_mem>>)
    %mul3A_972 = arith.constant 49 : i32
    %mul3A_973 = arith.constant 8 : i32
    %mul3A_974 = arith.muli %mul3A_972, %mul3A_973 : i32
    %add3A_975 = arith.constant 7 : i32
    %add3A_976 = arith.addi %mul3A_974, %add3A_975 : i32
    %dma_wait3A_977 = arith.constant 0 : i32
    %dma_wait3A_978 = arith.constant 0 : i32
    %dma_wait3A_979 = tpu.memref_slice %arg6[%dma_wait3A_977, %dma_wait3A_978] : memref<3200x128xf32, #tpu.memory_space<vmem_shared>> -> memref<3200x128xf32, #tpu.memory_space<vmem_shared>>
    tpu.wait_indirect_dma semaphore(%arg30 : memref<!tpu.dma_semaphore, #tpu.memory_space<semaphore_mem>>) src(%dma_wait3A_979 : memref<3200x128xf32, #tpu.memory_space<vmem_shared>>) dst(%arg22 : memref<64x128xf32, #tpu.memory_space<vmem>>)
    %mul3A_980 = arith.constant 64 : i32
    %mul3A_981 = arith.muli %add3A_976, %mul3A_980 : i32
    %add3A_982 = arith.addi %mul3A_2, %mul3A_981 : i32
    %dma_start3A_983 = arith.constant 0 : i32
    %dma_start3A_984 = tpu.memref_slice %arg4[%add3A_982, %dma_start3A_983] : memref<819200x128xf32, #tpu.memory_space<hbm>> -> memref<64x128xf32, #tpu.memory_space<hbm>>
    %dma_start3A_985 = arith.constant 0 : i32
    %dma_start3A_986 = tpu.memref_slice %arg4[%add3A_982, %dma_start3A_985] : memref<819200x128xf32, #tpu.memory_space<hbm>> -> memref<64x128xf32, #tpu.memory_space<hbm>>
    tpu.enqueue_dma source(%arg22 : memref<64x128xf32, #tpu.memory_space<vmem>>) target(%dma_start3A_986 : memref<64x128xf32, #tpu.memory_space<hbm>>) target_semaphore(%arg38 : memref<!tpu.dma_semaphore, #tpu.memory_space<semaphore_mem>>)
    %mul3A_987 = arith.constant 49 : i32
    %mul3A_988 = arith.constant 8 : i32
    %mul3A_989 = arith.muli %mul3A_987, %mul3A_988 : i32
    %add3A_990 = arith.constant 0 : i32
    %add3A_991 = arith.addi %mul3A_989, %add3A_990 : i32
    %mul3A_992 = arith.constant 64 : i32
    %mul3A_993 = arith.muli %add3A_991, %mul3A_992 : i32
    %add3A_994 = arith.addi %mul3A_2, %mul3A_993 : i32
    %dma_wait3A_995 = arith.constant 0 : i32
    %dma_wait3A_996 = tpu.memref_slice %arg4[%add3A_994, %dma_wait3A_995] : memref<819200x128xf32, #tpu.memory_space<hbm>> -> memref<64x128xf32, #tpu.memory_space<hbm>>
    %dma_wait3A_997 = arith.constant 0 : i32
    %dma_wait3A_998 = tpu.memref_slice %arg4[%add3A_994, %dma_wait3A_997] : memref<819200x128xf32, #tpu.memory_space<hbm>> -> memref<64x128xf32, #tpu.memory_space<hbm>>
    tpu.wait_dma2 semaphore(%arg31 : memref<!tpu.dma_semaphore, #tpu.memory_space<semaphore_mem>>) src(%arg15 : memref<64x128xf32, #tpu.memory_space<vmem>>) dst(%dma_wait3A_998 : memref<64x128xf32, #tpu.memory_space<hbm>>)
    %mul3A_999 = arith.constant 49 : i32
    %mul3A_1000 = arith.constant 8 : i32
    %mul3A_1001 = arith.muli %mul3A_999, %mul3A_1000 : i32
    %add3A_1002 = arith.constant 1 : i32
    %add3A_1003 = arith.addi %mul3A_1001, %add3A_1002 : i32
    %mul3A_1004 = arith.constant 64 : i32
    %mul3A_1005 = arith.muli %add3A_1003, %mul3A_1004 : i32
    %add3A_1006 = arith.addi %mul3A_2, %mul3A_1005 : i32
    %dma_wait3A_1007 = arith.constant 0 : i32
    %dma_wait3A_1008 = tpu.memref_slice %arg4[%add3A_1006, %dma_wait3A_1007] : memref<819200x128xf32, #tpu.memory_space<hbm>> -> memref<64x128xf32, #tpu.memory_space<hbm>>
    %dma_wait3A_1009 = arith.constant 0 : i32
    %dma_wait3A_1010 = tpu.memref_slice %arg4[%add3A_1006, %dma_wait3A_1009] : memref<819200x128xf32, #tpu.memory_space<hbm>> -> memref<64x128xf32, #tpu.memory_space<hbm>>
    tpu.wait_dma2 semaphore(%arg32 : memref<!tpu.dma_semaphore, #tpu.memory_space<semaphore_mem>>) src(%arg16 : memref<64x128xf32, #tpu.memory_space<vmem>>) dst(%dma_wait3A_1010 : memref<64x128xf32, #tpu.memory_space<hbm>>)
    %mul3A_1011 = arith.constant 49 : i32
    %mul3A_1012 = arith.constant 8 : i32
    %mul3A_1013 = arith.muli %mul3A_1011, %mul3A_1012 : i32
    %add3A_1014 = arith.constant 2 : i32
    %add3A_1015 = arith.addi %mul3A_1013, %add3A_1014 : i32
    %mul3A_1016 = arith.constant 64 : i32
    %mul3A_1017 = arith.muli %add3A_1015, %mul3A_1016 : i32
    %add3A_1018 = arith.addi %mul3A_2, %mul3A_1017 : i32
    %dma_wait3A_1019 = arith.constant 0 : i32
    %dma_wait3A_1020 = tpu.memref_slice %arg4[%add3A_1018, %dma_wait3A_1019] : memref<819200x128xf32, #tpu.memory_space<hbm>> -> memref<64x128xf32, #tpu.memory_space<hbm>>
    %dma_wait3A_1021 = arith.constant 0 : i32
    %dma_wait3A_1022 = tpu.memref_slice %arg4[%add3A_1018, %dma_wait3A_1021] : memref<819200x128xf32, #tpu.memory_space<hbm>> -> memref<64x128xf32, #tpu.memory_space<hbm>>
    tpu.wait_dma2 semaphore(%arg33 : memref<!tpu.dma_semaphore, #tpu.memory_space<semaphore_mem>>) src(%arg17 : memref<64x128xf32, #tpu.memory_space<vmem>>) dst(%dma_wait3A_1022 : memref<64x128xf32, #tpu.memory_space<hbm>>)
    %mul3A_1023 = arith.constant 49 : i32
    %mul3A_1024 = arith.constant 8 : i32
    %mul3A_1025 = arith.muli %mul3A_1023, %mul3A_1024 : i32
    %add3A_1026 = arith.constant 3 : i32
    %add3A_1027 = arith.addi %mul3A_1025, %add3A_1026 : i32
    %mul3A_1028 = arith.constant 64 : i32
    %mul3A_1029 = arith.muli %add3A_1027, %mul3A_1028 : i32
    %add3A_1030 = arith.addi %mul3A_2, %mul3A_1029 : i32
    %dma_wait3A_1031 = arith.constant 0 : i32
    %dma_wait3A_1032 = tpu.memref_slice %arg4[%add3A_1030, %dma_wait3A_1031] : memref<819200x128xf32, #tpu.memory_space<hbm>> -> memref<64x128xf32, #tpu.memory_space<hbm>>
    %dma_wait3A_1033 = arith.constant 0 : i32
    %dma_wait3A_1034 = tpu.memref_slice %arg4[%add3A_1030, %dma_wait3A_1033] : memref<819200x128xf32, #tpu.memory_space<hbm>> -> memref<64x128xf32, #tpu.memory_space<hbm>>
    tpu.wait_dma2 semaphore(%arg34 : memref<!tpu.dma_semaphore, #tpu.memory_space<semaphore_mem>>) src(%arg18 : memref<64x128xf32, #tpu.memory_space<vmem>>) dst(%dma_wait3A_1034 : memref<64x128xf32, #tpu.memory_space<hbm>>)
    %mul3A_1035 = arith.constant 49 : i32
    %mul3A_1036 = arith.constant 8 : i32
    %mul3A_1037 = arith.muli %mul3A_1035, %mul3A_1036 : i32
    %add3A_1038 = arith.constant 4 : i32
    %add3A_1039 = arith.addi %mul3A_1037, %add3A_1038 : i32
    %mul3A_1040 = arith.constant 64 : i32
    %mul3A_1041 = arith.muli %add3A_1039, %mul3A_1040 : i32
    %add3A_1042 = arith.addi %mul3A_2, %mul3A_1041 : i32
    %dma_wait3A_1043 = arith.constant 0 : i32
    %dma_wait3A_1044 = tpu.memref_slice %arg4[%add3A_1042, %dma_wait3A_1043] : memref<819200x128xf32, #tpu.memory_space<hbm>> -> memref<64x128xf32, #tpu.memory_space<hbm>>
    %dma_wait3A_1045 = arith.constant 0 : i32
    %dma_wait3A_1046 = tpu.memref_slice %arg4[%add3A_1042, %dma_wait3A_1045] : memref<819200x128xf32, #tpu.memory_space<hbm>> -> memref<64x128xf32, #tpu.memory_space<hbm>>
    tpu.wait_dma2 semaphore(%arg35 : memref<!tpu.dma_semaphore, #tpu.memory_space<semaphore_mem>>) src(%arg19 : memref<64x128xf32, #tpu.memory_space<vmem>>) dst(%dma_wait3A_1046 : memref<64x128xf32, #tpu.memory_space<hbm>>)
    %mul3A_1047 = arith.constant 49 : i32
    %mul3A_1048 = arith.constant 8 : i32
    %mul3A_1049 = arith.muli %mul3A_1047, %mul3A_1048 : i32
    %add3A_1050 = arith.constant 5 : i32
    %add3A_1051 = arith.addi %mul3A_1049, %add3A_1050 : i32
    %mul3A_1052 = arith.constant 64 : i32
    %mul3A_1053 = arith.muli %add3A_1051, %mul3A_1052 : i32
    %add3A_1054 = arith.addi %mul3A_2, %mul3A_1053 : i32
    %dma_wait3A_1055 = arith.constant 0 : i32
    %dma_wait3A_1056 = tpu.memref_slice %arg4[%add3A_1054, %dma_wait3A_1055] : memref<819200x128xf32, #tpu.memory_space<hbm>> -> memref<64x128xf32, #tpu.memory_space<hbm>>
    %dma_wait3A_1057 = arith.constant 0 : i32
    %dma_wait3A_1058 = tpu.memref_slice %arg4[%add3A_1054, %dma_wait3A_1057] : memref<819200x128xf32, #tpu.memory_space<hbm>> -> memref<64x128xf32, #tpu.memory_space<hbm>>
    tpu.wait_dma2 semaphore(%arg36 : memref<!tpu.dma_semaphore, #tpu.memory_space<semaphore_mem>>) src(%arg20 : memref<64x128xf32, #tpu.memory_space<vmem>>) dst(%dma_wait3A_1058 : memref<64x128xf32, #tpu.memory_space<hbm>>)
    %mul3A_1059 = arith.constant 49 : i32
    %mul3A_1060 = arith.constant 8 : i32
    %mul3A_1061 = arith.muli %mul3A_1059, %mul3A_1060 : i32
    %add3A_1062 = arith.constant 6 : i32
    %add3A_1063 = arith.addi %mul3A_1061, %add3A_1062 : i32
    %mul3A_1064 = arith.constant 64 : i32
    %mul3A_1065 = arith.muli %add3A_1063, %mul3A_1064 : i32
    %add3A_1066 = arith.addi %mul3A_2, %mul3A_1065 : i32
    %dma_wait3A_1067 = arith.constant 0 : i32
    %dma_wait3A_1068 = tpu.memref_slice %arg4[%add3A_1066, %dma_wait3A_1067] : memref<819200x128xf32, #tpu.memory_space<hbm>> -> memref<64x128xf32, #tpu.memory_space<hbm>>
    %dma_wait3A_1069 = arith.constant 0 : i32
    %dma_wait3A_1070 = tpu.memref_slice %arg4[%add3A_1066, %dma_wait3A_1069] : memref<819200x128xf32, #tpu.memory_space<hbm>> -> memref<64x128xf32, #tpu.memory_space<hbm>>
    tpu.wait_dma2 semaphore(%arg37 : memref<!tpu.dma_semaphore, #tpu.memory_space<semaphore_mem>>) src(%arg21 : memref<64x128xf32, #tpu.memory_space<vmem>>) dst(%dma_wait3A_1070 : memref<64x128xf32, #tpu.memory_space<hbm>>)
    %mul3A_1071 = arith.constant 49 : i32
    %mul3A_1072 = arith.constant 8 : i32
    %mul3A_1073 = arith.muli %mul3A_1071, %mul3A_1072 : i32
    %add3A_1074 = arith.constant 7 : i32
    %add3A_1075 = arith.addi %mul3A_1073, %add3A_1074 : i32
    %mul3A_1076 = arith.constant 64 : i32
    %mul3A_1077 = arith.muli %add3A_1075, %mul3A_1076 : i32
    %add3A_1078 = arith.addi %mul3A_2, %mul3A_1077 : i32
    %dma_wait3A_1079 = arith.constant 0 : i32
    %dma_wait3A_1080 = tpu.memref_slice %arg4[%add3A_1078, %dma_wait3A_1079] : memref<819200x128xf32, #tpu.memory_space<hbm>> -> memref<64x128xf32, #tpu.memory_space<hbm>>
    %dma_wait3A_1081 = arith.constant 0 : i32
    %dma_wait3A_1082 = tpu.memref_slice %arg4[%add3A_1078, %dma_wait3A_1081] : memref<819200x128xf32, #tpu.memory_space<hbm>> -> memref<64x128xf32, #tpu.memory_space<hbm>>
    tpu.wait_dma2 semaphore(%arg38 : memref<!tpu.dma_semaphore, #tpu.memory_space<semaphore_mem>>) src(%arg22 : memref<64x128xf32, #tpu.memory_space<vmem>>) dst(%dma_wait3A_1082 : memref<64x128xf32, #tpu.memory_space<hbm>>)
    return
  }
}

module attributes {stable_mosaic.version = 14 : i64} {
  func.func @_table_body(%arg0: memref<16x128xf32, #tpu.memory_space<vmem>>, %arg1: memref<200x128xf32, #tpu.memory_space<vmem>>, %arg2: memref<200x16x128xf32, #tpu.memory_space<vmem>>) attributes {dimension_semantics = [], scalar_prefetch = 0 : i64, scratch_operands = 0 : i64, tpu.core_type = #tpu.core_type<tc>} {
    %get3A = arith.constant 0 : index
    %get3A_0 = arith.constant 0 : index
    %get3A_1 = vector.load %arg0[%get3A, %get3A_0] : memref<16x128xf32, #tpu.memory_space<vmem>>, vector<16x128xf32>
    %mul3A = arith.constant 11.3137083 : f32
    %mul3A_2 = vector.broadcast %mul3A : f32 to vector<16x128xf32>
    %mul3A_3 = arith.mulf %get3A_1, %mul3A_2 : vector<16x128xf32>
    %get3A_4 = arith.constant 0 : index
    %get3A_5 = arith.constant 0 : index
    %get3A_6 = vector.load %arg1[%get3A_4, %get3A_5] : memref<200x128xf32, #tpu.memory_space<vmem>>, vector<200x128xf32>
    %broadcast_in_dim3A = vector.shape_cast %mul3A_3 : vector<16x128xf32> to vector<1x16x128xf32>
    %broadcast_in_dim3A_7 = vector.shape_cast %get3A_6 : vector<200x128xf32> to vector<200x1x128xf32>
    %add3A = vector.broadcast %broadcast_in_dim3A : vector<1x16x128xf32> to vector<200x16x128xf32>
    %add3A_8 = vector.broadcast %broadcast_in_dim3A_7 : vector<200x1x128xf32> to vector<200x16x128xf32>
    %add3A_9 = arith.addf %add3A, %add3A_8 : vector<200x16x128xf32>
    %swap3A = arith.constant 0 : index
    %swap3A_10 = arith.constant 0 : index
    %swap3A_11 = arith.constant 0 : index
    %swap3A_12 = vector.load %arg2[%swap3A, %swap3A_10, %swap3A_11] : memref<200x16x128xf32, #tpu.memory_space<vmem>>, vector<200x16x128xf32>
    tpu.vector_store %arg2[%swap3A, %swap3A_10, %swap3A_11], %add3A_9 {strides = array<i32>} : memref<200x16x128xf32, #tpu.memory_space<vmem>>, vector<200x16x128xf32>,
    return
  }
}

</mosaic_0001>

<sc_bundles>
// kernel: kernel.4.cloned.1.call-start
scs
__scs_entry_jumppad:
0x0: {  	(pc) =	sbr.rel $0x88, $3  }
0x1: {  	(tag) =	ssettag $0x0;
	lr =	simm.s32 $0x1  }
0x2: {  	[smem:$0x3F9E] =	sst lr;
	_ =	strace $0xD0000000  }
0x3: {  	_ = 	snop  }
0x4: {  	_ = 	snop  }
0x5: {  	_ = 	snop  }
0x6: {  	_ = 	snop  }
0x7: {  	_ = 	snop  }
__scs_overlays_trampoline_lowered:
0x8: {  	[smem:$0x3FAD] =	sst s0  }
0x9: {  	[smem:$0x3FAE] =	sst s1  }
0xa: {  	[smem:$0x3FAF] =	sst s2  }
0xb: {  	[smem:$0x3FB0] =	sst s3  }
0xc: {  	[smem:$0x3FB1] =	sst s4  }
0xd: {  	[smem:$0x3FB2] =	sst s5  }
0xe: {  	[smem:$0x3FB3] =	sst s6  }
0xf: {  	[smem:$0x3FB4] =	sst s7  }
0x10: {  	[smem:$0x3FB5] =	sst s8  }
0x11: {  	[smem:$0x3FB6] =	sst s9;
	s0 =	simm.s32 @!p0 $0x0  }
0x12: {  	s1 =	sld [smem:$0x3F9C];
	s0 =	simm.s32 @p0 $0x1  }
0x13: {  	[smem:$0x3FB7] =	sst s0;
	s0 =	simm.s32 @!p1 $0x0  }
0x14: {  	s2 =	sld [smem:$0x3F9B];
	s0 =	simm.s32 @p1 $0x1  }
0x15: {  	[smem:$0x3FB8] =	sst s0;
	s0 =	simm.s32 @!p2 $0x0  }
0x16: {  	s3 =	sld [smem:$0x3FDB];
	s0 =	simm.s32 @p2 $0x1  }
0x17: {  	s4 =	simm.s32 $0x1BF5;
	[smem:$0x3FBA] =	sst s0  }
0x18: {  	s0 =	sld [smem:$0x3F9D];
	_ =	swait.ge [sflag:s4], $0x0  }
0x19: {  	s7 =	sld [smem:$0x3F9E]  }
0x1a: {  	s8 =	sadd.s32 $0xFFFFE003, lr  }
0x1b: {  	s9 =	sadd.s32 $0xFFFFFEF7, lr;
	s5 =	simm.s32 $0xFFFFFFFF;
	p2 =	slt.u32 s8, $0xFFFFF086  }
0x1c: {  	p1 =	slt.u32 s9, $0xF7A;
	s5 =	simm.s32 @!p2 $0x0  }
0x1d: {  	s5 =	simm.s32 @p1 $0x1;
	p0 =	seq.s32 s7, s2  }
0x1e: {  	s7 =	smul.u32 @!p0 $0xF7A, s2;
	p2 =	seq.s32 @!p0 s5, $0x0  }
0x1f: {  	s9 =	smul.u32 $0xF7A, s1;
	s8 =	simm.s32 @!p0 $0x1BF5;
	p2 =	por !p2, p0  }
0x20: {  	[sflag:s8] =	ssyncset.s32 @!p0 $0xFFFFF086;
	s6 =	sadd.s32 @!p0 s3, s7;
	s7 =	simm.s32 @!p0 $0x108  }
0x21: {  	s3 =	sadd.s32 s3, s9;
	s6 =	sadd.s32 @!p0 $0x88, s6;
	s7 =	simm.s32 @p2 $0x1082  }
0x22: {  	[simem:s7], [sflag:s8] =	dma.local @!p0 [hbm:s6], $0xF7A  }
0x23: {  	s9 =	sor.u32 $0xD0000000, s2;
	s6 =	simm.s32 $0x108;
	_ =	swait.ge @!p0 [sflag:s8], $0x0  }
0x24: {  	s3 =	sadd.s32 $0x88, s3;
	s6 =	simm.s32 @!p1 $0x1082;
	[sflag:s4] =	ssyncset.s32 $0xFFFFF086  }
0x25: {  	[simem:s6], [sflag:s4] =	dma.local [hbm:s3], $0xF7A  }
0x26: {  	[smem:$0x3F9E] =	sst s1;
	(tag) =	ssettag s2;
	_ =	strace s9  }
0x27: {  	s1 =	sld [smem:$0x3FAE]  }
0x28: {  	s2 =	sld [smem:$0x3FAF]  }
0x29: {  	s4 =	sld [smem:$0x3FB1]  }
0x2a: {  	p0 =	seq.s32 s5, $0x0;
	s5 =	sld [smem:$0x3FB2]  }
0x2b: {  	s6 =	sld [smem:$0x3FB3]  }
0x2c: {  	s7 =	sld [smem:$0x3FB4]  }
0x2d: {  	s3 =	simm.s32 $0x108;
	s8 =	sld [smem:$0x3FB5]  }
0x2e: {  	s3 =	simm.s32 @!p0 $0x1082;
	s9 =	sld [smem:$0x3FB6]  }
0x2f: {  	lr =	sadd.s32 s0, s3;
	s0 =	sld [smem:$0x3FAD]  }
0x30: {  	s3 =	sld [smem:$0x3FB0]  }
0x31: {  	[smem:$0x3FB9] =	sst s10  }
0x32: {  	s10 =	sld [smem:$0x3FB7];
	_ =	sdelay $0x3  }
0x33: {  	p0 =	seq.s32 s10, $0x1;
	s10 =	sld [smem:$0x3FB9];
	_ =	sdelay $0x3  }
0x34: {  	[smem:$0x3FB9] =	sst s10  }
0x35: {  	s10 =	sld [smem:$0x3FB8];
	_ =	sdelay $0x3  }
0x36: {  	p1 =	seq.s32 s10, $0x1;
	s10 =	sld [smem:$0x3FB9];
	_ =	sdelay $0x3  }
0x37: {  	[smem:$0x3FB9] =	sst s10  }
0x38: {  	s10 =	sld [smem:$0x3FBA]  }
0x39: {  	_ = 	snop;
	(pc) =	sbr.ind lr, $3  }
0x3a: {  	_ = 	snop  }
0x3b: {  	_ = 	snop  }
0x3c: {  	p2 =	seq.s32 s10, $0x1;
	s10 =	sld [smem:$0x3FB9]  }
0x3d: {  	_ =	shalt  }
0x3e: {  	_ =	shalt  }
0x3f: {  	_ =	shalt  }
0x40: {  	_ =	shalt  }
0x41: {  	_ =	shalt  }
0x42: {  	_ =	shalt  }
0x43: {  	_ =	shalt  }
0x44: {  	_ =	shalt  }
0x45: {  	_ =	shalt  }
0x46: {  	_ =	shalt  }
0x47: {  	_ =	shalt  }
0x48: {  	_ =	shalt  }
0x49: {  	_ =	shalt  }
0x4a: {  	_ =	shalt  }
0x4b: {  	_ =	shalt  }
0x4c: {  	_ =	shalt  }
0x4d: {  	_ =	shalt  }
0x4e: {  	_ =	shalt  }
0x4f: {  	_ =	shalt  }
0x50: {  	_ =	shalt  }
0x51: {  	_ =	shalt  }
0x52: {  	_ =	shalt  }
0x53: {  	_ =	shalt  }
0x54: {  	_ =	shalt  }
0x55: {  	_ =	shalt  }
0x56: {  	_ =	shalt  }
0x57: {  	_ =	shalt  }
0x58: {  	_ =	shalt  }
0x59: {  	_ =	shalt  }
0x5a: {  	_ =	shalt  }
0x5b: {  	_ =	shalt  }
0x5c: {  	_ =	shalt  }
0x5d: {  	_ =	shalt  }
0x5e: {  	_ =	shalt  }
0x5f: {  	_ =	shalt  }
0x60: {  	_ =	shalt  }
0x61: {  	_ =	shalt  }
0x62: {  	_ =	shalt  }
0x63: {  	_ =	shalt  }
0x64: {  	_ =	shalt  }
0x65: {  	_ =	shalt  }
0x66: {  	_ =	shalt  }
0x67: {  	_ =	shalt  }
0x68: {  	_ =	shalt  }
0x69: {  	_ =	shalt  }
0x6a: {  	_ =	shalt  }
0x6b: {  	_ =	shalt  }
0x6c: {  	_ =	shalt  }
0x6d: {  	_ =	shalt  }
0x6e: {  	_ =	shalt  }
0x6f: {  	_ =	shalt  }
0x70: {  	_ =	shalt  }
0x71: {  	_ =	shalt  }
0x72: {  	_ =	shalt  }
0x73: {  	_ =	shalt  }
0x74: {  	_ =	shalt  }
0x75: {  	_ =	shalt  }
0x76: {  	_ =	shalt  }
0x77: {  	_ =	shalt  }
0x78: {  	_ =	shalt  }
0x79: {  	_ =	shalt  }
0x7a: {  	_ =	shalt  }
0x7b: {  	_ =	shalt  }
0x7c: {  	_ =	shalt  }
0x7d: {  	_ =	shalt  }
0x7e: {  	_ =	shalt  }
0x7f: {  	_ =	shalt  }
0x80: {  	_ =	shalt  }
0x81: {  	_ =	shalt  }
0x82: {  	_ =	shalt  }
0x83: {  	_ =	shalt  }
0x84: {  	_ =	shalt  }
0x85: {  	_ =	shalt  }
0x86: {  	_ =	shalt  }
0x87: {  	_ =	shalt  }
.Lfunc_end0:
.L_simem_size_0:
called_computation_lowered:
.L_overlay_start_0:
0x88: {  	s2 =	sld [smem:$0x3FD9]  }
0x89: {  	s3 =	sld [smem:$0x3FFE];
	_ =	sdelay $0x1  }
0x8a: {  	s1 =	srdreg.scid  }
0x8b: {  	s0 =	sand.u32 $0x1, s1  }
0x8c: {  	s17 =	sshll.u32 s0, $0xA;
	s2 =	sadd.s32 s3, s2  }
0x8d: {  	s2 =	sadd.s32 s2, s17  }
0x8e: {  	[smem:$0x3FC5] =	sst s2  }
0x8f: {  	_ = 	snop  }
0x90: {  	s2 =	sld [smem:$0x3FD0];
	(tm) =	ssettm $0x1  }
0x91: {  	s18 =	sld [smem:$0x3FFB];
	_ =	sdelay $0x3  }
0x92: {  	_ =	strace s18  }
0x93: {  	s3 =	sld [smem:$0x3FFC];
	_ =	sdelay $0x3  }
0x94: {  	_ =	strace s3  }
0x95: {  	s3 =	sld [smem:$0x3FFD];
	_ =	sdelay $0x3  }
0x96: {  	_ =	strace s3  }
0x97: {  	_ =	strace $0x8FFFFFFF  }
0x98: {  	s19 =	sld [smem:$0x3FDB];
	_ =	sdelay $0x1  }
0x99: {  	s4 =	simm.s32 $_scs_section_size  }
0x9a: {  	s5 =	simm.s32 $_size__tile_overlayer_lowered;
	s6 =	simm.s32 $_tile_overlayer_lowered  }
0x9b: {  	s22 =	simm.s32 $0x1BFF;
	s21 =	sshll.u32 s6, $0x1;
	s3 =	sadd.s32 s4, s19  }
0x9c: {  	s7 =	simm.s32 $0x0;
	s20 =	sshll.u32 s5, $0x1;
	s5 =	sadd.s32 s21, s3  }
0x9d: {  	[timem:s7], [sflag:s22] =	dma.local [hbm:s5], s20  }
0x9e: {  	_ =	swait.ge [sflag:s22], s20  }
0x9f: {  	s4 =	ssub.s32 $0x0, s20;
	[sflag:s22] =	ssyncset.done $0x0  }
0xa0: {  	[sflag:s22] =	ssyncadd.s32 s4;
	_ =	sdelay $0x1  }
0xa1: {  	s23 =	simm.s32 $0x1B8B  }
0xa2: {  	_ =	swait.ge [sflag:s23], $0x1  }
0xa3: {  	[sflag:s23] =	ssyncset.done $0x0  }
0xa4: {  	s25 =	simm.s32 $0x1B8E;
	s24 =	sld [smem:$0x3FFE];
	[sflag:s23] =	ssyncadd.s32 $0xFFFFFFFF  }
0xa5: {  	s26 =	simm.s32 $execute0_lowered;
	[smem:$0x3FD2] =	sst s25  }
0xa6: {  	s5 =	sshll.u32 s26, $0x1;
	_ =	strace $0x80000046;
	[dreg:$0x1] =	wrdreg $0xFFFFFFFF  }
0xa7: {  	s28 =	simm.s32 $_size_execute0_lowered;
	s3 =	sadd.s32 s3, s5;
	[dreg:$0x0] =	wrdreg $0x0  }
0xa8: {  	s5 =	sshll.u32 s28, $0x1;
	[dreg:$0x2] =	wrdreg s3  }
0xa9: {  	[dreg:$0x3] =	wrdreg s5  }
0xaa: {  	[dreg:$0x4] =	wrdreg $0xC0  }
0xab: {  	_ =	task [dreg:s7], $0x5FFFF  }
0xac: {  	[dreg:$0x1] =	wrdreg $0xFFFFFFFF  }
0xad: {  	[dreg:$0x0] =	wrdreg $0x60  }
0xae: {  	[dreg:$0x2] =	wrdreg s24  }
0xaf: {  	[dreg:$0x3] =	wrdreg s2  }
0xb0: {  	[dreg:$0x4] =	wrdreg $0x64000  }
0xb1: {  	[dreg:$0x5] =	wrdreg $0x9  }
0xb2: {  	_ =	task.clear_ibuf [dreg:s7], $0x6FFFF;
	_ =	strace $0x90000046  }
0xb3: {  	s29 =	simm.s32 $0x9;
	_ =	strace $0x80000048  }
0xb4: {  	_ =	swait.ge [sflag:s29], $0x1  }
0xb5: {  	[sflag:s29] =	ssyncadd.s32 $0xFFFFFFFF  }
0xb6: {  	_ =	strace $0x90000048  }
0xb7: {  	_ =	sfence  }
0xb8: {  	s30 =	sld [smem:$0x0];
	_ =	sdelay $0x2  }
0xb9: {  	s31 =	sshll.u32 s1, $0xD;
	s1 =	sshrl.u32 s1, $0x2  }
0xba: {  	s3 =	sand.u32 $0x4000, s31;
	s1 =	sadd.s32 s1, s30  }
0xbb: {  	s0 =	sor.u32 s3, s0;
	s1 =	sshll.u32 s1, $0x11  }
0xbc: {  	s0 =	sor.u32 s1, s0  }
0xbd: {  	s0 =	sadd.s32 $0x8F2B, s0  }
0xbe: {  	[sflag:s0] =	ssyncadd.remote.s32 $0x1  }
0xbf: {  	_ =	sfence.sel $0xFFFF  }
0xc0: {  	[dreg:$0x0] =	wrdreg $0xFFFFFFFF;
	(pc) =	sbr.abs _section_cstart, $3  }
0xc1: {  	[dreg:$0x1] =	wrdreg $0xFFFFFFFF  }
0xc2: {  	_ =	task.clear_ibuf [dreg:s7], $0x2FFFF;
	_ =	strace $0x9FFFFFFF  }
0xc3: {  	(tm) =	ssettm $0x7FFFFFFF  }
tec
execute0_lowered:
.L_overlay_start_1:
0x0: {  	(tag) =	ssettag $0x1  }
0x1: {  	s0 =	rddreg [dreg:$0x0]  }
0x2: {  	s1 =	srdreg.scid;
	s9 =	stileid.u32  }
0x3: {  	s10 =	rddreg [dreg:$0x1];
	s6 =	smul.u32 $0xC80, s9  }
0x4: {  	s3 =	rddreg [dreg:$0x2];
	s4 =	simm.s32 $0x0;
	s7 =	smul.u32 $0x19000, s9  }
0x5: {  	s29 =	simm.s32 $0xC880;
	s1 =	sand.u32 $0x1, s1;
	s20 =	smul.u32 $0xC8000, s9  }
0x6: {  	s30 =	simm.s32 $0xCA80;
	s2 =	sshll.u32 s9, $0x1;
	s17 =	smul.u32 $0x320000, s1  }
0x7: {  	s2 =	sor.u32 s1, s2;
	s26 =	ssub.s32 $0x2, s1;
	s1 =	smul.u32 $0x64000, s1  }
0x8: {  	s31 =	simm.s32 $0xCB00;
	[smem:$0x7FF] =	sst s4;
	s5 =	smul.u32 $0x6400, s2  }
0x9: {  	_ =	strace $0x80000047;
	s8 =	sshrl.u32 s26, $0x1;
	s7 =	sshrl.u32 s7, $0x2  }
0xa: {  	s2 =	smul.u32 $0x320000, s2;
	s24 =	sadd.s32 s1, s20;
	s5 =	sshrl.u32 s5, $0x3  }
0xb: {  	s11 =	sadd.s32 s7, s3;
	[dreg:$0x5] =	wrdreg s24;
	s5 =	sadd.s32 s5, s0  }
0xc: {  	s0 =	sadd.s32 s6, s0;
	s6 =	ssub.s32 s26, s8;
	s26 =	sshrl.u32 s11, $0x3  }
0xd: {  	v0 =	vlaneseq.u32;
	v2 =	vimm.s32 $0x30201000;
	s2 =	sshrl.u32 s2, $0x3;
	s5 =	sadd.s32 $0xA00, s5;
	[dreg:$0x12] =	wrdreg s26  }
0xe: {  	v3 =	vimm.s32 $0x70605040;
	vm0 =	vcmask $0x1F10;
	vm9 =	vcmask $0x704;
	s13 =	sadd.s32 s10, s2;
	s0 =	sadd.s32 $0x19A00, s0;
	[dreg:$0x6] =	wrdreg s5  }
0xf: {  	vm10 =	vcmask $0xB08;
	vm11 =	vcmask $0xF0C;
	vm12 =	vcmask $0x1310;
	s28 =	simm.s32 $0x10;
	s15 =	sadd.s32 $0x62000, s13;
	[dreg:$0x7] =	wrdreg s0  }
0x10: {  	s12 =	sshll.u32 s9, $0x6;
	v1 =	vmul.u32 $0x10, v0;
	v4 =	vunpack.c.0.s8.s32 v2;
	v3 =	vunpack.c.0.s8.s32 v3;
	s16 =	sadd.s32 $0x62400, s13;
	[dreg:$0x9] =	wrdreg s15  }
0x11: {  	vm13 =	vcmask $0x1714;
	vm14 =	vcmask $0x1B18;
	vm15 =	vcmask $0x1F1C;
	s14 =	smul.u32 $0x640000, s9;
	s18 =	sadd.s32 $0x62800, s13;
	[dreg:$0xa] =	wrdreg s16  }
0x12: {  	v2 =	vor.u32 $0x100, v1;
	v13 =	vsel vm0, v3, v4;
	v4 =	vimm.s32 $0xC00;
	s20 =	simm.s32 $0x40;
	s19 =	sadd.s32 $0x62C00, s13;
	[dreg:$0xb] =	wrdreg s18  }
0x13: {  	v3 =	vor.u32 $0x200, v1;
	v10 =	vor.u32 $0x900, v1;
	v12 =	vor.u32 $0xB00, v1;
	s24 =	simm.s32 $0xC800;
	s21 =	sadd.s32 $0x63000, s13;
	[dreg:$0xc] =	wrdreg s19  }
0x14: {  	v15 =	vadd.s32 $0x180, v1;
	v16 =	vadd.s32 $0x280, v1;
	v17 =	vadd.s32 $0x380, v1;
	s2 =	sadd.s32 s17, s14;
	s22 =	sadd.s32 $0x63400, s13;
	[dreg:$0xd] =	wrdreg s21  }
0x15: {  	v18 =	vadd.s32 $0x480, v1;
	v19 =	vadd.s32 $0x580, v1;
	v5 =	vsel vm9, $0xC10, v4;
	s8 =	simm.s32 $0xC980;
	s23 =	sadd.s32 $0x63800, s13;
	[dreg:$0xe] =	wrdreg s22  }
0x16: {  	v20 =	vadd.s32 $0x680, v1;
	v21 =	vadd.s32 $0x780, v1;
	v6 =	vsel vm10, $0xC20, v5;
	s10 =	simm.s32 $0xCA00;
	s2 =	sshrl.u32 s2, $0x3;
	[dreg:$0xf] =	wrdreg s23  }
0x17: {  	v22 =	vadd.s32 $0x880, v1;
	v23 =	vadd.s32 $0x980, v1;
	v7 =	vsel vm11, $0xC30, v6;
	s17 =	simm.s32 $0x9;
	s25 =	smax.u32 s6, $0x1;
	[dreg:$0x4] =	wrdreg s2  }
0x18: {  	v24 =	vadd.s32 $0xA80, v1;
	v25 =	vadd.s32 $0xB80, v1;
	v8 =	vsel vm12, $0xC40, v7;
	s0 =	sor.u32 $0x1C12, s12;
	[dreg:$0x11] =	wrdreg s25;
	s15 =	simm.s32 $0x7  }
0x19: {  	v4 =	vor.u32 $0x300, v1;
	v5 =	vor.u32 $0x400, v1;
	v9 =	vsel vm13, $0xC50, v8;
	s16 =	simm.s32 $0x8;
	s2 =	simm.s32 $0xA;
	s18 =	simm.s32 $0xB  }
0x1a: {  	v6 =	vor.u32 $0x500, v1;
	v7 =	vor.u32 $0x600, v1;
	s19 =	simm.s32 $0xC;
	s21 =	simm.s32 $0xD;
	s23 =	simm.s32 $0xE;
	v11 =	vsel vm14, $0xC60, v9  }
0x1b: {  	v8 =	vor.u32 $0x700, v1;
	s25 =	simm.s32 $0xF;
	[dreg:$0x8] =	wrdreg s0;
	s0 =	sadd.s32 $0x63C00, s13;
	v9 =	vor.u32 $0x800, v1;
	v14 =	vsel vm15, $0xC70, v11  }
0x1c: {  	s5 =	simm.s32 $0x0;
	[dreg:$0x10] =	wrdreg s0;
	s0 =	simm.s32 $0xC900;
	v11 =	vor.u32 $0xA00, v1;
	v13 =	vcombine.low v14, v13;
	v14 =	vadd.s32 $0x80, v1  }
.LBB2_1:
0x1d: {  	[dreg:$0x13] =	wrdreg s5  }
0x1e: {  	s1 =	rddreg [dreg:$0x6]  }
0x1f: {  	s13 =	rddreg [dreg:$0x7]  }
0x20: {  	s14 =	rddreg [dreg:$0x8]  }
0x21: {  	s7 =	rddreg [dreg:$0x12];
	s22 =	simm.s32 $0x12  }
0x22: {  	[tilespmem:s4], [sflag:$0x11] =	stream.linear.gather [hbm4b:s1+s4], $0x6400, $0x38;
	[tilespmem:$0x1CC00] =	vst v63  }
0x23: {  	[spmem:s7], [sflag:s14] =	dma.local [hbm:s13], $0xC80  }
0x24: {  	_ =	swait.ge [sflag:s22], $0xC80  }
0x25: {  	[sflag:s22] =	ssyncset.done $0x0  }
0x26: {  	s26 =	simm.s32 $0x11;
	[sflag:s22] =	ssyncadd.s32 $0xFFFFF380  }
0x27: {  	_ =	swait.ge [sflag:s26], $0x6400  }
0x28: {  	[sflag:s26] =	ssyncset.done $0x0  }
0x29: {  	[sflag:s26] =	ssyncadd.s32 $0xFFFF9C00  }
0x2a: {  	[bflag:$0x0] =	sbarrier.arrive $0xFFFF  }
0x2b: {  	v26 =	vld [tilespmem:$0x0]  }
0x2c: {  	v27 =	vld [tilespmem:$0x10]  }
0x2d: {  	v28 =	vld [tilespmem:$0x20]  }
0x2e: {  	v29 =	vld [tilespmem:$0x30];
	_ =	sdelay $0x1  }
0x2f: {  	v26 =	vadd.s32 v1, v26  }
0x30: {  	[tilespmem:$0xC800] =	vst v26;
	v26 =	vadd.s32 v2, v27  }
0x31: {  	[tilespmem:$0xC810] =	vst v26;
	v26 =	vadd.s32 v3, v28  }
0x32: {  	[tilespmem:$0xC820] =	vst v26;
	v26 =	vadd.s32 v4, v29  }
0x33: {  	s22 =	simm.s32 $0xCC00;
	[tilespmem:$0xC830] =	vst v26  }
0x34: {  	[tilespmem:s22], [sflag:$0x1] =	stream.indirect.gather [spmem:s3], $0x80, s24, s20, $0xb8;
	[tilespmem:$0x1CC00] =	vst v63  }
0x35: {  	v26 =	vld [tilespmem:$0x40]  }
0x36: {  	v27 =	vld [tilespmem:$0x50]  }
0x37: {  	v58 =	vld [tilespmem:$0x60]  }
0x38: {  	v59 =	vld [tilespmem:$0x70];
	_ =	sdelay $0x1  }
0x39: {  	v26 =	vadd.s32 v5, v26  }
0x3a: {  	[tilespmem:$0xC880] =	vst v26;
	v26 =	vadd.s32 v6, v27  }
0x3b: {  	[tilespmem:$0xC890] =	vst v26;
	v26 =	vadd.s32 v7, v58  }
0x3c: {  	[tilespmem:$0xC8A0] =	vst v26;
	v26 =	vadd.s32 v8, v59  }
0x3d: {  	s26 =	simm.s32 $0xEC00;
	[tilespmem:$0xC8B0] =	vst v26  }
0x3e: {  	[tilespmem:s26], [sflag:$0x2] =	stream.indirect.gather [spmem:s3], $0x80, s29, s20, $0xb8;
	[tilespmem:$0x1CC00] =	vst v63  }
0x3f: {  	v26 =	vld [tilespmem:$0x80]  }
0x40: {  	v27 =	vld [tilespmem:$0x90]  }
0x41: {  	v60 =	vld [tilespmem:$0xA0]  }
0x42: {  	v61 =	vld [tilespmem:$0xB0];
	_ =	sdelay $0x1  }
0x43: {  	v26 =	vadd.s32 v9, v26  }
0x44: {  	[tilespmem:$0xC900] =	vst v26;
	v26 =	vadd.s32 v10, v27  }
0x45: {  	[tilespmem:$0xC910] =	vst v26;
	v26 =	vadd.s32 v11, v60  }
0x46: {  	[tilespmem:$0xC920] =	vst v26;
	v26 =	vadd.s32 v12, v61  }
0x47: {  	s9 =	simm.s32 $0x10C00;
	[tilespmem:$0xC930] =	vst v26  }
0x48: {  	[tilespmem:s9], [sflag:$0x3] =	stream.indirect.gather [spmem:s3], $0x80, s0, s20, $0xb8;
	[tilespmem:$0x1CC00] =	vst v63  }
0x49: {  	v26 =	vld [tilespmem:$0xC0]  }
0x4a: {  	v27 =	vld [tilespmem:$0xD0]  }
0x4b: {  	v62 =	vld [tilespmem:$0xE0]  }
0x4c: {  	v63 =	vld [tilespmem:$0xF0];
	_ =	sdelay $0x1  }
0x4d: {  	v26 =	vadd.s32 v13, v26  }
0x4e: {  	[tilespmem:$0xC980] =	vst v26;
	v26 =	vadd.s32 v14, v27  }
0x4f: {  	[tilespmem:$0xC990] =	vst v26;
	v26 =	vadd.s32 v15, v62  }
0x50: {  	[tilespmem:$0xC9A0] =	vst v26;
	v26 =	vadd.s32 v16, v63  }
0x51: {  	s11 =	simm.s32 $0x12C00;
	[tilespmem:$0xC9B0] =	vst v26  }
0x52: {  	[tilespmem:s11], [sflag:$0x4] =	stream.indirect.gather [spmem:s3], $0x80, s8, s20, $0xb8;
	[tilespmem:$0x1CC00] =	vst v63  }
0x53: {  	v26 =	vld [tilespmem:$0x100]  }
0x54: {  	v27 =	vld [tilespmem:$0x110]  }
0x55: {  	v32 =	vld [tilespmem:$0x120]  }
0x56: {  	v33 =	vld [tilespmem:$0x130];
	_ =	sdelay $0x1  }
0x57: {  	v26 =	vadd.s32 v17, v26  }
0x58: {  	[tilespmem:$0xCA00] =	vst v26;
	v26 =	vadd.s32 v18, v27  }
0x59: {  	[tilespmem:$0xCA10] =	vst v26;
	v26 =	vadd.s32 v19, v32  }
0x5a: {  	[tilespmem:$0xCA20] =	vst v26;
	v26 =	vadd.s32 v20, v33  }
0x5b: {  	s12 =	simm.s32 $0x14C00;
	[tilespmem:$0xCA30] =	vst v26  }
0x5c: {  	[tilespmem:s12], [sflag:$0x5] =	stream.indirect.gather [spmem:s3], $0x80, s10, s20, $0xb8;
	[tilespmem:$0x1CC00] =	vst v63  }
0x5d: {  	v26 =	vld [tilespmem:$0x140]  }
0x5e: {  	v27 =	vld [tilespmem:$0x150]  }
0x5f: {  	v34 =	vld [tilespmem:$0x160]  }
0x60: {  	v35 =	vld [tilespmem:$0x170];
	_ =	sdelay $0x1  }
0x61: {  	v26 =	vadd.s32 v21, v26  }
0x62: {  	[tilespmem:$0xCA80] =	vst v26;
	v26 =	vadd.s32 v22, v27  }
0x63: {  	[tilespmem:$0xCA90] =	vst v26;
	v26 =	vadd.s32 v23, v34  }
0x64: {  	[tilespmem:$0xCAA0] =	vst v26;
	v26 =	vadd.s32 v24, v35  }
0x65: {  	s13 =	simm.s32 $0x16C00;
	[tilespmem:$0xCAB0] =	vst v26  }
0x66: {  	[tilespmem:s13], [sflag:$0x6] =	stream.indirect.gather [spmem:s3], $0x80, s30, s20, $0xb8;
	[tilespmem:$0x1CC00] =	vst v63  }
0x67: {  	v26 =	vld [tilespmem:$0x180]  }
0x68: {  	v27 =	vld [tilespmem:$0x190]  }
0x69: {  	v36 =	vld [tilespmem:$0x1A0]  }
0x6a: {  	v37 =	vld [tilespmem:$0x1B0];
	_ =	sdelay $0x1  }
0x6b: {  	v26 =	vadd.s32 v25, v26  }
0x6c: {  	[tilespmem:$0xCB00] =	vst v26;
	v26 =	vadd.s32 v1, v27  }
0x6d: {  	[tilespmem:$0xCB10] =	vst v26;
	v26 =	vadd.s32 v2, v36  }
0x6e: {  	[tilespmem:$0xCB20] =	vst v26;
	v26 =	vadd.s32 v3, v37  }
0x6f: {  	s14 =	simm.s32 $0x18C00;
	[tilespmem:$0xCB30] =	vst v26  }
0x70: {  	[tilespmem:s14], [sflag:$0x7] =	stream.indirect.gather [spmem:s3], $0x80, s31, s20, $0xb8;
	[tilespmem:$0x1CC00] =	vst v63  }
0x71: {  	v26 =	vld [tilespmem:$0x1C0]  }
0x72: {  	v27 =	vld [tilespmem:$0x1D0]  }
0x73: {  	v38 =	vld [tilespmem:$0x1E0]  }
0x74: {  	v39 =	vld [tilespmem:$0x1F0];
	_ =	sdelay $0x1  }
0x75: {  	v26 =	vadd.s32 v4, v26  }
0x76: {  	[tilespmem:$0xCB80] =	vst v26;
	v26 =	vadd.s32 v5, v27  }
0x77: {  	[tilespmem:$0xCB90] =	vst v26;
	v26 =	vadd.s32 v6, v38  }
0x78: {  	[tilespmem:$0xCBA0] =	vst v26;
	v26 =	vadd.s32 v7, v39  }
0x79: {  	s5 =	simm.s32 $0xCB80;
	s6 =	simm.s32 $0x1AC00;
	s7 =	simm.s32 $0x1;
	[tilespmem:$0xCBB0] =	vst v26  }
0x7a: {  	[tilespmem:s6], [sflag:$0x8] =	stream.indirect.gather [spmem:s3], $0x80, s5, s20, $0xb8;
	[tilespmem:$0x1CC00] =	vst v63  }
0x7b: {  	_ =	swait.ge [sflag:s7], $0x2000  }
0x7c: {  	[sflag:s7] =	ssyncset.done $0x0  }
0x7d: {  	s1 =	rddreg [dreg:$0x4];
	[sflag:s7] =	ssyncadd.s32 $0xFFFFE000  }
0x7e: {  	s7 =	rddreg [dreg:$0x1]  }
0x7f: {  	s5 =	simm.s32 $0x2;
	s1 =	sadd.s32 s7, s1  }
0x80: {  	[hbm4b:s1+s4] =	stream.linear.scatter [tilespmem:s22], [sflag:$0x9], $0x2000, $0x38;
	[tilespmem:$0x1CC00] =	vst v63  }
0x81: {  	_ =	swait.ge [sflag:s5], $0x2000  }
0x82: {  	s1 =	rddreg [dreg:$0x5]  }
0x83: {  	[sflag:s5] =	ssyncset.done $0x0;
	s1 =	sadd.s32 s7, s1  }
0x84: {  	[sflag:s5] =	ssyncadd.s32 $0xFFFFE000;
	s5 =	sadd.s32 $0x400, s1  }
0x85: {  	[hbm4b:s5+s4] =	stream.linear.scatter [tilespmem:s26], [sflag:$0xA], $0x2000, $0x38;
	[tilespmem:$0x1CC00] =	vst v63  }
0x86: {  	s5 =	simm.s32 $0x3  }
0x87: {  	_ =	swait.ge [sflag:s5], $0x2000  }
0x88: {  	[sflag:s5] =	ssyncset.done $0x0  }
0x89: {  	[sflag:s5] =	ssyncadd.s32 $0xFFFFE000;
	s5 =	sadd.s32 $0x800, s1  }
0x8a: {  	[hbm4b:s5+s4] =	stream.linear.scatter [tilespmem:s9], [sflag:$0xB], $0x2000, $0x38;
	[tilespmem:$0x1CC00] =	vst v63  }
0x8b: {  	s5 =	simm.s32 $0x4  }
0x8c: {  	_ =	swait.ge [sflag:s5], $0x2000  }
0x8d: {  	[sflag:s5] =	ssyncset.done $0x0  }
0x8e: {  	[sflag:s5] =	ssyncadd.s32 $0xFFFFE000;
	s5 =	sadd.s32 $0xC00, s1  }
0x8f: {  	[hbm4b:s5+s4] =	stream.linear.scatter [tilespmem:s11], [sflag:$0xC], $0x2000, $0x38;
	[tilespmem:$0x1CC00] =	vst v63  }
0x90: {  	s5 =	simm.s32 $0x5  }
0x91: {  	_ =	swait.ge [sflag:s5], $0x2000  }
0x92: {  	[sflag:s5] =	ssyncset.done $0x0  }
0x93: {  	[sflag:s5] =	ssyncadd.s32 $0xFFFFE000;
	s5 =	sadd.s32 $0x1000, s1  }
0x94: {  	[hbm4b:s5+s4] =	stream.linear.scatter [tilespmem:s12], [sflag:$0xD], $0x2000, $0x38;
	[tilespmem:$0x1CC00] =	vst v63  }
0x95: {  	s5 =	simm.s32 $0x6  }
0x96: {  	_ =	swait.ge [sflag:s5], $0x2000  }
0x97: {  	[sflag:s5] =	ssyncset.done $0x0  }
0x98: {  	[sflag:s5] =	ssyncadd.s32 $0xFFFFE000;
	s5 =	sadd.s32 $0x1400, s1  }
0x99: {  	[hbm4b:s5+s4] =	stream.linear.scatter [tilespmem:s13], [sflag:$0xE], $0x2000, $0x38;
	[tilespmem:$0x1CC00] =	vst v63  }
0x9a: {  	_ =	swait.ge [sflag:s15], $0x2000  }
0x9b: {  	[sflag:s15] =	ssyncset.done $0x0  }
0x9c: {  	s5 =	sadd.s32 $0x1800, s1;
	[sflag:s15] =	ssyncadd.s32 $0xFFFFE000  }
0x9d: {  	[hbm4b:s5+s4] =	stream.linear.scatter [tilespmem:s14], [sflag:$0xF], $0x2000, $0x38;
	[tilespmem:$0x1CC00] =	vst v63  }
0x9e: {  	_ =	swait.ge [sflag:s16], $0x2000  }
0x9f: {  	[sflag:s16] =	ssyncset.done $0x0  }
0xa0: {  	s1 =	sadd.s32 $0x1C00, s1;
	s5 =	simm.s32 $0x200;
	[sflag:s16] =	ssyncadd.s32 $0xFFFFE000  }
0xa1: {  	[hbm4b:s1+s4] =	stream.linear.scatter [tilespmem:s6], [sflag:$0x10], $0x2000, $0x38;
	[tilespmem:$0x1CC00] =	vst v63  }
0xa2: {  	v26 =	vor.u32 s5, v0;
	_ =	swait.ge [sflag:s17], $0x2000  }
0xa3: {  	v27 =	vmulhi.u32 $0x51EB851F, v26;
	[sflag:s17] =	ssyncset.done $0x0  }
0xa4: {  	s1 =	simm.s32 $0x3F0;
	[sflag:s17] =	ssyncadd.s32 $0xFFFFE000  }
0xa5: {  	v27 =	vshrl.u32 v27, $0x6;
	v40 =	vld [tilespmem:s1+$0xFFFFFE10]  }
0xa6: {  	v27 =	vmul.u32 $0xC8, v27;
	_ =	sdelay $0x1  }
0xa7: {  	s6 =	simm.s32 $0x210;
	v26 =	vsub.s32 v26, v27  }
0xa8: {  	v27 =	vor.u32 s6, v0;
	v26 =	vshll.u32 v26, $0x4  }
0xa9: {  	v41 =	vmulhi.u32 $0x51EB851F, v27;
	v26 =	vadd.s32 v26, v40  }
0xaa: {  	[tilespmem:$0xC800] =	vst v26  }
0xab: {  	v26 =	vshrl.u32 v41, $0x6;
	v42 =	vld [tilespmem:s1+$0xFFFFFE20]  }
0xac: {  	v26 =	vmul.u32 $0xC8, v26;
	_ =	sdelay $0x1  }
0xad: {  	s6 =	simm.s32 $0x220;
	v26 =	vsub.s32 v27, v26  }
0xae: {  	v27 =	vor.u32 s6, v0;
	v26 =	vshll.u32 v26, $0x4  }
0xaf: {  	v43 =	vmulhi.u32 $0x51EB851F, v27;
	v26 =	vadd.s32 v26, v42  }
0xb0: {  	[tilespmem:$0xC810] =	vst v26  }
0xb1: {  	v26 =	vshrl.u32 v43, $0x6;
	v44 =	vld [tilespmem:s1+$0xFFFFFE30]  }
0xb2: {  	v26 =	vmul.u32 $0xC8, v26;
	_ =	sdelay $0x1  }
0xb3: {  	s6 =	simm.s32 $0x230;
	v26 =	vsub.s32 v27, v26  }
0xb4: {  	v27 =	vor.u32 s6, v0;
	v26 =	vshll.u32 v26, $0x4  }
0xb5: {  	v45 =	vmulhi.u32 $0x51EB851F, v27;
	v26 =	vadd.s32 v26, v44  }
0xb6: {  	[tilespmem:$0xC820] =	vst v26  }
0xb7: {  	v26 =	vshrl.u32 v45, $0x6;
	v46 =	vld [tilespmem:s1+$0xFFFFFE40]  }
0xb8: {  	v26 =	vmul.u32 $0xC8, v26;
	_ =	sdelay $0x1  }
0xb9: {  	v26 =	vsub.s32 v27, v26  }
0xba: {  	v26 =	vshll.u32 v26, $0x4  }
0xbb: {  	v26 =	vadd.s32 v26, v46  }
0xbc: {  	s6 =	simm.s32 $0x240;
	[tilespmem:$0xC830] =	vst v26  }
0xbd: {  	[tilespmem:s22], [sflag:$0x1] =	stream.indirect.gather [spmem:s3], $0x80, s24, s20, $0xb8;
	[tilespmem:$0x1CC00] =	vst v63  }
0xbe: {  	v26 =	vor.u32 s6, v0;
	_ =	swait.ge [sflag:s2], $0x2000  }
0xbf: {  	v27 =	vmulhi.u32 $0x51EB851F, v26;
	[sflag:s2] =	ssyncset.done $0x0  }
0xc0: {  	[sflag:s2] =	ssyncadd.s32 $0xFFFFE000  }
0xc1: {  	v27 =	vshrl.u32 v27, $0x6;
	v47 =	vld [tilespmem:s1+$0xFFFFFE50]  }
0xc2: {  	v27 =	vmul.u32 $0xC8, v27;
	_ =	sdelay $0x1  }
0xc3: {  	s22 =	simm.s32 $0x250;
	v26 =	vsub.s32 v26, v27  }
0xc4: {  	v27 =	vor.u32 s22, v0;
	v26 =	vshll.u32 v26, $0x4  }
0xc5: {  	v48 =	vmulhi.u32 $0x51EB851F, v27;
	v26 =	vadd.s32 v26, v47  }
0xc6: {  	[tilespmem:$0xC880] =	vst v26  }
0xc7: {  	v26 =	vshrl.u32 v48, $0x6;
	v49 =	vld [tilespmem:s1+$0xFFFFFE60]  }
0xc8: {  	v26 =	vmul.u32 $0xC8, v26;
	_ =	sdelay $0x1  }
0xc9: {  	s24 =	simm.s32 $0x260;
	v26 =	vsub.s32 v27, v26  }
0xca: {  	v27 =	vor.u32 s24, v0;
	v26 =	vshll.u32 v26, $0x4  }
0xcb: {  	v50 =	vmulhi.u32 $0x51EB851F, v27;
	v26 =	vadd.s32 v26, v49  }
0xcc: {  	[tilespmem:$0xC890] =	vst v26  }
0xcd: {  	v26 =	vshrl.u32 v50, $0x6;
	v51 =	vld [tilespmem:s1+$0xFFFFFE70]  }
0xce: {  	v26 =	vmul.u32 $0xC8, v26;
	_ =	sdelay $0x1  }
0xcf: {  	s6 =	simm.s32 $0x270;
	v26 =	vsub.s32 v27, v26  }
0xd0: {  	v27 =	vor.u32 s6, v0;
	v26 =	vshll.u32 v26, $0x4  }
0xd1: {  	v52 =	vmulhi.u32 $0x51EB851F, v27;
	v26 =	vadd.s32 v26, v51  }
0xd2: {  	[tilespmem:$0xC8A0] =	vst v26  }
0xd3: {  	v26 =	vshrl.u32 v52, $0x6;
	v53 =	vld [tilespmem:s1+$0xFFFFFE80]  }
0xd4: {  	v26 =	vmul.u32 $0xC8, v26;
	_ =	sdelay $0x1  }
0xd5: {  	v26 =	vsub.s32 v27, v26  }
0xd6: {  	v26 =	vshll.u32 v26, $0x4  }
0xd7: {  	v26 =	vadd.s32 v26, v53  }
0xd8: {  	s22 =	simm.s32 $0x280;
	[tilespmem:$0xC8B0] =	vst v26  }
0xd9: {  	[tilespmem:s26], [sflag:$0x2] =	stream.indirect.gather [spmem:s3], $0x80, s29, s20, $0xb8;
	[tilespmem:$0x1CC00] =	vst v63  }
0xda: {  	v26 =	vor.u32 s22, v0;
	_ =	swait.ge [sflag:s18], $0x2000  }
0xdb: {  	v27 =	vmulhi.u32 $0x51EB851F, v26;
	[sflag:s18] =	ssyncset.done $0x0  }
0xdc: {  	[sflag:s18] =	ssyncadd.s32 $0xFFFFE000  }
0xdd: {  	v27 =	vshrl.u32 v27, $0x6;
	v54 =	vld [tilespmem:s1+$0xFFFFFE90]  }
0xde: {  	v27 =	vmul.u32 $0xC8, v27;
	_ =	sdelay $0x1  }
0xdf: {  	s24 =	simm.s32 $0x290;
	v26 =	vsub.s32 v26, v27  }
0xe0: {  	v27 =	vor.u32 s24, v0;
	v26 =	vshll.u32 v26, $0x4  }
0xe1: {  	v55 =	vmulhi.u32 $0x51EB851F, v27;
	v26 =	vadd.s32 v26, v54  }
0xe2: {  	[tilespmem:$0xC900] =	vst v26  }
0xe3: {  	v26 =	vshrl.u32 v55, $0x6;
	v56 =	vld [tilespmem:s1+$0xFFFFFEA0]  }
0xe4: {  	v26 =	vmul.u32 $0xC8, v26;
	_ =	sdelay $0x1  }
0xe5: {  	s26 =	simm.s32 $0x2A0;
	v26 =	vsub.s32 v27, v26  }
0xe6: {  	v27 =	vor.u32 s26, v0;
	v26 =	vshll.u32 v26, $0x4  }
0xe7: {  	v57 =	vmulhi.u32 $0x51EB851F, v27;
	v26 =	vadd.s32 v26, v56  }
0xe8: {  	[tilespmem:$0xC910] =	vst v26  }
0xe9: {  	v26 =	vshrl.u32 v57, $0x6;
	v58 =	vld [tilespmem:s1+$0xFFFFFEB0]  }
0xea: {  	v26 =	vmul.u32 $0xC8, v26;
	_ =	sdelay $0x1  }
0xeb: {  	s29 =	simm.s32 $0x2B0;
	v26 =	vsub.s32 v27, v26  }
0xec: {  	v27 =	vor.u32 s29, v0;
	v26 =	vshll.u32 v26, $0x4  }
0xed: {  	v59 =	vmulhi.u32 $0x51EB851F, v27;
	v26 =	vadd.s32 v26, v58  }
0xee: {  	[tilespmem:$0xC920] =	vst v26  }
0xef: {  	v26 =	vshrl.u32 v59, $0x6;
	v60 =	vld [tilespmem:s1+$0xFFFFFEC0]  }
0xf0: {  	v26 =	vmul.u32 $0xC8, v26;
	_ =	sdelay $0x1  }
0xf1: {  	v26 =	vsub.s32 v27, v26  }
0xf2: {  	v26 =	vshll.u32 v26, $0x4  }
0xf3: {  	v26 =	vadd.s32 v26, v60  }
0xf4: {  	s6 =	simm.s32 $0x2C0;
	[tilespmem:$0xC930] =	vst v26  }
0xf5: {  	[tilespmem:s9], [sflag:$0x3] =	stream.indirect.gather [spmem:s3], $0x80, s0, s20, $0xb8;
	[tilespmem:$0x1CC00] =	vst v63  }
0xf6: {  	v26 =	vor.u32 s6, v0;
	_ =	swait.ge [sflag:s19], $0x2000  }
0xf7: {  	v27 =	vmulhi.u32 $0x51EB851F, v26;
	[sflag:s19] =	ssyncset.done $0x0  }
0xf8: {  	[sflag:s19] =	ssyncadd.s32 $0xFFFFE000  }
0xf9: {  	v27 =	vshrl.u32 v27, $0x6;
	v61 =	vld [tilespmem:s1+$0xFFFFFED0]  }
0xfa: {  	v27 =	vmul.u32 $0xC8, v27;
	_ =	sdelay $0x1  }
0xfb: {  	s9 =	simm.s32 $0x2D0;
	v26 =	vsub.s32 v26, v27  }
0xfc: {  	v27 =	vor.u32 s9, v0;
	v26 =	vshll.u32 v26, $0x4  }
0xfd: {  	v62 =	vmulhi.u32 $0x51EB851F, v27;
	v26 =	vadd.s32 v26, v61  }
0xfe: {  	[tilespmem:$0xC980] =	vst v26  }
0xff: {  	v26 =	vshrl.u32 v62, $0x6;
	v63 =	vld [tilespmem:s1+$0xFFFFFEE0]  }
0x100: {  	v26 =	vmul.u32 $0xC8, v26;
	_ =	sdelay $0x1  }
0x101: {  	s22 =	simm.s32 $0x2E0;
	v26 =	vsub.s32 v27, v26  }
0x102: {  	v27 =	vor.u32 s22, v0;
	v26 =	vshll.u32 v26, $0x4  }
0x103: {  	v32 =	vmulhi.u32 $0x51EB851F, v27;
	v26 =	vadd.s32 v26, v63  }
0x104: {  	[tilespmem:$0xC990] =	vst v26  }
0x105: {  	v26 =	vshrl.u32 v32, $0x6;
	v33 =	vld [tilespmem:s1+$0xFFFFFEF0]  }
0x106: {  	v26 =	vmul.u32 $0xC8, v26;
	_ =	sdelay $0x1  }
0x107: {  	s24 =	simm.s32 $0x2F0;
	v26 =	vsub.s32 v27, v26  }
0x108: {  	v27 =	vor.u32 s24, v0;
	v26 =	vshll.u32 v26, $0x4  }
0x109: {  	v34 =	vmulhi.u32 $0x51EB851F, v27;
	v26 =	vadd.s32 v26, v33  }
0x10a: {  	[tilespmem:$0xC9A0] =	vst v26  }
0x10b: {  	v26 =	vshrl.u32 v34, $0x6;
	v35 =	vld [tilespmem:s1+$0xFFFFFF00]  }
0x10c: {  	v26 =	vmul.u32 $0xC8, v26;
	_ =	sdelay $0x1  }
0x10d: {  	v26 =	vsub.s32 v27, v26  }
0x10e: {  	v26 =	vshll.u32 v26, $0x4  }
0x10f: {  	v26 =	vadd.s32 v26, v35  }
0x110: {  	s26 =	simm.s32 $0x300;
	[tilespmem:$0xC9B0] =	vst v26  }
0x111: {  	[tilespmem:s11], [sflag:$0x4] =	stream.indirect.gather [spmem:s3], $0x80, s8, s20, $0xb8;
	[tilespmem:$0x1CC00] =	vst v63  }
0x112: {  	v26 =	vor.u32 s26, v0;
	_ =	swait.ge [sflag:s21], $0x2000  }
0x113: {  	v27 =	vmulhi.u32 $0x51EB851F, v26;
	[sflag:s21] =	ssyncset.done $0x0  }
0x114: {  	[sflag:s21] =	ssyncadd.s32 $0xFFFFE000  }
0x115: {  	v27 =	vshrl.u32 v27, $0x6;
	v36 =	vld [tilespmem:s1+$0xFFFFFF10]  }
0x116: {  	v27 =	vmul.u32 $0xC8, v27;
	_ =	sdelay $0x1  }
0x117: {  	s29 =	simm.s32 $0x310;
	v26 =	vsub.s32 v26, v27  }
0x118: {  	v27 =	vor.u32 s29, v0;
	v26 =	vshll.u32 v26, $0x4  }
0x119: {  	v37 =	vmulhi.u32 $0x51EB851F, v27;
	v26 =	vadd.s32 v26, v36  }
0x11a: {  	[tilespmem:$0xCA00] =	vst v26  }
0x11b: {  	v26 =	vshrl.u32 v37, $0x6;
	v38 =	vld [tilespmem:s1+$0xFFFFFF20]  }
0x11c: {  	v26 =	vmul.u32 $0xC8, v26;
	_ =	sdelay $0x1  }
0x11d: {  	s0 =	simm.s32 $0x320;
	v26 =	vsub.s32 v27, v26  }
0x11e: {  	v27 =	vor.u32 s0, v0;
	v26 =	vshll.u32 v26, $0x4  }
0x11f: {  	v39 =	vmulhi.u32 $0x51EB851F, v27;
	v26 =	vadd.s32 v26, v38  }
0x120: {  	[tilespmem:$0xCA10] =	vst v26  }
0x121: {  	v26 =	vshrl.u32 v39, $0x6;
	v40 =	vld [tilespmem:s1+$0xFFFFFF30]  }
0x122: {  	v26 =	vmul.u32 $0xC8, v26;
	_ =	sdelay $0x1  }
0x123: {  	s6 =	simm.s32 $0x330;
	v26 =	vsub.s32 v27, v26  }
0x124: {  	v27 =	vor.u32 s6, v0;
	v26 =	vshll.u32 v26, $0x4  }
0x125: {  	v41 =	vmulhi.u32 $0x51EB851F, v27;
	v26 =	vadd.s32 v26, v40  }
0x126: {  	[tilespmem:$0xCA20] =	vst v26  }
0x127: {  	v26 =	vshrl.u32 v41, $0x6;
	v42 =	vld [tilespmem:s1+$0xFFFFFF40]  }
0x128: {  	v26 =	vmul.u32 $0xC8, v26;
	_ =	sdelay $0x1  }
0x129: {  	v26 =	vsub.s32 v27, v26  }
0x12a: {  	v26 =	vshll.u32 v26, $0x4  }
0x12b: {  	v26 =	vadd.s32 v26, v42  }
0x12c: {  	s8 =	simm.s32 $0x340;
	[tilespmem:$0xCA30] =	vst v26  }
0x12d: {  	[tilespmem:s12], [sflag:$0x5] =	stream.indirect.gather [spmem:s3], $0x80, s10, s20, $0xb8;
	[tilespmem:$0x1CC00] =	vst v63  }
0x12e: {  	v26 =	vor.u32 s8, v0;
	_ =	swait.ge [sflag:s23], $0x2000  }
0x12f: {  	v27 =	vmulhi.u32 $0x51EB851F, v26;
	[sflag:s23] =	ssyncset.done $0x0  }
0x130: {  	[sflag:s23] =	ssyncadd.s32 $0xFFFFE000  }
0x131: {  	v27 =	vshrl.u32 v27, $0x6;
	v43 =	vld [tilespmem:s1+$0xFFFFFF50]  }
0x132: {  	v27 =	vmul.u32 $0xC8, v27;
	_ =	sdelay $0x1  }
0x133: {  	s9 =	simm.s32 $0x350;
	v26 =	vsub.s32 v26, v27  }
0x134: {  	v27 =	vor.u32 s9, v0;
	v26 =	vshll.u32 v26, $0x4  }
0x135: {  	v44 =	vmulhi.u32 $0x51EB851F, v27;
	v26 =	vadd.s32 v26, v43  }
0x136: {  	[tilespmem:$0xCA80] =	vst v26  }
0x137: {  	v26 =	vshrl.u32 v44, $0x6;
	v45 =	vld [tilespmem:s1+$0xFFFFFF60]  }
0x138: {  	v26 =	vmul.u32 $0xC8, v26;
	_ =	sdelay $0x1  }
0x139: {  	s10 =	simm.s32 $0x360;
	v26 =	vsub.s32 v27, v26  }
0x13a: {  	v27 =	vor.u32 s10, v0;
	v26 =	vshll.u32 v26, $0x4  }
0x13b: {  	v46 =	vmulhi.u32 $0x51EB851F, v27;
	v26 =	vadd.s32 v26, v45  }
0x13c: {  	[tilespmem:$0xCA90] =	vst v26  }
0x13d: {  	v26 =	vshrl.u32 v46, $0x6;
	v47 =	vld [tilespmem:s1+$0xFFFFFF70]  }
0x13e: {  	v26 =	vmul.u32 $0xC8, v26;
	_ =	sdelay $0x1  }
0x13f: {  	s11 =	simm.s32 $0x370;
	v26 =	vsub.s32 v27, v26  }
0x140: {  	v27 =	vor.u32 s11, v0;
	v26 =	vshll.u32 v26, $0x4  }
0x141: {  	v48 =	vmulhi.u32 $0x51EB851F, v27;
	v26 =	vadd.s32 v26, v47  }
0x142: {  	[tilespmem:$0xCAA0] =	vst v26  }
0x143: {  	v26 =	vshrl.u32 v48, $0x6;
	v49 =	vld [tilespmem:s1+$0xFFFFFF80]  }
0x144: {  	v26 =	vmul.u32 $0xC8, v26;
	_ =	sdelay $0x1  }
0x145: {  	v26 =	vsub.s32 v27, v26  }
0x146: {  	v26 =	vshll.u32 v26, $0x4  }
0x147: {  	v26 =	vadd.s32 v26, v49  }
0x148: {  	s12 =	simm.s32 $0x380;
	[tilespmem:$0xCAB0] =	vst v26  }
0x149: {  	[tilespmem:s13], [sflag:$0x6] =	stream.indirect.gather [spmem:s3], $0x80, s30, s20, $0xb8;
	[tilespmem:$0x1CC00] =	vst v63  }
0x14a: {  	v26 =	vor.u32 s12, v0;
	_ =	swait.ge [sflag:s25], $0x2000  }
0x14b: {  	v27 =	vmulhi.u32 $0x51EB851F, v26;
	[sflag:s25] =	ssyncset.done $0x0  }
0x14c: {  	[sflag:s25] =	ssyncadd.s32 $0xFFFFE000  }
0x14d: {  	v27 =	vshrl.u32 v27, $0x6;
	v50 =	vld [tilespmem:s1+$0xFFFFFF90]  }
0x14e: {  	v27 =	vmul.u32 $0xC8, v27;
	_ =	sdelay $0x1  }
0x14f: {  	s13 =	simm.s32 $0x390;
	v26 =	vsub.s32 v26, v27  }
0x150: {  	v27 =	vor.u32 s13, v0;
	v26 =	vshll.u32 v26, $0x4  }
0x151: {  	v51 =	vmulhi.u32 $0x51EB851F, v27;
	v26 =	vadd.s32 v26, v50  }
0x152: {  	[tilespmem:$0xCB00] =	vst v26  }
0x153: {  	v26 =	vshrl.u32 v51, $0x6;
	v52 =	vld [tilespmem:s1+$0xFFFFFFA0]  }
0x154: {  	v26 =	vmul.u32 $0xC8, v26;
	_ =	sdelay $0x1  }
0x155: {  	s22 =	simm.s32 $0x3A0;
	v26 =	vsub.s32 v27, v26  }
0x156: {  	v27 =	vor.u32 s22, v0;
	v26 =	vshll.u32 v26, $0x4  }
0x157: {  	v53 =	vmulhi.u32 $0x51EB851F, v27;
	v26 =	vadd.s32 v26, v52  }
0x158: {  	[tilespmem:$0xCB10] =	vst v26  }
0x159: {  	v26 =	vshrl.u32 v53, $0x6;
	v54 =	vld [tilespmem:s1+$0xFFFFFFB0]  }
0x15a: {  	v26 =	vmul.u32 $0xC8, v26;
	_ =	sdelay $0x1  }
0x15b: {  	s24 =	simm.s32 $0x3B0;
	v26 =	vsub.s32 v27, v26  }
0x15c: {  	v27 =	vor.u32 s24, v0;
	v26 =	vshll.u32 v26, $0x4  }
0x15d: {  	v55 =	vmulhi.u32 $0x51EB851F, v27;
	v26 =	vadd.s32 v26, v54  }
0x15e: {  	[tilespmem:$0xCB20] =	vst v26  }
0x15f: {  	v26 =	vshrl.u32 v55, $0x6;
	v56 =	vld [tilespmem:s1+$0xFFFFFFC0]  }
0x160: {  	v26 =	vmul.u32 $0xC8, v26;
	_ =	sdelay $0x1  }
0x161: {  	v26 =	vsub.s32 v27, v26  }
0x162: {  	v26 =	vshll.u32 v26, $0x4  }
0x163: {  	v26 =	vadd.s32 v26, v56  }
0x164: {  	s26 =	simm.s32 $0x3C0;
	[tilespmem:$0xCB30] =	vst v26  }
0x165: {  	[tilespmem:s14], [sflag:$0x7] =	stream.indirect.gather [spmem:s3], $0x80, s31, s20, $0xb8;
	[tilespmem:$0x1CC00] =	vst v63  }
0x166: {  	v26 =	vor.u32 s26, v0;
	_ =	swait.ge [sflag:s28], $0x2000  }
0x167: {  	v27 =	vmulhi.u32 $0x51EB851F, v26;
	[sflag:s28] =	ssyncset.done $0x0  }
0x168: {  	[sflag:s28] =	ssyncadd.s32 $0xFFFFE000  }
0x169: {  	v27 =	vshrl.u32 v27, $0x6;
	v57 =	vld [tilespmem:s1+$0xFFFFFFD0]  }
0x16a: {  	v27 =	vmul.u32 $0xC8, v27;
	_ =	sdelay $0x1  }
0x16b: {  	s29 =	simm.s32 $0x3D0;
	v26 =	vsub.s32 v26, v27  }
0x16c: {  	v27 =	vor.u32 s29, v0;
	v26 =	vshll.u32 v26, $0x4  }
0x16d: {  	v58 =	vmulhi.u32 $0x51EB851F, v27;
	v26 =	vadd.s32 v26, v57  }
0x16e: {  	[tilespmem:$0xCB80] =	vst v26  }
0x16f: {  	v26 =	vshrl.u32 v58, $0x6;
	v59 =	vld [tilespmem:s1+$0xFFFFFFE0]  }
0x170: {  	v26 =	vmul.u32 $0xC8, v26;
	_ =	sdelay $0x1  }
0x171: {  	s31 =	simm.s32 $0x3E0;
	v26 =	vsub.s32 v27, v26  }
0x172: {  	v27 =	vor.u32 s31, v0;
	v26 =	vshll.u32 v26, $0x4  }
0x173: {  	v60 =	vmulhi.u32 $0x51EB851F, v27;
	v26 =	vadd.s32 v26, v59  }
0x174: {  	[tilespmem:$0xCB90] =	vst v26  }
0x175: {  	v26 =	vshrl.u32 v60, $0x6;
	v61 =	vld [tilespmem:s1+$0xFFFFFFF0]  }
0x176: {  	v26 =	vmul.u32 $0xC8, v26;
	_ =	sdelay $0x1  }
0x177: {  	v26 =	vsub.s32 v27, v26  }
0x178: {  	v27 =	vor.u32 s1, v0;
	v26 =	vshll.u32 v26, $0x4  }
0x179: {  	v62 =	vmulhi.u32 $0x51EB851F, v27;
	v26 =	vadd.s32 v26, v61  }
0x17a: {  	[tilespmem:$0xCBA0] =	vst v26  }
0x17b: {  	v26 =	vshrl.u32 v62, $0x6;
	v63 =	vld [tilespmem:s1+$0x0]  }
0x17c: {  	v26 =	vmul.u32 $0xC8, v26;
	_ =	sdelay $0x1  }
0x17d: {  	v26 =	vsub.s32 v27, v26  }
0x17e: {  	v26 =	vshll.u32 v26, $0x4  }
0x17f: {  	v26 =	vadd.s32 v26, v63  }
0x180: {  	s5 =	simm.s32 $0x5F0;
	s30 =	simm.s32 $0x5F0;
	s1 =	sadd.s32 $0x2000, s7;
	[tilespmem:$0xCBB0] =	vst v26  }
.LBB2_2:
0x181: {  	s0 =	simm.s32 $0xCB80;
	s6 =	simm.s32 $0x1AC00;
	s11 =	simm.s32 $0x1  }
0x182: {  	[tilespmem:s6], [sflag:$0x8] =	stream.indirect.gather [spmem:s3], $0x80, s0, s20, $0xb8;
	[tilespmem:$0x1CC00] =	vst v63  }
0x183: {  	_ =	swait.ge [sflag:s11], $0x2000  }
0x184: {  	s29 =	simm.s32 $0xCC00;
	s22 =	rddreg [dreg:$0x4];
	[sflag:s11] =	ssyncset.done $0x0  }
0x185: {  	s12 =	simm.s32 $0x2;
	[sflag:s11] =	ssyncadd.s32 $0xFFFFE000;
	s22 =	sadd.s32 s1, s22  }
0x186: {  	[hbm4b:s22+s4] =	stream.linear.scatter [tilespmem:s29], [sflag:$0x9], $0x2000, $0x38;
	[tilespmem:$0x1CC00] =	vst v63  }
0x187: {  	_ =	swait.ge [sflag:s12], $0x2000  }
0x188: {  	s13 =	rddreg [dreg:$0x5]  }
0x189: {  	s8 =	simm.s32 $0x3;
	[sflag:s12] =	ssyncset.done $0x0;
	s22 =	sadd.s32 s1, s13  }
0x18a: {  	s0 =	simm.s32 $0xEC00;
	[sflag:s12] =	ssyncadd.s32 $0xFFFFE000;
	s24 =	sadd.s32 $0x400, s22  }
0x18b: {  	[hbm4b:s24+s4] =	stream.linear.scatter [tilespmem:s0], [sflag:$0xA], $0x2000, $0x38;
	[tilespmem:$0x1CC00] =	vst v63  }
0x18c: {  	_ =	swait.ge [sflag:s8], $0x2000  }
0x18d: {  	s9 =	simm.s32 $0x4;
	[sflag:s8] =	ssyncset.done $0x0  }
0x18e: {  	s14 =	sadd.s32 $0x800, s22;
	[sflag:s8] =	ssyncadd.s32 $0xFFFFE000;
	s8 =	simm.s32 $0x10C00  }
0x18f: {  	[hbm4b:s14+s4] =	stream.linear.scatter [tilespmem:s8], [sflag:$0xB], $0x2000, $0x38;
	[tilespmem:$0x1CC00] =	vst v63  }
0x190: {  	_ =	swait.ge [sflag:s9], $0x2000  }
0x191: {  	s10 =	simm.s32 $0x5;
	[sflag:s9] =	ssyncset.done $0x0  }
0x192: {  	s26 =	sadd.s32 $0xC00, s22;
	[sflag:s9] =	ssyncadd.s32 $0xFFFFE000;
	s9 =	simm.s32 $0x12C00  }
0x193: {  	[hbm4b:s26+s4] =	stream.linear.scatter [tilespmem:s9], [sflag:$0xC], $0x2000, $0x38;
	[tilespmem:$0x1CC00] =	vst v63  }
0x194: {  	_ =	swait.ge [sflag:s10], $0x2000  }
0x195: {  	s11 =	simm.s32 $0x14C00;
	[sflag:s10] =	ssyncset.done $0x0  }
0x196: {  	s12 =	simm.s32 $0x6;
	[sflag:s10] =	ssyncadd.s32 $0xFFFFE000;
	s10 =	sadd.s32 $0x1000, s22  }
0x197: {  	[hbm4b:s10+s4] =	stream.linear.scatter [tilespmem:s11], [sflag:$0xD], $0x2000, $0x38;
	[tilespmem:$0x1CC00] =	vst v63  }
0x198: {  	_ =	swait.ge [sflag:s12], $0x2000  }
0x199: {  	[sflag:s12] =	ssyncset.done $0x0  }
0x19a: {  	s13 =	sadd.s32 $0x1400, s22;
	[sflag:s12] =	ssyncadd.s32 $0xFFFFE000;
	s12 =	simm.s32 $0x16C00  }
0x19b: {  	[hbm4b:s13+s4] =	stream.linear.scatter [tilespmem:s12], [sflag:$0xE], $0x2000, $0x38;
	[tilespmem:$0x1CC00] =	vst v63  }
0x19c: {  	_ =	swait.ge [sflag:s15], $0x2000  }
0x19d: {  	[sflag:s15] =	ssyncset.done $0x0  }
0x19e: {  	s14 =	sadd.s32 $0x1800, s22;
	s13 =	simm.s32 $0x18C00;
	[sflag:s15] =	ssyncadd.s32 $0xFFFFE000  }
0x19f: {  	[hbm4b:s14+s4] =	stream.linear.scatter [tilespmem:s13], [sflag:$0xF], $0x2000, $0x38;
	[tilespmem:$0x1CC00] =	vst v63  }
0x1a0: {  	_ =	swait.ge [sflag:s16], $0x2000  }
0x1a1: {  	s7 =	smov.u32 s30;
	[sflag:s16] =	ssyncset.done $0x0  }
0x1a2: {  	s26 =	sadd.s32 $0xFFFFFE10, s7;
	s22 =	sadd.s32 $0x1C00, s22;
	[sflag:s16] =	ssyncadd.s32 $0xFFFFE000  }
0x1a3: {  	[hbm4b:s22+s4] =	stream.linear.scatter [tilespmem:s6], [sflag:$0x10], $0x2000, $0x38;
	[tilespmem:$0x1CC00] =	vst v63  }
0x1a4: {  	v26 =	vor.u32 s26, v0;
	_ =	swait.ge [sflag:s17], $0x2000  }
0x1a5: {  	v27 =	vmulhi.u32 $0x51EB851F, v26;
	[sflag:s17] =	ssyncset.done $0x0  }
0x1a6: {  	[sflag:s17] =	ssyncadd.s32 $0xFFFFE000  }
0x1a7: {  	v27 =	vshrl.u32 v27, $0x6;
	v28 =	vld [tilespmem:s5+$0xFFFFFE10]  }
0x1a8: {  	v27 =	vmul.u32 $0xC8, v27;
	_ =	sdelay $0x1  }
0x1a9: {  	s10 =	sadd.s32 $0xFFFFFE20, s7;
	v26 =	vsub.s32 v26, v27  }
0x1aa: {  	v27 =	vor.u32 s10, v0;
	v26 =	vshll.u32 v26, $0x4  }
0x1ab: {  	v41 =	vmulhi.u32 $0x51EB851F, v27;
	v26 =	vadd.s32 v26, v28  }
0x1ac: {  	[tilespmem:$0xC800] =	vst v26  }
0x1ad: {  	v26 =	vshrl.u32 v41, $0x6;
	v42 =	vld [tilespmem:s5+$0xFFFFFE20]  }
0x1ae: {  	v26 =	vmul.u32 $0xC8, v26;
	_ =	sdelay $0x1  }
0x1af: {  	s14 =	sadd.s32 $0xFFFFFE30, s7;
	v26 =	vsub.s32 v27, v26  }
0x1b0: {  	v27 =	vor.u32 s14, v0;
	v26 =	vshll.u32 v26, $0x4  }
0x1b1: {  	v43 =	vmulhi.u32 $0x51EB851F, v27;
	v26 =	vadd.s32 v26, v42  }
0x1b2: {  	[tilespmem:$0xC810] =	vst v26  }
0x1b3: {  	v26 =	vshrl.u32 v43, $0x6;
	v44 =	vld [tilespmem:s5+$0xFFFFFE30]  }
0x1b4: {  	v26 =	vmul.u32 $0xC8, v26;
	_ =	sdelay $0x1  }
0x1b5: {  	s26 =	sadd.s32 $0xFFFFFE40, s7;
	v26 =	vsub.s32 v27, v26  }
0x1b6: {  	v27 =	vor.u32 s26, v0;
	v26 =	vshll.u32 v26, $0x4  }
0x1b7: {  	v45 =	vmulhi.u32 $0x51EB851F, v27;
	v26 =	vadd.s32 v26, v44  }
0x1b8: {  	[tilespmem:$0xC820] =	vst v26  }
0x1b9: {  	v26 =	vshrl.u32 v45, $0x6;
	v46 =	vld [tilespmem:s5+$0xFFFFFE40]  }
0x1ba: {  	v26 =	vmul.u32 $0xC8, v26;
	_ =	sdelay $0x1  }
0x1bb: {  	v26 =	vsub.s32 v27, v26  }
0x1bc: {  	v26 =	vshll.u32 v26, $0x4  }
0x1bd: {  	v26 =	vadd.s32 v26, v46  }
0x1be: {  	s24 =	simm.s32 $0xC800;
	s6 =	sadd.s32 $0xFFFFFE50, s7;
	[tilespmem:$0xC830] =	vst v26  }
0x1bf: {  	[tilespmem:s29], [sflag:$0x1] =	stream.indirect.gather [spmem:s3], $0x80, s24, s20, $0xb8;
	[tilespmem:$0x1CC00] =	vst v63  }
0x1c0: {  	v26 =	vor.u32 s6, v0;
	_ =	swait.ge [sflag:s2], $0x2000  }
0x1c1: {  	v27 =	vmulhi.u32 $0x51EB851F, v26;
	[sflag:s2] =	ssyncset.done $0x0  }
0x1c2: {  	[sflag:s2] =	ssyncadd.s32 $0xFFFFE000  }
0x1c3: {  	v27 =	vshrl.u32 v27, $0x6;
	v47 =	vld [tilespmem:s5+$0xFFFFFE50]  }
0x1c4: {  	v27 =	vmul.u32 $0xC8, v27;
	_ =	sdelay $0x1  }
0x1c5: {  	s10 =	sadd.s32 $0xFFFFFE60, s7;
	v26 =	vsub.s32 v26, v27  }
0x1c6: {  	v27 =	vor.u32 s10, v0;
	v26 =	vshll.u32 v26, $0x4  }
0x1c7: {  	v48 =	vmulhi.u32 $0x51EB851F, v27;
	v26 =	vadd.s32 v26, v47  }
0x1c8: {  	[tilespmem:$0xC880] =	vst v26  }
0x1c9: {  	v26 =	vshrl.u32 v48, $0x6;
	v49 =	vld [tilespmem:s5+$0xFFFFFE60]  }
0x1ca: {  	v26 =	vmul.u32 $0xC8, v26;
	_ =	sdelay $0x1  }
0x1cb: {  	s14 =	sadd.s32 $0xFFFFFE70, s7;
	v26 =	vsub.s32 v27, v26  }
0x1cc: {  	v27 =	vor.u32 s14, v0;
	v26 =	vshll.u32 v26, $0x4  }
0x1cd: {  	v50 =	vmulhi.u32 $0x51EB851F, v27;
	v26 =	vadd.s32 v26, v49  }
0x1ce: {  	[tilespmem:$0xC890] =	vst v26  }
0x1cf: {  	v26 =	vshrl.u32 v50, $0x6;
	v51 =	vld [tilespmem:s5+$0xFFFFFE70]  }
0x1d0: {  	v26 =	vmul.u32 $0xC8, v26;
	_ =	sdelay $0x1  }
0x1d1: {  	s6 =	sadd.s32 $0xFFFFFE80, s7;
	v26 =	vsub.s32 v27, v26  }
0x1d2: {  	v27 =	vor.u32 s6, v0;
	v26 =	vshll.u32 v26, $0x4  }
0x1d3: {  	v52 =	vmulhi.u32 $0x51EB851F, v27;
	v26 =	vadd.s32 v26, v51  }
0x1d4: {  	[tilespmem:$0xC8A0] =	vst v26  }
0x1d5: {  	v26 =	vshrl.u32 v52, $0x6;
	v53 =	vld [tilespmem:s5+$0xFFFFFE80]  }
0x1d6: {  	v26 =	vmul.u32 $0xC8, v26;
	_ =	sdelay $0x1  }
0x1d7: {  	v26 =	vsub.s32 v27, v26  }
0x1d8: {  	v26 =	vshll.u32 v26, $0x4  }
0x1d9: {  	v26 =	vadd.s32 v26, v53  }
0x1da: {  	s29 =	simm.s32 $0xC880;
	s10 =	sadd.s32 $0xFFFFFE90, s7;
	[tilespmem:$0xC8B0] =	vst v26  }
0x1db: {  	[tilespmem:s0], [sflag:$0x2] =	stream.indirect.gather [spmem:s3], $0x80, s29, s20, $0xb8;
	[tilespmem:$0x1CC00] =	vst v63  }
0x1dc: {  	v26 =	vor.u32 s10, v0;
	_ =	swait.ge [sflag:s18], $0x2000  }
0x1dd: {  	v27 =	vmulhi.u32 $0x51EB851F, v26;
	[sflag:s18] =	ssyncset.done $0x0  }
0x1de: {  	[sflag:s18] =	ssyncadd.s32 $0xFFFFE000  }
0x1df: {  	v27 =	vshrl.u32 v27, $0x6;
	v54 =	vld [tilespmem:s5+$0xFFFFFE90]  }
0x1e0: {  	v27 =	vmul.u32 $0xC8, v27;
	_ =	sdelay $0x1  }
0x1e1: {  	s14 =	sadd.s32 $0xFFFFFEA0, s7;
	v26 =	vsub.s32 v26, v27  }
0x1e2: {  	v27 =	vor.u32 s14, v0;
	v26 =	vshll.u32 v26, $0x4  }
0x1e3: {  	v55 =	vmulhi.u32 $0x51EB851F, v27;
	v26 =	vadd.s32 v26, v54  }
0x1e4: {  	[tilespmem:$0xC900] =	vst v26  }
0x1e5: {  	v26 =	vshrl.u32 v55, $0x6;
	v56 =	vld [tilespmem:s5+$0xFFFFFEA0]  }
0x1e6: {  	v26 =	vmul.u32 $0xC8, v26;
	_ =	sdelay $0x1  }
0x1e7: {  	s6 =	sadd.s32 $0xFFFFFEB0, s7;
	v26 =	vsub.s32 v27, v26  }
0x1e8: {  	v27 =	vor.u32 s6, v0;
	v26 =	vshll.u32 v26, $0x4  }
0x1e9: {  	v57 =	vmulhi.u32 $0x51EB851F, v27;
	v26 =	vadd.s32 v26, v56  }
0x1ea: {  	[tilespmem:$0xC910] =	vst v26  }
0x1eb: {  	v26 =	vshrl.u32 v57, $0x6;
	v58 =	vld [tilespmem:s5+$0xFFFFFEB0]  }
0x1ec: {  	v26 =	vmul.u32 $0xC8, v26;
	_ =	sdelay $0x1  }
0x1ed: {  	s10 =	sadd.s32 $0xFFFFFEC0, s7;
	v26 =	vsub.s32 v27, v26  }
0x1ee: {  	v27 =	vor.u32 s10, v0;
	v26 =	vshll.u32 v26, $0x4  }
0x1ef: {  	v59 =	vmulhi.u32 $0x51EB851F, v27;
	v26 =	vadd.s32 v26, v58  }
0x1f0: {  	[tilespmem:$0xC920] =	vst v26  }
0x1f1: {  	v26 =	vshrl.u32 v59, $0x6;
	v60 =	vld [tilespmem:s5+$0xFFFFFEC0]  }
0x1f2: {  	v26 =	vmul.u32 $0xC8, v26;
	_ =	sdelay $0x1  }
0x1f3: {  	v26 =	vsub.s32 v27, v26  }
0x1f4: {  	v26 =	vshll.u32 v26, $0x4  }
0x1f5: {  	v26 =	vadd.s32 v26, v60  }
0x1f6: {  	s0 =	simm.s32 $0xC900;
	s14 =	sadd.s32 $0xFFFFFED0, s7;
	[tilespmem:$0xC930] =	vst v26  }
0x1f7: {  	[tilespmem:s8], [sflag:$0x3] =	stream.indirect.gather [spmem:s3], $0x80, s0, s20, $0xb8;
	[tilespmem:$0x1CC00] =	vst v63  }
0x1f8: {  	v26 =	vor.u32 s14, v0;
	_ =	swait.ge [sflag:s19], $0x2000  }
0x1f9: {  	v27 =	vmulhi.u32 $0x51EB851F, v26;
	[sflag:s19] =	ssyncset.done $0x0  }
0x1fa: {  	[sflag:s19] =	ssyncadd.s32 $0xFFFFE000  }
0x1fb: {  	v27 =	vshrl.u32 v27, $0x6;
	v61 =	vld [tilespmem:s5+$0xFFFFFED0]  }
0x1fc: {  	v27 =	vmul.u32 $0xC8, v27;
	_ =	sdelay $0x1  }
0x1fd: {  	s10 =	sadd.s32 $0xFFFFFEE0, s7;
	v26 =	vsub.s32 v26, v27  }
0x1fe: {  	v27 =	vor.u32 s10, v0;
	v26 =	vshll.u32 v26, $0x4  }
0x1ff: {  	v62 =	vmulhi.u32 $0x51EB851F, v27;
	v26 =	vadd.s32 v26, v61  }
0x200: {  	[tilespmem:$0xC980] =	vst v26  }
0x201: {  	v26 =	vshrl.u32 v62, $0x6;
	v63 =	vld [tilespmem:s5+$0xFFFFFEE0]  }
0x202: {  	v26 =	vmul.u32 $0xC8, v26;
	_ =	sdelay $0x1  }
0x203: {  	s14 =	sadd.s32 $0xFFFFFEF0, s7;
	v26 =	vsub.s32 v27, v26  }
0x204: {  	v27 =	vor.u32 s14, v0;
	v26 =	vshll.u32 v26, $0x4  }
0x205: {  	v32 =	vmulhi.u32 $0x51EB851F, v27;
	v26 =	vadd.s32 v26, v63  }
0x206: {  	[tilespmem:$0xC990] =	vst v26  }
0x207: {  	v26 =	vshrl.u32 v32, $0x6;
	v33 =	vld [tilespmem:s5+$0xFFFFFEF0]  }
0x208: {  	v26 =	vmul.u32 $0xC8, v26;
	_ =	sdelay $0x1  }
0x209: {  	s10 =	sadd.s32 $0xFFFFFF00, s7;
	v26 =	vsub.s32 v27, v26  }
0x20a: {  	v27 =	vor.u32 s10, v0;
	v26 =	vshll.u32 v26, $0x4  }
0x20b: {  	v34 =	vmulhi.u32 $0x51EB851F, v27;
	v26 =	vadd.s32 v26, v33  }
0x20c: {  	[tilespmem:$0xC9A0] =	vst v26  }
0x20d: {  	v26 =	vshrl.u32 v34, $0x6;
	v35 =	vld [tilespmem:s5+$0xFFFFFF00]  }
0x20e: {  	v26 =	vmul.u32 $0xC8, v26;
	_ =	sdelay $0x1  }
0x20f: {  	v26 =	vsub.s32 v27, v26  }
0x210: {  	v26 =	vshll.u32 v26, $0x4  }
0x211: {  	v26 =	vadd.s32 v26, v35  }
0x212: {  	s8 =	simm.s32 $0xC980;
	s14 =	sadd.s32 $0xFFFFFF10, s7;
	[tilespmem:$0xC9B0] =	vst v26  }
0x213: {  	[tilespmem:s9], [sflag:$0x4] =	stream.indirect.gather [spmem:s3], $0x80, s8, s20, $0xb8;
	[tilespmem:$0x1CC00] =	vst v63  }
0x214: {  	v26 =	vor.u32 s14, v0;
	_ =	swait.ge [sflag:s21], $0x2000  }
0x215: {  	v27 =	vmulhi.u32 $0x51EB851F, v26;
	[sflag:s21] =	ssyncset.done $0x0  }
0x216: {  	[sflag:s21] =	ssyncadd.s32 $0xFFFFE000  }
0x217: {  	v27 =	vshrl.u32 v27, $0x6;
	v36 =	vld [tilespmem:s5+$0xFFFFFF10]  }
0x218: {  	v27 =	vmul.u32 $0xC8, v27;
	_ =	sdelay $0x1  }
0x219: {  	s9 =	sadd.s32 $0xFFFFFF20, s7;
	v26 =	vsub.s32 v26, v27  }
0x21a: {  	v27 =	vor.u32 s9, v0;
	v26 =	vshll.u32 v26, $0x4  }
0x21b: {  	v37 =	vmulhi.u32 $0x51EB851F, v27;
	v26 =	vadd.s32 v26, v36  }
0x21c: {  	[tilespmem:$0xCA00] =	vst v26  }
0x21d: {  	v26 =	vshrl.u32 v37, $0x6;
	v38 =	vld [tilespmem:s5+$0xFFFFFF20]  }
0x21e: {  	v26 =	vmul.u32 $0xC8, v26;
	_ =	sdelay $0x1  }
0x21f: {  	s14 =	sadd.s32 $0xFFFFFF30, s7;
	v26 =	vsub.s32 v27, v26  }
0x220: {  	v27 =	vor.u32 s14, v0;
	v26 =	vshll.u32 v26, $0x4  }
0x221: {  	v39 =	vmulhi.u32 $0x51EB851F, v27;
	v26 =	vadd.s32 v26, v38  }
0x222: {  	[tilespmem:$0xCA10] =	vst v26  }
0x223: {  	v26 =	vshrl.u32 v39, $0x6;
	v40 =	vld [tilespmem:s5+$0xFFFFFF30]  }
0x224: {  	v26 =	vmul.u32 $0xC8, v26;
	_ =	sdelay $0x1  }
0x225: {  	s9 =	sadd.s32 $0xFFFFFF40, s7;
	v26 =	vsub.s32 v27, v26  }
0x226: {  	v27 =	vor.u32 s9, v0;
	v26 =	vshll.u32 v26, $0x4  }
0x227: {  	v41 =	vmulhi.u32 $0x51EB851F, v27;
	v26 =	vadd.s32 v26, v40  }
0x228: {  	[tilespmem:$0xCA20] =	vst v26  }
0x229: {  	v26 =	vshrl.u32 v41, $0x6;
	v42 =	vld [tilespmem:s5+$0xFFFFFF40]  }
0x22a: {  	v26 =	vmul.u32 $0xC8, v26;
	_ =	sdelay $0x1  }
0x22b: {  	v26 =	vsub.s32 v27, v26  }
0x22c: {  	v26 =	vshll.u32 v26, $0x4  }
0x22d: {  	v26 =	vadd.s32 v26, v42  }
0x22e: {  	s22 =	sadd.s32 $0xFFFFFF50, s7;
	s14 =	simm.s32 $0xCA00;
	[tilespmem:$0xCA30] =	vst v26  }
0x22f: {  	[tilespmem:s11], [sflag:$0x5] =	stream.indirect.gather [spmem:s3], $0x80, s14, s20, $0xb8;
	[tilespmem:$0x1CC00] =	vst v63  }
0x230: {  	v26 =	vor.u32 s22, v0;
	_ =	swait.ge [sflag:s23], $0x2000  }
0x231: {  	v27 =	vmulhi.u32 $0x51EB851F, v26;
	[sflag:s23] =	ssyncset.done $0x0  }
0x232: {  	[sflag:s23] =	ssyncadd.s32 $0xFFFFE000  }
0x233: {  	v27 =	vshrl.u32 v27, $0x6;
	v43 =	vld [tilespmem:s5+$0xFFFFFF50]  }
0x234: {  	v27 =	vmul.u32 $0xC8, v27;
	_ =	sdelay $0x1  }
0x235: {  	s11 =	sadd.s32 $0xFFFFFF60, s7;
	v26 =	vsub.s32 v26, v27  }
0x236: {  	v27 =	vor.u32 s11, v0;
	v26 =	vshll.u32 v26, $0x4  }
0x237: {  	v44 =	vmulhi.u32 $0x51EB851F, v27;
	v26 =	vadd.s32 v26, v43  }
0x238: {  	[tilespmem:$0xCA80] =	vst v26  }
0x239: {  	v26 =	vshrl.u32 v44, $0x6;
	v45 =	vld [tilespmem:s5+$0xFFFFFF60]  }
0x23a: {  	v26 =	vmul.u32 $0xC8, v26;
	_ =	sdelay $0x1  }
0x23b: {  	s14 =	sadd.s32 $0xFFFFFF70, s7;
	v26 =	vsub.s32 v27, v26  }
0x23c: {  	v27 =	vor.u32 s14, v0;
	v26 =	vshll.u32 v26, $0x4  }
0x23d: {  	v46 =	vmulhi.u32 $0x51EB851F, v27;
	v26 =	vadd.s32 v26, v45  }
0x23e: {  	[tilespmem:$0xCA90] =	vst v26  }
0x23f: {  	v26 =	vshrl.u32 v46, $0x6;
	v47 =	vld [tilespmem:s5+$0xFFFFFF70]  }
0x240: {  	v26 =	vmul.u32 $0xC8, v26;
	_ =	sdelay $0x1  }
0x241: {  	s11 =	sadd.s32 $0xFFFFFF80, s7;
	v26 =	vsub.s32 v27, v26  }
0x242: {  	v27 =	vor.u32 s11, v0;
	v26 =	vshll.u32 v26, $0x4  }
0x243: {  	v48 =	vmulhi.u32 $0x51EB851F, v27;
	v26 =	vadd.s32 v26, v47  }
0x244: {  	[tilespmem:$0xCAA0] =	vst v26  }
0x245: {  	v26 =	vshrl.u32 v48, $0x6;
	v49 =	vld [tilespmem:s5+$0xFFFFFF80]  }
0x246: {  	v26 =	vmul.u32 $0xC8, v26;
	_ =	sdelay $0x1  }
0x247: {  	v26 =	vsub.s32 v27, v26  }
0x248: {  	v26 =	vshll.u32 v26, $0x4  }
0x249: {  	v26 =	vadd.s32 v26, v49  }
0x24a: {  	s22 =	sadd.s32 $0xFFFFFF90, s7;
	s14 =	simm.s32 $0xCA80;
	[tilespmem:$0xCAB0] =	vst v26  }
0x24b: {  	[tilespmem:s12], [sflag:$0x6] =	stream.indirect.gather [spmem:s3], $0x80, s14, s20, $0xb8;
	[tilespmem:$0x1CC00] =	vst v63  }
0x24c: {  	v26 =	vor.u32 s22, v0;
	_ =	swait.ge [sflag:s25], $0x2000  }
0x24d: {  	v27 =	vmulhi.u32 $0x51EB851F, v26;
	[sflag:s25] =	ssyncset.done $0x0  }
0x24e: {  	[sflag:s25] =	ssyncadd.s32 $0xFFFFE000  }
0x24f: {  	v27 =	vshrl.u32 v27, $0x6;
	v50 =	vld [tilespmem:s5+$0xFFFFFF90]  }
0x250: {  	v27 =	vmul.u32 $0xC8, v27;
	_ =	sdelay $0x1  }
0x251: {  	s12 =	sadd.s32 $0xFFFFFFA0, s7;
	v26 =	vsub.s32 v26, v27  }
0x252: {  	v27 =	vor.u32 s12, v0;
	v26 =	vshll.u32 v26, $0x4  }
0x253: {  	v51 =	vmulhi.u32 $0x51EB851F, v27;
	v26 =	vadd.s32 v26, v50  }
0x254: {  	[tilespmem:$0xCB00] =	vst v26  }
0x255: {  	v26 =	vshrl.u32 v51, $0x6;
	v52 =	vld [tilespmem:s5+$0xFFFFFFA0]  }
0x256: {  	v26 =	vmul.u32 $0xC8, v26;
	_ =	sdelay $0x1  }
0x257: {  	s14 =	sadd.s32 $0xFFFFFFB0, s7;
	v26 =	vsub.s32 v27, v26  }
0x258: {  	v27 =	vor.u32 s14, v0;
	v26 =	vshll.u32 v26, $0x4  }
0x259: {  	v53 =	vmulhi.u32 $0x51EB851F, v27;
	v26 =	vadd.s32 v26, v52  }
0x25a: {  	[tilespmem:$0xCB10] =	vst v26  }
0x25b: {  	v26 =	vshrl.u32 v53, $0x6;
	v54 =	vld [tilespmem:s5+$0xFFFFFFB0]  }
0x25c: {  	v26 =	vmul.u32 $0xC8, v26;
	_ =	sdelay $0x1  }
0x25d: {  	s12 =	sadd.s32 $0xFFFFFFC0, s7;
	v26 =	vsub.s32 v27, v26  }
0x25e: {  	v27 =	vor.u32 s12, v0;
	v26 =	vshll.u32 v26, $0x4  }
0x25f: {  	v55 =	vmulhi.u32 $0x51EB851F, v27;
	v26 =	vadd.s32 v26, v54  }
0x260: {  	[tilespmem:$0xCB20] =	vst v26  }
0x261: {  	v26 =	vshrl.u32 v55, $0x6;
	v56 =	vld [tilespmem:s5+$0xFFFFFFC0]  }
0x262: {  	v26 =	vmul.u32 $0xC8, v26;
	_ =	sdelay $0x1  }
0x263: {  	v26 =	vsub.s32 v27, v26  }
0x264: {  	v26 =	vshll.u32 v26, $0x4  }
0x265: {  	v26 =	vadd.s32 v26, v56  }
0x266: {  	s22 =	sadd.s32 $0xFFFFFFD0, s7;
	s14 =	simm.s32 $0xCB00;
	[tilespmem:$0xCB30] =	vst v26  }
0x267: {  	[tilespmem:s13], [sflag:$0x7] =	stream.indirect.gather [spmem:s3], $0x80, s14, s20, $0xb8;
	[tilespmem:$0x1CC00] =	vst v63  }
0x268: {  	v26 =	vor.u32 s22, v0;
	_ =	swait.ge [sflag:s28], $0x2000  }
0x269: {  	v27 =	vmulhi.u32 $0x51EB851F, v26;
	[sflag:s28] =	ssyncset.done $0x0  }
0x26a: {  	[sflag:s28] =	ssyncadd.s32 $0xFFFFE000  }
0x26b: {  	v27 =	vshrl.u32 v27, $0x6;
	v57 =	vld [tilespmem:s5+$0xFFFFFFD0]  }
0x26c: {  	v27 =	vmul.u32 $0xC8, v27;
	_ =	sdelay $0x1  }
0x26d: {  	s13 =	sadd.s32 $0xFFFFFFE0, s7;
	v26 =	vsub.s32 v26, v27  }
0x26e: {  	v27 =	vor.u32 s13, v0;
	v26 =	vshll.u32 v26, $0x4  }
0x26f: {  	v58 =	vmulhi.u32 $0x51EB851F, v27;
	v26 =	vadd.s32 v26, v57  }
0x270: {  	[tilespmem:$0xCB80] =	vst v26  }
0x271: {  	v26 =	vshrl.u32 v58, $0x6;
	v59 =	vld [tilespmem:s5+$0xFFFFFFE0]  }
0x272: {  	v26 =	vmul.u32 $0xC8, v26;
	_ =	sdelay $0x1  }
0x273: {  	s14 =	sadd.s32 $0xFFFFFFF0, s7;
	v26 =	vsub.s32 v27, v26  }
0x274: {  	v27 =	vor.u32 s14, v0;
	v26 =	vshll.u32 v26, $0x4  }
0x275: {  	v60 =	vmulhi.u32 $0x51EB851F, v27;
	v26 =	vadd.s32 v26, v59  }
0x276: {  	[tilespmem:$0xCB90] =	vst v26  }
0x277: {  	v26 =	vshrl.u32 v60, $0x6;
	v61 =	vld [tilespmem:s5+$0xFFFFFFF0]  }
0x278: {  	v26 =	vmul.u32 $0xC8, v26;
	_ =	sdelay $0x1  }
0x279: {  	v26 =	vsub.s32 v27, v26  }
0x27a: {  	v27 =	vor.u32 s7, v0;
	v26 =	vshll.u32 v26, $0x4  }
0x27b: {  	v62 =	vmulhi.u32 $0x51EB851F, v27;
	v26 =	vadd.s32 v26, v61  }
0x27c: {  	[tilespmem:$0xCBA0] =	vst v26  }
0x27d: {  	v26 =	vshrl.u32 v62, $0x6;
	v63 =	vld [tilespmem:s5+$0x0]  }
0x27e: {  	p0 =	sne.s32 s30, $0x63F0;
	v26 =	vmul.u32 $0xC8, v26  }
.Ltmp0:
0x27f: {  	_ = 	snop;
	(pc) =	sbr.rel @p0 .LBB2_2-.Ltmp0, $4  }
0x280: {  	s30 =	sadd.s32 $0x200, s30;
	v26 =	vsub.s32 v27, v26  }
0x281: {  	s31 =	simm.s32 $0xEC00;
	s1 =	sadd.s32 $0x2000, s1;
	s26 =	simm.s32 $0xCC00;
	v26 =	vshll.u32 v26, $0x4  }
0x282: {  	s6 =	simm.s32 $0x10C00;
	s10 =	simm.s32 $0x12C00;
	s9 =	simm.s32 $0x14C00;
	v26 =	vadd.s32 v26, v63  }
0x283: {  	s11 =	simm.s32 $0x16C00;
	s12 =	simm.s32 $0x18C00;
	s5 =	sadd.s32 $0x200, s5;
	[tilespmem:$0xCBB0] =	vst v26  }
0x284: {  	s1 =	simm.s32 $0xCB80;
	s5 =	simm.s32 $0x1AC00;
	s14 =	simm.s32 $0x1  }
0x285: {  	[tilespmem:s5], [sflag:$0x8] =	stream.indirect.gather [spmem:s3], $0x80, s1, s20, $0xb8;
	[tilespmem:$0x1CC00] =	vst v63  }
0x286: {  	_ =	swait.ge [sflag:s14], $0x2000  }
0x287: {  	[sflag:s14] =	ssyncset.done $0x0  }
0x288: {  	s22 =	rddreg [dreg:$0x9];
	[sflag:s14] =	ssyncadd.s32 $0xFFFFE000  }
0x289: {  	[hbm4b:s22+s4] =	stream.linear.scatter [tilespmem:s26], [sflag:$0x9], $0x2000, $0x38;
	[tilespmem:$0x1CC00] =	vst v63  }
0x28a: {  	s26 =	simm.s32 $0x2  }
0x28b: {  	_ =	swait.ge [sflag:s26], $0x2000  }
0x28c: {  	[sflag:s26] =	ssyncset.done $0x0  }
0x28d: {  	s13 =	simm.s32 $0x3;
	s7 =	rddreg [dreg:$0xa];
	[sflag:s26] =	ssyncadd.s32 $0xFFFFE000  }
0x28e: {  	[hbm4b:s7+s4] =	stream.linear.scatter [tilespmem:s31], [sflag:$0xA], $0x2000, $0x38;
	[tilespmem:$0x1CC00] =	vst v63  }
0x28f: {  	_ =	swait.ge [sflag:s13], $0x2000  }
0x290: {  	[sflag:s13] =	ssyncset.done $0x0  }
0x291: {  	s22 =	simm.s32 $0x4;
	s14 =	rddreg [dreg:$0xb];
	[sflag:s13] =	ssyncadd.s32 $0xFFFFE000  }
0x292: {  	[hbm4b:s14+s4] =	stream.linear.scatter [tilespmem:s6], [sflag:$0xB], $0x2000, $0x38;
	[tilespmem:$0x1CC00] =	vst v63  }
0x293: {  	_ =	swait.ge [sflag:s22], $0x2000  }
0x294: {  	[sflag:s22] =	ssyncset.done $0x0  }
0x295: {  	s6 =	simm.s32 $0x5;
	s26 =	rddreg [dreg:$0xc];
	[sflag:s22] =	ssyncadd.s32 $0xFFFFE000  }
0x296: {  	[hbm4b:s26+s4] =	stream.linear.scatter [tilespmem:s10], [sflag:$0xC], $0x2000, $0x38;
	[tilespmem:$0x1CC00] =	vst v63  }
0x297: {  	_ =	swait.ge [sflag:s6], $0x2000  }
0x298: {  	[sflag:s6] =	ssyncset.done $0x0  }
0x299: {  	s7 =	rddreg [dreg:$0xd];
	[sflag:s6] =	ssyncadd.s32 $0xFFFFE000  }
0x29a: {  	[hbm4b:s7+s4] =	stream.linear.scatter [tilespmem:s9], [sflag:$0xD], $0x2000, $0x38;
	[tilespmem:$0x1CC00] =	vst v63  }
0x29b: {  	s9 =	simm.s32 $0x6  }
0x29c: {  	_ =	swait.ge [sflag:s9], $0x2000  }
0x29d: {  	[sflag:s9] =	ssyncset.done $0x0  }
0x29e: {  	s10 =	rddreg [dreg:$0xe];
	[sflag:s9] =	ssyncadd.s32 $0xFFFFE000  }
0x29f: {  	[hbm4b:s10+s4] =	stream.linear.scatter [tilespmem:s11], [sflag:$0xE], $0x2000, $0x38;
	[tilespmem:$0x1CC00] =	vst v63  }
0x2a0: {  	_ =	swait.ge [sflag:s15], $0x2000  }
0x2a1: {  	[sflag:s15] =	ssyncset.done $0x0  }
0x2a2: {  	s13 =	rddreg [dreg:$0xf];
	[sflag:s15] =	ssyncadd.s32 $0xFFFFE000  }
0x2a3: {  	[hbm4b:s13+s4] =	stream.linear.scatter [tilespmem:s12], [sflag:$0xF], $0x2000, $0x38;
	[tilespmem:$0x1CC00] =	vst v63  }
0x2a4: {  	_ =	swait.ge [sflag:s16], $0x2000  }
0x2a5: {  	[sflag:s16] =	ssyncset.done $0x0  }
0x2a6: {  	s14 =	rddreg [dreg:$0x10];
	[sflag:s16] =	ssyncadd.s32 $0xFFFFE000  }
0x2a7: {  	[hbm4b:s14+s4] =	stream.linear.scatter [tilespmem:s5], [sflag:$0x10], $0x2000, $0x38;
	[tilespmem:$0x1CC00] =	vst v63  }
0x2a8: {  	_ =	swait.ge [sflag:s17], $0x2000  }
0x2a9: {  	[sflag:s17] =	ssyncset.done $0x0  }
0x2aa: {  	[sflag:s17] =	ssyncadd.s32 $0xFFFFE000  }
0x2ab: {  	_ =	swait.ge [sflag:s2], $0x2000  }
0x2ac: {  	[sflag:s2] =	ssyncset.done $0x0  }
0x2ad: {  	[sflag:s2] =	ssyncadd.s32 $0xFFFFE000  }
0x2ae: {  	_ =	swait.ge [sflag:s18], $0x2000  }
0x2af: {  	[sflag:s18] =	ssyncset.done $0x0  }
0x2b0: {  	[sflag:s18] =	ssyncadd.s32 $0xFFFFE000  }
0x2b1: {  	_ =	swait.ge [sflag:s19], $0x2000  }
0x2b2: {  	[sflag:s19] =	ssyncset.done $0x0  }
0x2b3: {  	[sflag:s19] =	ssyncadd.s32 $0xFFFFE000  }
0x2b4: {  	_ =	swait.ge [sflag:s21], $0x2000  }
0x2b5: {  	[sflag:s21] =	ssyncset.done $0x0  }
0x2b6: {  	[sflag:s21] =	ssyncadd.s32 $0xFFFFE000  }
0x2b7: {  	_ =	swait.ge [sflag:s23], $0x2000  }
0x2b8: {  	[sflag:s23] =	ssyncset.done $0x0  }
0x2b9: {  	[sflag:s23] =	ssyncadd.s32 $0xFFFFE000  }
0x2ba: {  	_ =	swait.ge [sflag:s25], $0x2000  }
0x2bb: {  	[sflag:s25] =	ssyncset.done $0x0  }
0x2bc: {  	[sflag:s25] =	ssyncadd.s32 $0xFFFFE000  }
0x2bd: {  	_ =	swait.ge [sflag:s28], $0x2000  }
0x2be: {  	s22 =	rddreg [dreg:$0x13]  }
0x2bf: {  	s26 =	rddreg [dreg:$0x11];
	s5 =	sadd.s32 $0x1, s22  }
0x2c0: {  	p0 =	sne.s32 s5, s26  }
.Ltmp1:
0x2c1: {  	_ = 	snop;
	(pc) =	sbr.rel @p0 .LBB2_1-.Ltmp1, $3  }
0x2c2: {  	_ =	sdelay $0x1  }
0x2c3: {  	s30 =	simm.s32 $0xCA80;
	[sflag:s28] =	ssyncset.done $0x0  }
0x2c4: {  	s31 =	simm.s32 $0xCB00;
	s10 =	simm.s32 $0xCA00;
	[sflag:s28] =	ssyncadd.s32 $0xFFFFE000  }
0x2c5: {  	_ =	sfence.sel $0x180000  }
0x2c6: {  	[bflag:$0x0] =	sbarrier.arrive $0xFFFF  }
0x2c7: {  	_ =	strace $0x90000047  }
0x2c8: {  	s0 =	stileid.u32;
	[bflag:$0x2] =	sbarrier.arrive $0xFFFF  }
0x2c9: {  	p0 =	sne.s32 s0, $0x0;
	s0 =	rddreg [dreg:$0x3]  }
0x2ca: {  	s0 =	sadd.s32 @!p0 $0x100000, s0  }
0x2cb: {  	[sflag:s0] =	ssyncadd.tile.s32 @!p0 $0x1;
	_ =	shalt  }
.Lfunc_end2:
_tile_overlayer_lowered:
.L_overlay_start_2:
0x2cc: {  	(tag) =	ssettag $0x2  }
0x2cd: {  	s0 =	rddreg [dreg:$0x0];
	s2 =	stileid.u32  }
0x2ce: {  	s1 =	rddreg [dreg:$0x1];
	p0 =	sne.s32 s2, $0x0  }
0x2cf: {  	s3 =	rddreg [dreg:$0x2];
	[bflag:$0x3] =	sbarrier.arrive $0xFFFF;
	s2 =	simm.s32 @!p0 $0x1C12  }
0x2d0: {  	[timem:s3], [sflag:s2] =	dma.local @!p0 [hbm:s0], s1  }
0x2d1: {  	s0 =	simm.s32 @!p0 $0x12  }
0x2d2: {  	_ =	swait.ge @!p0 [sflag:s0], s1  }
0x2d3: {  	s1 =	ssub.s32 @!p0 $0x0, s1;
	[sflag:s0] =	ssyncset.done @!p0 $0x0  }
0x2d4: {  	[sflag:s0] =	ssyncadd.s32 @!p0 s1  }
0x2d5: {  	[bflag:$0x3] =	sbarrier.arrive $0xFFFF  }
0x2d6: {  	_ =	shalt  }

</sc_bundles>
